<compile_context>
chip_gen: v7x
topology: tpu7x:2x2x1
jax: 0.10.2.dev20260603
libtpu: 0.0.44.dev20260713+nightly
codegen_flags: <defaults>
</compile_context>

<pallas_src>
import functools

import jax
import jax.numpy as jnp
from jax import lax
from jax.experimental import pallas as pl
from jax.experimental.pallas import tpu as pltpu
from jax.experimental.pallas import tpu_sc as plsc

B, H, W, C = 4, 224, 224, 96
CH, CW = 7, 7
NBOX = 4000
NPAD = 4096
BOX_PER_TILE = 128
NG = BOX_PER_TILE // 16
NPIX = CH * CW
NENT = NPIX * 4
HALF = NENT // 2
OUTROW = NPIX * C
TBL = B * H * W
NC = 2


def _roialign_sc(images_flat, boxes_t):
    mesh = plsc.VectorSubcoreMesh(core_axis_name="c", subcore_axis_name="s")

    @functools.partial(
        pl.kernel,
        mesh=mesh,
        compiler_params=pltpu.CompilerParams(use_tc_tiling_on_sc=False, needs_layout_passes=False),
        out_type=jax.ShapeDtypeStruct((NBOX, OUTROW), jnp.float32),
        scratch_types=[
            pltpu.VMEM((16,), jnp.float32),
            pltpu.VMEM((16,), jnp.float32),
            pltpu.VMEM((16,), jnp.float32),
            pltpu.VMEM((16,), jnp.float32),
            pltpu.VMEM((CH * 16,), jnp.int32),
            pltpu.VMEM((CH * 16,), jnp.int32),
            pltpu.VMEM((CH * 16,), jnp.float32),
            pltpu.VMEM((CH * 16,), jnp.float32),
            pltpu.VMEM((CW * 16,), jnp.int32),
            pltpu.VMEM((CW * 16,), jnp.int32),
            pltpu.VMEM((CW * 16,), jnp.float32),
            pltpu.VMEM((CW * 16,), jnp.float32),
            pltpu.VMEM((BOX_PER_TILE * 2, HALF), jnp.int32),
            pltpu.VMEM((BOX_PER_TILE * NENT,), jnp.float32),
            pltpu.VMEM((NENT, C), jnp.float32),
            pltpu.VMEM((NENT, C), jnp.float32),
            pltpu.VMEM((OUTROW,), jnp.float32),
            pltpu.SemaphoreType.DMA,
            pltpu.SemaphoreType.DMA,
        ],
    )
    def k(tbl, boxt, out, y1b, x1b, y2b, x2b, tbs, bbs, yls, vys,
          lls, rrs, xls, vxs, idx2d, wts, rows0, rows1, stage, sem_a, sem_b):
        wid = lax.axis_index("s") * NC + lax.axis_index("c")
        base = wid * BOX_PER_TILE
        lanes = lax.iota(jnp.int32, 16)

        def group_body(g, _):
            gstart = base + g * 16
            pltpu.sync_copy(boxt.at[0, pl.ds(gstart, 16)], y1b)
            pltpu.sync_copy(boxt.at[1, pl.ds(gstart, 16)], x1b)
            pltpu.sync_copy(boxt.at[2, pl.ds(gstart, 16)], y2b)
            pltpu.sync_copy(boxt.at[3, pl.ds(gstart, 16)], x2b)
            y1 = y1b[...]
            x1 = x1b[...]
            y2 = y2b[...]
            x2 = x2b[...]
            hs = (y2 - y1) * float(H - 1) / float(CH - 1)
            ws_ = (x2 - x1) * float(W - 1) / float(CW - 1)
            bi = jnp.minimum((gstart + lanes) // 1000, B - 1)
            bibase = bi * (H * W)

            def k_body(kk, _):
                fk = kk.astype(jnp.float32)
                off = kk * 16 + lanes
                in_y = y1 * float(H - 1) + fk * hs
                vyf = jnp.where((in_y >= 0.0) & (in_y <= float(H - 1)), 1.0, 0.0)
                yc = jnp.clip(in_y, 0.0, float(H - 1))
                top = yc.astype(jnp.int32)
                bot = jnp.minimum(top + 1, H - 1)
                plsc.store_scatter(tbs, [off], bibase + top * W)
                plsc.store_scatter(bbs, [off], bibase + bot * W)
                plsc.store_scatter(yls, [off], yc - top.astype(jnp.float32))
                plsc.store_scatter(vys, [off], vyf)
                in_x = x1 * float(W - 1) + fk * ws_
                vxf = jnp.where((in_x >= 0.0) & (in_x <= float(W - 1)), 1.0, 0.0)
                xc = jnp.clip(in_x, 0.0, float(W - 1))
                lef = xc.astype(jnp.int32)
                rig = jnp.minimum(lef + 1, W - 1)
                plsc.store_scatter(lls, [off], lef)
                plsc.store_scatter(rrs, [off], rig)
                plsc.store_scatter(xls, [off], xc - lef.astype(jnp.float32))
                plsc.store_scatter(vxs, [off], vxf)
                return 0

            lax.fori_loop(0, CH, k_body, 0)
            lbv = g * 16 + lanes
            wbase = lbv * NENT
            rowb = lbv * 2

            def p_body(p, _):
                i = p // CW
                j = p - i * CW
                oy = i * 16 + lanes
                ox = j * 16 + lanes
                tb = plsc.load_gather(tbs, [oy])
                bb = plsc.load_gather(bbs, [oy])
                ylv = plsc.load_gather(yls, [oy])
                vyv = plsc.load_gather(vys, [oy])
                lv = plsc.load_gather(lls, [ox])
                rv = plsc.load_gather(rrs, [ox])
                xlv = plsc.load_gather(xls, [ox])
                vxv = plsc.load_gather(vxs, [ox])
                vv = vyv * vxv
                omy = 1.0 - ylv
                omx = 1.0 - xlv
                pairs = (
                    (tb + lv, omy * omx * vv),
                    (tb + rv, omy * xlv * vv),
                    (bb + lv, ylv * omx * vv),
                    (bb + rv, ylv * xlv * vv),
                )
                e0 = p * 4
                for cc, (iv, wv) in enumerate(pairs):
                    e = e0 + cc
                    er = e // HALF
                    ec = e - er * HALF
                    plsc.store_scatter(
                        idx2d, [rowb + er, jnp.full((16,), ec, jnp.int32)], iv)
                    plsc.store_scatter(wts, [wbase + e], wv)
                return 0

            lax.fori_loop(0, NPIX, p_body, 0)
            return 0

        lax.fori_loop(0, NG, group_body, 0)

        def fire(lb, rbuf, sem):
            row = lb * 2
            pltpu.async_copy(tbl.at[idx2d.at[row]], rbuf.at[pl.ds(0, HALF)], sem)
            pltpu.async_copy(tbl.at[idx2d.at[row + 1]], rbuf.at[pl.ds(HALF, HALF)], sem)

        def drain(rbuf, sem):
            pltpu.make_async_copy(tbl.at[idx2d.at[0]], rbuf.at[pl.ds(0, HALF)], sem).wait()
            pltpu.make_async_copy(tbl.at[idx2d.at[0]], rbuf.at[pl.ds(HALF, HALF)], sem).wait()

        def compute(lb, rbuf):
            gbox = base + lb

            @pl.when(gbox < NBOX)
            def _():
                wb = lb * NENT

                def pix(p, _):
                    w4 = wb + p * 4
                    wtl = plsc.load_gather(wts, [jnp.full((16,), w4, jnp.int32)])
                    wtr = plsc.load_gather(wts, [jnp.full((16,), w4 + 1, jnp.int32)])
                    wbl = plsc.load_gather(wts, [jnp.full((16,), w4 + 2, jnp.int32)])
                    wbr = plsc.load_gather(wts, [jnp.full((16,), w4 + 3, jnp.int32)])
                    r0 = p * 4
                    sb = p * C
                    for ch in range(C // 16):
                        col = ch * 16 + lanes
                        tlv = plsc.load_gather(rbuf, [jnp.full((16,), r0, jnp.int32), col])
                        trv = plsc.load_gather(rbuf, [jnp.full((16,), r0 + 1, jnp.int32), col])
                        blv = plsc.load_gather(rbuf, [jnp.full((16,), r0 + 2, jnp.int32), col])
                        brv = plsc.load_gather(rbuf, [jnp.full((16,), r0 + 3, jnp.int32), col])
                        acc = wtl * tlv + wtr * trv + wbl * blv + wbr * brv
                        plsc.store_scatter(stage, [sb + ch * 16 + lanes], acc)
                    return 0

                lax.fori_loop(0, NPIX, pix, 0)
                pltpu.sync_copy(stage, out.at[gbox])

        fire(0, rows0, sem_a)

        def ring(gq, _):
            lb0 = gq * 2
            fire(lb0 + 1, rows1, sem_b)
            drain(rows0, sem_a)
            compute(lb0, rows0)

            @pl.when(lb0 + 2 < BOX_PER_TILE)
            def _():
                fire(lb0 + 2, rows0, sem_a)

            drain(rows1, sem_b)
            compute(lb0 + 1, rows1)
            return 0

        lax.fori_loop(0, BOX_PER_TILE // 2, ring, 0)

    return k(images_flat, boxes_t)


def kernel(images, boxes):
    images_flat = images.reshape(TBL, C)
    flat_boxes = boxes.reshape(-1, 4)
    boxes_t = jnp.pad(flat_boxes, ((0, NPAD - NBOX), (0, 0))).T
    out = _roialign_sc(images_flat, boxes_t)
    return out.reshape(NBOX, CH, CW, C)

# --- scband reference (transcript-rebuilt; emitter-appended) ---
"""Pipeline reference for scband-roialign-layer-30777735643364 (READ-ONLY COPY).

The authoritative reference and input builder live on the scoring server;
editing this copy changes nothing except your own understanding.
"""

import jax, jax.numpy as jnp
import numpy as np

CROP_H, CROP_W = 7, 7


def setup_inputs(seed: int = 0) -> dict:
    key = jax.random.key(seed)
    k1, k2 = jax.random.split(key)
    images = jax.random.normal(k1, (4, 224, 224, 96), dtype=jnp.float32)
    boxes = jax.random.uniform(k2, (4, 1000, 4), dtype=jnp.float32)
    return {"images": images, "boxes": boxes}


def _crop_and_resize(images, boxes, box_indices, crop_h, crop_w, extrapolation_value=0.0):
    # Faithful reimplementation of tf.image.crop_and_resize (bilinear, extrapolation_value=0)
    H = images.shape[1]
    W = images.shape[2]
    y1 = boxes[:, 0]
    x1 = boxes[:, 1]
    y2 = boxes[:, 2]
    x2 = boxes[:, 3]
    if crop_h > 1:
        hs = (y2 - y1) * (H - 1) / (crop_h - 1)
        in_y = y1[:, None] * (H - 1) + jnp.arange(crop_h, dtype=jnp.float32)[None, :] * hs[:, None]
    else:
        in_y = 0.5 * (y1 + y2)[:, None] * (H - 1) + jnp.zeros((1, crop_h), dtype=jnp.float32)
    if crop_w > 1:
        ws = (x2 - x1) * (W - 1) / (crop_w - 1)
        in_x = x1[:, None] * (W - 1) + jnp.arange(crop_w, dtype=jnp.float32)[None, :] * ws[:, None]
    else:
        in_x = 0.5 * (x1 + x2)[:, None] * (W - 1) + jnp.zeros((1, crop_w), dtype=jnp.float32)
    valid_y = (in_y >= 0.0) & (in_y <= H - 1.0)
    valid_x = (in_x >= 0.0) & (in_x <= W - 1.0)
    in_y_c = jnp.clip(in_y, 0.0, H - 1.0)
    in_x_c = jnp.clip(in_x, 0.0, W - 1.0)
    top = jnp.floor(in_y_c).astype(jnp.int32)
    bottom = jnp.minimum(top + 1, H - 1)
    y_lerp = in_y_c - top.astype(jnp.float32)
    left = jnp.floor(in_x_c).astype(jnp.int32)
    right = jnp.minimum(left + 1, W - 1)
    x_lerp = in_x_c - left.astype(jnp.float32)
    bi = box_indices[:, None, None]
    tl = images[bi, top[:, :, None], left[:, None, :], :]
    tr = images[bi, top[:, :, None], right[:, None, :], :]
    bl = images[bi, bottom[:, :, None], left[:, None, :], :]
    br = images[bi, bottom[:, :, None], right[:, None, :], :]
    xl = x_lerp[:, None, :, None]
    top_v = tl + (tr - tl) * xl
    bot_v = bl + (br - bl) * xl
    out = top_v + (bot_v - top_v) * y_lerp[:, :, None, None]
    mask = (valid_y[:, :, None] & valid_x[:, None, :])[:, :, :, None]
    return jnp.where(mask, out, extrapolation_value)


def reference(images, boxes):
    # tf_batch_frame_to_boxes: flatten [B, N, 4] -> [B*N, 4] with per-box batch indices
    B = images.shape[0]
    nb = boxes.shape[1]
    box_indices = jnp.repeat(jnp.arange(B, dtype=jnp.int32), nb)
    flat_boxes = boxes.reshape(-1, 4)
    return _crop_and_resize(images, flat_boxes, box_indices, CROP_H, CROP_W)

if __name__ == "__main__":
    import jax
    _d = setup_inputs()
    print(jax.jit(kernel)(*tuple(_d.values())))

</pallas_src>

<mosaic_0001>
#map = affine_map<(d0, d1) -> (0, 0)>
module attributes {stable_mosaic.version = 14 : i64} {
  func.func @k(%arg0: i32, %arg1: i32, %arg2: memref<200704x96xf32, #tpu.memory_space<hbm>>, %arg3: memref<4x4096xf32, #tpu.memory_space<hbm>>, %arg4: memref<4000x4704xf32, #tpu.memory_space<hbm>>, %arg5: memref<16xf32, #tpu.memory_space<vmem>>, %arg6: memref<16xf32, #tpu.memory_space<vmem>>, %arg7: memref<16xf32, #tpu.memory_space<vmem>>, %arg8: memref<16xf32, #tpu.memory_space<vmem>>, %arg9: memref<112xi32, #tpu.memory_space<vmem>>, %arg10: memref<112xi32, #tpu.memory_space<vmem>>, %arg11: memref<112xf32, #tpu.memory_space<vmem>>, %arg12: memref<112xf32, #tpu.memory_space<vmem>>, %arg13: memref<112xi32, #tpu.memory_space<vmem>>, %arg14: memref<112xi32, #tpu.memory_space<vmem>>, %arg15: memref<112xf32, #tpu.memory_space<vmem>>, %arg16: memref<112xf32, #tpu.memory_space<vmem>>, %arg17: memref<256x98xi32, #tpu.memory_space<vmem>>, %arg18: memref<25088xf32, #tpu.memory_space<vmem>>, %arg19: memref<196x96xf32, #tpu.memory_space<vmem>>, %arg20: memref<196x96xf32, #tpu.memory_space<vmem>>, %arg21: memref<4704xf32, #tpu.memory_space<vmem>>, %arg22: memref<!tpu.dma_semaphore, #tpu.memory_space<semaphore_mem>>, %arg23: memref<!tpu.dma_semaphore, #tpu.memory_space<semaphore_mem>>) attributes {dimension_semantics = [#tpu.dimension_semantics<core_parallel>, #tpu.dimension_semantics<subcore_parallel>], iteration_bounds = array<i64: 2, 16>, scalar_prefetch = 0 : i64, scratch_operands = 19 : i64, tpu.core_type = #tpu.core_type<sc_vector_subcore>, window_params = [{transform_indices = #map}, {transform_indices = #map}, {transform_indices = #map}]} {
    %mul3A = arith.constant 2 : i32
    %mul3A_0 = arith.muli %arg1, %mul3A : i32
    %add3A = arith.addi %mul3A_0, %arg0 : i32
    %mul3A_1 = arith.constant 128 : i32
    %mul3A_2 = arith.muli %add3A, %mul3A_1 : i32
    %iota3A = tpu.iota {dimensions = array<i32: 0>} : vector<16xi32>
    %scan3A = arith.constant 0 : i32
    %scan3A_3 = arith.constant 0 : i32
    %scan3A_4 = arith.constant 8 : i32
    %scan3A_5 = arith.addi %scan3A_3, %scan3A_4 : i32
    %scan3A_6 = arith.constant 1 : i32
    %scan3A_7 = scf.for %scan3A_35 = %scan3A_3 to %scan3A_5 step %scan3A_6 iter_args(%scan3A_36 = %scan3A) -> (i32)  : i32 {
      %mul3A_37 = arith.constant 16 : i32
      %mul3A_38 = arith.muli %scan3A_35, %mul3A_37 : i32
      %add3A_39 = arith.addi %mul3A_2, %mul3A_38 : i32
      %run_scoped3A = arith.constant 0 : i32
      "tpu.region"() ({
        %run_scoped3A_119 = tpu.sem_alloc : memref<!tpu.dma_semaphore, #tpu.memory_space<semaphore_mem>>
        %dma_start3A_120 = tpu.memref_slice %arg3[%run_scoped3A, %add3A_39] : memref<4x4096xf32, #tpu.memory_space<hbm>> -> memref<1x16xf32, #tpu.memory_space<hbm>>
        %dma_start3A_121 = tpu.memref_squeeze %dma_start3A_120 : memref<1x16xf32, #tpu.memory_space<hbm>> -> memref<16xf32, #tpu.memory_space<hbm>>
        %dma_start3A_122 = tpu.memref_slice %arg3[%run_scoped3A, %add3A_39] : memref<4x4096xf32, #tpu.memory_space<hbm>> -> memref<1x16xf32, #tpu.memory_space<hbm>>
        %dma_start3A_123 = tpu.memref_squeeze %dma_start3A_122 : memref<1x16xf32, #tpu.memory_space<hbm>> -> memref<16xf32, #tpu.memory_space<hbm>>
        tpu.enqueue_dma source(%dma_start3A_123 : memref<16xf32, #tpu.memory_space<hbm>>) target(%arg5 : memref<16xf32, #tpu.memory_space<vmem>>) target_semaphore(%run_scoped3A_119 : memref<!tpu.dma_semaphore, #tpu.memory_space<semaphore_mem>>)
        %dma_wait3A = tpu.memref_slice %arg3[%run_scoped3A, %add3A_39] : memref<4x4096xf32, #tpu.memory_space<hbm>> -> memref<1x16xf32, #tpu.memory_space<hbm>>
        %dma_wait3A_124 = tpu.memref_squeeze %dma_wait3A : memref<1x16xf32, #tpu.memory_space<hbm>> -> memref<16xf32, #tpu.memory_space<hbm>>
        %dma_wait3A_125 = tpu.memref_slice %arg3[%run_scoped3A, %add3A_39] : memref<4x4096xf32, #tpu.memory_space<hbm>> -> memref<1x16xf32, #tpu.memory_space<hbm>>
        %dma_wait3A_126 = tpu.memref_squeeze %dma_wait3A_125 : memref<1x16xf32, #tpu.memory_space<hbm>> -> memref<16xf32, #tpu.memory_space<hbm>>
        tpu.wait_dma2 semaphore(%run_scoped3A_119 : memref<!tpu.dma_semaphore, #tpu.memory_space<semaphore_mem>>) src(%dma_wait3A_126 : memref<16xf32, #tpu.memory_space<hbm>>) dst(%arg5 : memref<16xf32, #tpu.memory_space<vmem>>)
        tpu.yield
      }) : () -> ()
      %run_scoped3A_40 = arith.constant 1 : i32
      "tpu.region"() ({
        %run_scoped3A_119 = tpu.sem_alloc : memref<!tpu.dma_semaphore, #tpu.memory_space<semaphore_mem>>
        %dma_start3A_120 = tpu.memref_slice %arg3[%run_scoped3A_40, %add3A_39] : memref<4x4096xf32, #tpu.memory_space<hbm>> -> memref<1x16xf32, #tpu.memory_space<hbm>>
        %dma_start3A_121 = tpu.memref_squeeze %dma_start3A_120 : memref<1x16xf32, #tpu.memory_space<hbm>> -> memref<16xf32, #tpu.memory_space<hbm>>
        %dma_start3A_122 = tpu.memref_slice %arg3[%run_scoped3A_40, %add3A_39] : memref<4x4096xf32, #tpu.memory_space<hbm>> -> memref<1x16xf32, #tpu.memory_space<hbm>>
        %dma_start3A_123 = tpu.memref_squeeze %dma_start3A_122 : memref<1x16xf32, #tpu.memory_space<hbm>> -> memref<16xf32, #tpu.memory_space<hbm>>
        tpu.enqueue_dma source(%dma_start3A_123 : memref<16xf32, #tpu.memory_space<hbm>>) target(%arg6 : memref<16xf32, #tpu.memory_space<vmem>>) target_semaphore(%run_scoped3A_119 : memref<!tpu.dma_semaphore, #tpu.memory_space<semaphore_mem>>)
        %dma_wait3A = tpu.memref_slice %arg3[%run_scoped3A_40, %add3A_39] : memref<4x4096xf32, #tpu.memory_space<hbm>> -> memref<1x16xf32, #tpu.memory_space<hbm>>
        %dma_wait3A_124 = tpu.memref_squeeze %dma_wait3A : memref<1x16xf32, #tpu.memory_space<hbm>> -> memref<16xf32, #tpu.memory_space<hbm>>
        %dma_wait3A_125 = tpu.memref_slice %arg3[%run_scoped3A_40, %add3A_39] : memref<4x4096xf32, #tpu.memory_space<hbm>> -> memref<1x16xf32, #tpu.memory_space<hbm>>
        %dma_wait3A_126 = tpu.memref_squeeze %dma_wait3A_125 : memref<1x16xf32, #tpu.memory_space<hbm>> -> memref<16xf32, #tpu.memory_space<hbm>>
        tpu.wait_dma2 semaphore(%run_scoped3A_119 : memref<!tpu.dma_semaphore, #tpu.memory_space<semaphore_mem>>) src(%dma_wait3A_126 : memref<16xf32, #tpu.memory_space<hbm>>) dst(%arg6 : memref<16xf32, #tpu.memory_space<vmem>>)
        tpu.yield
      }) : () -> ()
      %run_scoped3A_41 = arith.constant 2 : i32
      "tpu.region"() ({
        %run_scoped3A_119 = tpu.sem_alloc : memref<!tpu.dma_semaphore, #tpu.memory_space<semaphore_mem>>
        %dma_start3A_120 = tpu.memref_slice %arg3[%run_scoped3A_41, %add3A_39] : memref<4x4096xf32, #tpu.memory_space<hbm>> -> memref<1x16xf32, #tpu.memory_space<hbm>>
        %dma_start3A_121 = tpu.memref_squeeze %dma_start3A_120 : memref<1x16xf32, #tpu.memory_space<hbm>> -> memref<16xf32, #tpu.memory_space<hbm>>
        %dma_start3A_122 = tpu.memref_slice %arg3[%run_scoped3A_41, %add3A_39] : memref<4x4096xf32, #tpu.memory_space<hbm>> -> memref<1x16xf32, #tpu.memory_space<hbm>>
        %dma_start3A_123 = tpu.memref_squeeze %dma_start3A_122 : memref<1x16xf32, #tpu.memory_space<hbm>> -> memref<16xf32, #tpu.memory_space<hbm>>
        tpu.enqueue_dma source(%dma_start3A_123 : memref<16xf32, #tpu.memory_space<hbm>>) target(%arg7 : memref<16xf32, #tpu.memory_space<vmem>>) target_semaphore(%run_scoped3A_119 : memref<!tpu.dma_semaphore, #tpu.memory_space<semaphore_mem>>)
        %dma_wait3A = tpu.memref_slice %arg3[%run_scoped3A_41, %add3A_39] : memref<4x4096xf32, #tpu.memory_space<hbm>> -> memref<1x16xf32, #tpu.memory_space<hbm>>
        %dma_wait3A_124 = tpu.memref_squeeze %dma_wait3A : memref<1x16xf32, #tpu.memory_space<hbm>> -> memref<16xf32, #tpu.memory_space<hbm>>
        %dma_wait3A_125 = tpu.memref_slice %arg3[%run_scoped3A_41, %add3A_39] : memref<4x4096xf32, #tpu.memory_space<hbm>> -> memref<1x16xf32, #tpu.memory_space<hbm>>
        %dma_wait3A_126 = tpu.memref_squeeze %dma_wait3A_125 : memref<1x16xf32, #tpu.memory_space<hbm>> -> memref<16xf32, #tpu.memory_space<hbm>>
        tpu.wait_dma2 semaphore(%run_scoped3A_119 : memref<!tpu.dma_semaphore, #tpu.memory_space<semaphore_mem>>) src(%dma_wait3A_126 : memref<16xf32, #tpu.memory_space<hbm>>) dst(%arg7 : memref<16xf32, #tpu.memory_space<vmem>>)
        tpu.yield
      }) : () -> ()
      %run_scoped3A_42 = arith.constant 3 : i32
      "tpu.region"() ({
        %run_scoped3A_119 = tpu.sem_alloc : memref<!tpu.dma_semaphore, #tpu.memory_space<semaphore_mem>>
        %dma_start3A_120 = tpu.memref_slice %arg3[%run_scoped3A_42, %add3A_39] : memref<4x4096xf32, #tpu.memory_space<hbm>> -> memref<1x16xf32, #tpu.memory_space<hbm>>
        %dma_start3A_121 = tpu.memref_squeeze %dma_start3A_120 : memref<1x16xf32, #tpu.memory_space<hbm>> -> memref<16xf32, #tpu.memory_space<hbm>>
        %dma_start3A_122 = tpu.memref_slice %arg3[%run_scoped3A_42, %add3A_39] : memref<4x4096xf32, #tpu.memory_space<hbm>> -> memref<1x16xf32, #tpu.memory_space<hbm>>
        %dma_start3A_123 = tpu.memref_squeeze %dma_start3A_122 : memref<1x16xf32, #tpu.memory_space<hbm>> -> memref<16xf32, #tpu.memory_space<hbm>>
        tpu.enqueue_dma source(%dma_start3A_123 : memref<16xf32, #tpu.memory_space<hbm>>) target(%arg8 : memref<16xf32, #tpu.memory_space<vmem>>) target_semaphore(%run_scoped3A_119 : memref<!tpu.dma_semaphore, #tpu.memory_space<semaphore_mem>>)
        %dma_wait3A = tpu.memref_slice %arg3[%run_scoped3A_42, %add3A_39] : memref<4x4096xf32, #tpu.memory_space<hbm>> -> memref<1x16xf32, #tpu.memory_space<hbm>>
        %dma_wait3A_124 = tpu.memref_squeeze %dma_wait3A : memref<1x16xf32, #tpu.memory_space<hbm>> -> memref<16xf32, #tpu.memory_space<hbm>>
        %dma_wait3A_125 = tpu.memref_slice %arg3[%run_scoped3A_42, %add3A_39] : memref<4x4096xf32, #tpu.memory_space<hbm>> -> memref<1x16xf32, #tpu.memory_space<hbm>>
        %dma_wait3A_126 = tpu.memref_squeeze %dma_wait3A_125 : memref<1x16xf32, #tpu.memory_space<hbm>> -> memref<16xf32, #tpu.memory_space<hbm>>
        tpu.wait_dma2 semaphore(%run_scoped3A_119 : memref<!tpu.dma_semaphore, #tpu.memory_space<semaphore_mem>>) src(%dma_wait3A_126 : memref<16xf32, #tpu.memory_space<hbm>>) dst(%arg8 : memref<16xf32, #tpu.memory_space<vmem>>)
        tpu.yield
      }) : () -> ()
      %get3A = arith.constant 0 : index
      %get3A_43 = tpu.vector_load %arg5[%get3A] {strides = array<i32>} : memref<16xf32, #tpu.memory_space<vmem>>, vector<16xf32>,
      %get3A_44 = arith.constant 0 : index
      %get3A_45 = tpu.vector_load %arg6[%get3A_44] {strides = array<i32>} : memref<16xf32, #tpu.memory_space<vmem>>, vector<16xf32>,
      %get3A_46 = arith.constant 0 : index
      %get3A_47 = tpu.vector_load %arg7[%get3A_46] {strides = array<i32>} : memref<16xf32, #tpu.memory_space<vmem>>, vector<16xf32>,
      %get3A_48 = arith.constant 0 : index
      %get3A_49 = tpu.vector_load %arg8[%get3A_48] {strides = array<i32>} : memref<16xf32, #tpu.memory_space<vmem>>, vector<16xf32>,
      %sub3A = arith.subf %get3A_47, %get3A_43 : vector<16xf32>
      %mul3A_50 = arith.constant 2.230000e+02 : f32
      %mul3A_51 = vector.broadcast %mul3A_50 : f32 to vector<16xf32>
      %mul3A_52 = arith.mulf %sub3A, %mul3A_51 : vector<16xf32>
      %div3A = arith.constant 6.000000e+00 : f32
      %div3A_53 = vector.broadcast %div3A : f32 to vector<16xf32>
      %div3A_54 = arith.divf %mul3A_52, %div3A_53 : vector<16xf32>
      %sub3A_55 = arith.subf %get3A_49, %get3A_45 : vector<16xf32>
      %mul3A_56 = arith.constant 2.230000e+02 : f32
      %mul3A_57 = vector.broadcast %mul3A_56 : f32 to vector<16xf32>
      %mul3A_58 = arith.mulf %sub3A_55, %mul3A_57 : vector<16xf32>
      %div3A_59 = arith.constant 6.000000e+00 : f32
      %div3A_60 = vector.broadcast %div3A_59 : f32 to vector<16xf32>
      %div3A_61 = arith.divf %mul3A_58, %div3A_60 : vector<16xf32>
      %add3A_62 = vector.broadcast %add3A_39 : i32 to vector<16xi32>
      %add3A_63 = arith.addi %add3A_62, %iota3A : vector<16xi32>
      %jit3A = arith.constant 1000 : i32
      %div3A_64 = vector.broadcast %jit3A : i32 to vector<16xi32>
      %div3A_65 = arith.divsi %add3A_63, %div3A_64 : vector<16xi32>
      %sign3A = arith.constant 0 : i32
      %sign3A_66 = vector.broadcast %sign3A : i32 to vector<16xi32>
      %sign3A_67 = arith.cmpi sgt, %add3A_63, %sign3A_66 : vector<16xi32>
      %sign3A_68 = arith.extui %sign3A_67 : vector<16xi1> to vector<16xi32>
      %sign3A_69 = arith.constant 0 : i32
      %sign3A_70 = vector.broadcast %sign3A_69 : i32 to vector<16xi32>
      %sign3A_71 = arith.cmpi slt, %add3A_63, %sign3A_70 : vector<16xi32>
      %sign3A_72 = arith.extui %sign3A_71 : vector<16xi1> to vector<16xi32>
      %sign3A_73 = arith.subi %sign3A_68, %sign3A_72 : vector<16xi32>
      %sign3A_74 = arith.constant 0 : i32
      %sign3A_75 = arith.cmpi sgt, %jit3A, %sign3A_74 : i32
      %sign3A_76 = arith.extui %sign3A_75 : i1 to i32
      %sign3A_77 = arith.constant 0 : i32
      %sign3A_78 = arith.cmpi slt, %jit3A, %sign3A_77 : i32
      %sign3A_79 = arith.extui %sign3A_78 : i1 to i32
      %sign3A_80 = arith.subi %sign3A_76, %sign3A_79 : i32
      %ne3A = vector.broadcast %sign3A_80 : i32 to vector<16xi32>
      %ne3A_81 = arith.cmpi ne, %sign3A_73, %ne3A : vector<16xi32>
      %rem3A = vector.broadcast %jit3A : i32 to vector<16xi32>
      %rem3A_82 = arith.remsi %add3A_63, %rem3A : vector<16xi32>
      %ne3A_83 = arith.constant 0 : i32
      %ne3A_84 = vector.broadcast %ne3A_83 : i32 to vector<16xi32>
      %ne3A_85 = arith.cmpi ne, %rem3A_82, %ne3A_84 : vector<16xi32>
      %and3A = arith.andi %ne3A_81, %ne3A_85 : vector<16xi1>
      %sub3A_86 = arith.constant 1 : i32
      %sub3A_87 = vector.broadcast %sub3A_86 : i32 to vector<16xi32>
      %sub3A_88 = arith.subi %div3A_65, %sub3A_87 : vector<16xi32>
      %select_n3A = arith.select %and3A, %sub3A_88, %div3A_65 : vector<16xi1>, vector<16xi32>
      %min3A = arith.constant 3 : i32
      %min3A_89 = vector.broadcast %min3A : i32 to vector<16xi32>
      %min3A_90 = arith.minsi %select_n3A, %min3A_89 : vector<16xi32>
      %mul3A_91 = arith.constant 50176 : i32
      %mul3A_92 = vector.broadcast %mul3A_91 : i32 to vector<16xi32>
      %mul3A_93 = arith.muli %min3A_90, %mul3A_92 : vector<16xi32>
      %scan3A_94 = arith.constant 0 : i32
      %scan3A_95 = arith.constant 0 : i32
      %scan3A_96 = arith.constant 7 : i32
      %scan3A_97 = arith.addi %scan3A_95, %scan3A_96 : i32
      %scan3A_98 = arith.constant 1 : i32
      %scan3A_99 = scf.for %scan3A_119 = %scan3A_95 to %scan3A_97 step %scan3A_98 iter_args(%scan3A_120 = %scan3A_94) -> (i32)  : i32 {
        %convert_element_type3A = arith.sitofp %scan3A_119 : i32 to f32
        %mul3A_121 = arith.constant 16 : i32
        %mul3A_122 = arith.muli %scan3A_119, %mul3A_121 : i32
        %add3A_123 = vector.broadcast %mul3A_122 : i32 to vector<16xi32>
        %add3A_124 = arith.addi %add3A_123, %iota3A : vector<16xi32>
        %mul3A_125 = arith.constant 2.230000e+02 : f32
        %mul3A_126 = vector.broadcast %mul3A_125 : f32 to vector<16xf32>
        %mul3A_127 = arith.mulf %get3A_43, %mul3A_126 : vector<16xf32>
        %mul3A_128 = vector.broadcast %convert_element_type3A : f32 to vector<16xf32>
        %mul3A_129 = arith.mulf %mul3A_128, %div3A_54 : vector<16xf32>
        %add3A_130 = arith.addf %mul3A_127, %mul3A_129 : vector<16xf32>
        %ge3A = arith.constant 0.000000e+00 : f32
        %ge3A_131 = vector.broadcast %ge3A : f32 to vector<16xf32>
        %ge3A_132 = arith.cmpf oge, %add3A_130, %ge3A_131 : vector<16xf32>
        %le3A = arith.constant 2.230000e+02 : f32
        %le3A_133 = vector.broadcast %le3A : f32 to vector<16xf32>
        %le3A_134 = arith.cmpf ole, %add3A_130, %le3A_133 : vector<16xf32>
        %and3A_135 = arith.andi %ge3A_132, %le3A_134 : vector<16xi1>
        %jit3A_136 = arith.constant 1.000000e+00 : f32
        %jit3A_137 = arith.constant 0.000000e+00 : f32
        %broadcast_in_dim3A = vector.broadcast %jit3A_136 : f32 to vector<16xf32>
        %broadcast_in_dim3A_138 = vector.broadcast %jit3A_137 : f32 to vector<16xf32>
        %select_n3A_139 = arith.select %and3A_135, %broadcast_in_dim3A, %broadcast_in_dim3A_138 : vector<16xi1>, vector<16xf32>
        %jit3A_140 = arith.constant 0.000000e+00 : f32
        %jit3A_141 = arith.constant 2.230000e+02 : f32
        %max3A = vector.broadcast %jit3A_140 : f32 to vector<16xf32>
        %max3A_142 = arith.maximumf %max3A, %add3A_130 : vector<16xf32>
        %min3A_143 = vector.broadcast %jit3A_141 : f32 to vector<16xf32>
        %min3A_144 = arith.minimumf %min3A_143, %max3A_142 : vector<16xf32>
        %convert_element_type3A_145 = arith.fptosi %min3A_144 : vector<16xf32> to vector<16xi32>
        %add3A_146 = arith.constant 1 : i32
        %add3A_147 = vector.broadcast %add3A_146 : i32 to vector<16xi32>
        %add3A_148 = arith.addi %convert_element_type3A_145, %add3A_147 : vector<16xi32>
        %min3A_149 = arith.constant 223 : i32
        %min3A_150 = vector.broadcast %min3A_149 : i32 to vector<16xi32>
        %min3A_151 = arith.minsi %add3A_148, %min3A_150 : vector<16xi32>
        %mul3A_152 = arith.constant 224 : i32
        %mul3A_153 = vector.broadcast %mul3A_152 : i32 to vector<16xi32>
        %mul3A_154 = arith.muli %convert_element_type3A_145, %mul3A_153 : vector<16xi32>
        %add3A_155 = arith.addi %mul3A_93, %mul3A_154 : vector<16xi32>
        tpu.vector_store_idx %arg9[%add3A_124], %add3A_155 : memref<112xi32, #tpu.memory_space<vmem>>[vector<16xi32>], vector<16xi32>,
        %mul3A_156 = arith.constant 224 : i32
        %mul3A_157 = vector.broadcast %mul3A_156 : i32 to vector<16xi32>
        %mul3A_158 = arith.muli %min3A_151, %mul3A_157 : vector<16xi32>
        %add3A_159 = arith.addi %mul3A_93, %mul3A_158 : vector<16xi32>
        tpu.vector_store_idx %arg10[%add3A_124], %add3A_159 : memref<112xi32, #tpu.memory_space<vmem>>[vector<16xi32>], vector<16xi32>,
        %convert_element_type3A_160 = arith.sitofp %convert_element_type3A_145 : vector<16xi32> to vector<16xf32>
        %sub3A_161 = arith.subf %min3A_144, %convert_element_type3A_160 : vector<16xf32>
        tpu.vector_store_idx %arg11[%add3A_124], %sub3A_161 : memref<112xf32, #tpu.memory_space<vmem>>[vector<16xi32>], vector<16xf32>,
        tpu.vector_store_idx %arg12[%add3A_124], %select_n3A_139 : memref<112xf32, #tpu.memory_space<vmem>>[vector<16xi32>], vector<16xf32>,
        %mul3A_162 = arith.constant 2.230000e+02 : f32
        %mul3A_163 = vector.broadcast %mul3A_162 : f32 to vector<16xf32>
        %mul3A_164 = arith.mulf %get3A_45, %mul3A_163 : vector<16xf32>
        %mul3A_165 = vector.broadcast %convert_element_type3A : f32 to vector<16xf32>
        %mul3A_166 = arith.mulf %mul3A_165, %div3A_61 : vector<16xf32>
        %add3A_167 = arith.addf %mul3A_164, %mul3A_166 : vector<16xf32>
        %ge3A_168 = arith.constant 0.000000e+00 : f32
        %ge3A_169 = vector.broadcast %ge3A_168 : f32 to vector<16xf32>
        %ge3A_170 = arith.cmpf oge, %add3A_167, %ge3A_169 : vector<16xf32>
        %le3A_171 = arith.constant 2.230000e+02 : f32
        %le3A_172 = vector.broadcast %le3A_171 : f32 to vector<16xf32>
        %le3A_173 = arith.cmpf ole, %add3A_167, %le3A_172 : vector<16xf32>
        %and3A_174 = arith.andi %ge3A_170, %le3A_173 : vector<16xi1>
        %jit3A_175 = arith.constant 1.000000e+00 : f32
        %jit3A_176 = arith.constant 0.000000e+00 : f32
        %broadcast_in_dim3A_177 = vector.broadcast %jit3A_175 : f32 to vector<16xf32>
        %broadcast_in_dim3A_178 = vector.broadcast %jit3A_176 : f32 to vector<16xf32>
        %select_n3A_179 = arith.select %and3A_174, %broadcast_in_dim3A_177, %broadcast_in_dim3A_178 : vector<16xi1>, vector<16xf32>
        %jit3A_180 = arith.constant 0.000000e+00 : f32
        %jit3A_181 = arith.constant 2.230000e+02 : f32
        %max3A_182 = vector.broadcast %jit3A_180 : f32 to vector<16xf32>
        %max3A_183 = arith.maximumf %max3A_182, %add3A_167 : vector<16xf32>
        %min3A_184 = vector.broadcast %jit3A_181 : f32 to vector<16xf32>
        %min3A_185 = arith.minimumf %min3A_184, %max3A_183 : vector<16xf32>
        %convert_element_type3A_186 = arith.fptosi %min3A_185 : vector<16xf32> to vector<16xi32>
        %add3A_187 = arith.constant 1 : i32
        %add3A_188 = vector.broadcast %add3A_187 : i32 to vector<16xi32>
        %add3A_189 = arith.addi %convert_element_type3A_186, %add3A_188 : vector<16xi32>
        %min3A_190 = arith.constant 223 : i32
        %min3A_191 = vector.broadcast %min3A_190 : i32 to vector<16xi32>
        %min3A_192 = arith.minsi %add3A_189, %min3A_191 : vector<16xi32>
        tpu.vector_store_idx %arg13[%add3A_124], %convert_element_type3A_186 : memref<112xi32, #tpu.memory_space<vmem>>[vector<16xi32>], vector<16xi32>,
        tpu.vector_store_idx %arg14[%add3A_124], %min3A_192 : memref<112xi32, #tpu.memory_space<vmem>>[vector<16xi32>], vector<16xi32>,
        %convert_element_type3A_193 = arith.sitofp %convert_element_type3A_186 : vector<16xi32> to vector<16xf32>
        %sub3A_194 = arith.subf %min3A_185, %convert_element_type3A_193 : vector<16xf32>
        tpu.vector_store_idx %arg15[%add3A_124], %sub3A_194 : memref<112xf32, #tpu.memory_space<vmem>>[vector<16xi32>], vector<16xf32>,
        tpu.vector_store_idx %arg16[%add3A_124], %select_n3A_179 : memref<112xf32, #tpu.memory_space<vmem>>[vector<16xi32>], vector<16xf32>,
        %scan3A_195 = arith.constant 0 : i32
        scf.yield %scan3A_195 : i32
      }
      %scan3A_100 = arith.constant 7 : i32
      %mul3A_101 = arith.constant 16 : i32
      %mul3A_102 = arith.muli %scan3A_35, %mul3A_101 : i32
      %add3A_103 = vector.broadcast %mul3A_102 : i32 to vector<16xi32>
      %add3A_104 = arith.addi %add3A_103, %iota3A : vector<16xi32>
      %mul3A_105 = arith.constant 196 : i32
      %mul3A_106 = vector.broadcast %mul3A_105 : i32 to vector<16xi32>
      %mul3A_107 = arith.muli %add3A_104, %mul3A_106 : vector<16xi32>
      %mul3A_108 = arith.constant 2 : i32
      %mul3A_109 = vector.broadcast %mul3A_108 : i32 to vector<16xi32>
      %mul3A_110 = arith.muli %add3A_104, %mul3A_109 : vector<16xi32>
      %scan3A_111 = arith.constant 0 : i32
      %scan3A_112 = arith.constant 0 : i32
      %scan3A_113 = arith.constant 49 : i32
      %scan3A_114 = arith.addi %scan3A_112, %scan3A_113 : i32
      %scan3A_115 = arith.constant 1 : i32
      %scan3A_116 = scf.for %scan3A_119 = %scan3A_112 to %scan3A_114 step %scan3A_115 iter_args(%scan3A_120 = %scan3A_111) -> (i32)  : i32 {
        %jit3A_121 = arith.constant 7 : i32
        %div3A_122 = arith.divsi %scan3A_119, %jit3A_121 : i32
        %sign3A_123 = arith.constant 0 : i32
        %sign3A_124 = arith.cmpi sgt, %scan3A_119, %sign3A_123 : i32
        %sign3A_125 = arith.extui %sign3A_124 : i1 to i32
        %sign3A_126 = arith.constant 0 : i32
        %sign3A_127 = arith.cmpi slt, %scan3A_119, %sign3A_126 : i32
        %sign3A_128 = arith.extui %sign3A_127 : i1 to i32
        %sign3A_129 = arith.subi %sign3A_125, %sign3A_128 : i32
        %sign3A_130 = arith.constant 0 : i32
        %sign3A_131 = arith.cmpi sgt, %jit3A_121, %sign3A_130 : i32
        %sign3A_132 = arith.extui %sign3A_131 : i1 to i32
        %sign3A_133 = arith.constant 0 : i32
        %sign3A_134 = arith.cmpi slt, %jit3A_121, %sign3A_133 : i32
        %sign3A_135 = arith.extui %sign3A_134 : i1 to i32
        %sign3A_136 = arith.subi %sign3A_132, %sign3A_135 : i32
        %ne3A_137 = arith.cmpi ne, %sign3A_129, %sign3A_136 : i32
        %rem3A_138 = arith.remsi %scan3A_119, %jit3A_121 : i32
        %ne3A_139 = arith.constant 0 : i32
        %ne3A_140 = arith.cmpi ne, %rem3A_138, %ne3A_139 : i32
        %and3A_141 = arith.andi %ne3A_137, %ne3A_140 : i1
        %sub3A_142 = arith.constant 1 : i32
        %sub3A_143 = arith.subi %div3A_122, %sub3A_142 : i32
        %select_n3A_144 = arith.select %and3A_141, %sub3A_143, %div3A_122 : i32
        %mul3A_145 = arith.constant 7 : i32
        %mul3A_146 = arith.muli %select_n3A_144, %mul3A_145 : i32
        %sub3A_147 = arith.subi %scan3A_119, %mul3A_146 : i32
        %mul3A_148 = arith.constant 16 : i32
        %mul3A_149 = arith.muli %select_n3A_144, %mul3A_148 : i32
        %add3A_150 = vector.broadcast %mul3A_149 : i32 to vector<16xi32>
        %add3A_151 = arith.addi %add3A_150, %iota3A : vector<16xi32>
        %mul3A_152 = arith.constant 16 : i32
        %mul3A_153 = arith.muli %sub3A_147, %mul3A_152 : i32
        %add3A_154 = vector.broadcast %mul3A_153 : i32 to vector<16xi32>
        %add3A_155 = arith.addi %add3A_154, %iota3A : vector<16xi32>
        %gather3A = tpu.vector_load_idx %arg9[%add3A_151] : memref<112xi32, #tpu.memory_space<vmem>>[vector<16xi32>], vector<16xi32>,
        %gather3A_156 = tpu.vector_load_idx %arg10[%add3A_151] : memref<112xi32, #tpu.memory_space<vmem>>[vector<16xi32>], vector<16xi32>,
        %gather3A_157 = tpu.vector_load_idx %arg11[%add3A_151] : memref<112xf32, #tpu.memory_space<vmem>>[vector<16xi32>], vector<16xf32>,
        %gather3A_158 = tpu.vector_load_idx %arg12[%add3A_151] : memref<112xf32, #tpu.memory_space<vmem>>[vector<16xi32>], vector<16xf32>,
        %gather3A_159 = tpu.vector_load_idx %arg13[%add3A_155] : memref<112xi32, #tpu.memory_space<vmem>>[vector<16xi32>], vector<16xi32>,
        %gather3A_160 = tpu.vector_load_idx %arg14[%add3A_155] : memref<112xi32, #tpu.memory_space<vmem>>[vector<16xi32>], vector<16xi32>,
        %gather3A_161 = tpu.vector_load_idx %arg15[%add3A_155] : memref<112xf32, #tpu.memory_space<vmem>>[vector<16xi32>], vector<16xf32>,
        %gather3A_162 = tpu.vector_load_idx %arg16[%add3A_155] : memref<112xf32, #tpu.memory_space<vmem>>[vector<16xi32>], vector<16xf32>,
        %mul3A_163 = arith.mulf %gather3A_158, %gather3A_162 : vector<16xf32>
        %sub3A_164 = arith.constant 1.000000e+00 : f32
        %sub3A_165 = vector.broadcast %sub3A_164 : f32 to vector<16xf32>
        %sub3A_166 = arith.subf %sub3A_165, %gather3A_157 : vector<16xf32>
        %sub3A_167 = arith.constant 1.000000e+00 : f32
        %sub3A_168 = vector.broadcast %sub3A_167 : f32 to vector<16xf32>
        %sub3A_169 = arith.subf %sub3A_168, %gather3A_161 : vector<16xf32>
        %add3A_170 = arith.addi %gather3A, %gather3A_159 : vector<16xi32>
        %mul3A_171 = arith.mulf %sub3A_166, %sub3A_169 : vector<16xf32>
        %mul3A_172 = arith.mulf %mul3A_171, %mul3A_163 : vector<16xf32>
        %add3A_173 = arith.addi %gather3A, %gather3A_160 : vector<16xi32>
        %mul3A_174 = arith.mulf %sub3A_166, %gather3A_161 : vector<16xf32>
        %mul3A_175 = arith.mulf %mul3A_174, %mul3A_163 : vector<16xf32>
        %add3A_176 = arith.addi %gather3A_156, %gather3A_159 : vector<16xi32>
        %mul3A_177 = arith.mulf %gather3A_157, %sub3A_169 : vector<16xf32>
        %mul3A_178 = arith.mulf %mul3A_177, %mul3A_163 : vector<16xf32>
        %add3A_179 = arith.addi %gather3A_156, %gather3A_160 : vector<16xi32>
        %mul3A_180 = arith.mulf %gather3A_157, %gather3A_161 : vector<16xf32>
        %mul3A_181 = arith.mulf %mul3A_180, %mul3A_163 : vector<16xf32>
        %mul3A_182 = arith.constant 4 : i32
        %mul3A_183 = arith.muli %scan3A_119, %mul3A_182 : i32
        %add3A_184 = arith.constant 0 : i32
        %add3A_185 = arith.addi %mul3A_183, %add3A_184 : i32
        %jit3A_186 = arith.constant 98 : i32
        %div3A_187 = arith.divsi %add3A_185, %jit3A_186 : i32
        %sign3A_188 = arith.constant 0 : i32
        %sign3A_189 = arith.cmpi sgt, %add3A_185, %sign3A_188 : i32
        %sign3A_190 = arith.extui %sign3A_189 : i1 to i32
        %sign3A_191 = arith.constant 0 : i32
        %sign3A_192 = arith.cmpi slt, %add3A_185, %sign3A_191 : i32
        %sign3A_193 = arith.extui %sign3A_192 : i1 to i32
        %sign3A_194 = arith.subi %sign3A_190, %sign3A_193 : i32
        %sign3A_195 = arith.constant 0 : i32
        %sign3A_196 = arith.cmpi sgt, %jit3A_186, %sign3A_195 : i32
        %sign3A_197 = arith.extui %sign3A_196 : i1 to i32
        %sign3A_198 = arith.constant 0 : i32
        %sign3A_199 = arith.cmpi slt, %jit3A_186, %sign3A_198 : i32
        %sign3A_200 = arith.extui %sign3A_199 : i1 to i32
        %sign3A_201 = arith.subi %sign3A_197, %sign3A_200 : i32
        %ne3A_202 = arith.cmpi ne, %sign3A_194, %sign3A_201 : i32
        %rem3A_203 = arith.remsi %add3A_185, %jit3A_186 : i32
        %ne3A_204 = arith.constant 0 : i32
        %ne3A_205 = arith.cmpi ne, %rem3A_203, %ne3A_204 : i32
        %and3A_206 = arith.andi %ne3A_202, %ne3A_205 : i1
        %sub3A_207 = arith.constant 1 : i32
        %sub3A_208 = arith.subi %div3A_187, %sub3A_207 : i32
        %select_n3A_209 = arith.select %and3A_206, %sub3A_208, %div3A_187 : i32
        %mul3A_210 = arith.constant 98 : i32
        %mul3A_211 = arith.muli %select_n3A_209, %mul3A_210 : i32
        %sub3A_212 = arith.subi %add3A_185, %mul3A_211 : i32
        %add3A_213 = vector.broadcast %select_n3A_209 : i32 to vector<16xi32>
        %add3A_214 = arith.addi %mul3A_110, %add3A_213 : vector<16xi32>
        %broadcast_in_dim3A = vector.broadcast %sub3A_212 : i32 to vector<16xi32>
        tpu.vector_store_idx %arg17[%add3A_214, %broadcast_in_dim3A], %add3A_170 : memref<256x98xi32, #tpu.memory_space<vmem>>[vector<16xi32>, vector<16xi32>], vector<16xi32>,
        %add3A_215 = vector.broadcast %add3A_185 : i32 to vector<16xi32>
        %add3A_216 = arith.addi %mul3A_107, %add3A_215 : vector<16xi32>
        tpu.vector_store_idx %arg18[%add3A_216], %mul3A_172 : memref<25088xf32, #tpu.memory_space<vmem>>[vector<16xi32>], vector<16xf32>,
        %add3A_217 = arith.constant 1 : i32
        %add3A_218 = arith.addi %mul3A_183, %add3A_217 : i32
        %jit3A_219 = arith.constant 98 : i32
        %div3A_220 = arith.divsi %add3A_218, %jit3A_219 : i32
        %sign3A_221 = arith.constant 0 : i32
        %sign3A_222 = arith.cmpi sgt, %add3A_218, %sign3A_221 : i32
        %sign3A_223 = arith.extui %sign3A_222 : i1 to i32
        %sign3A_224 = arith.constant 0 : i32
        %sign3A_225 = arith.cmpi slt, %add3A_218, %sign3A_224 : i32
        %sign3A_226 = arith.extui %sign3A_225 : i1 to i32
        %sign3A_227 = arith.subi %sign3A_223, %sign3A_226 : i32
        %sign3A_228 = arith.constant 0 : i32
        %sign3A_229 = arith.cmpi sgt, %jit3A_219, %sign3A_228 : i32
        %sign3A_230 = arith.extui %sign3A_229 : i1 to i32
        %sign3A_231 = arith.constant 0 : i32
        %sign3A_232 = arith.cmpi slt, %jit3A_219, %sign3A_231 : i32
        %sign3A_233 = arith.extui %sign3A_232 : i1 to i32
        %sign3A_234 = arith.subi %sign3A_230, %sign3A_233 : i32
        %ne3A_235 = arith.cmpi ne, %sign3A_227, %sign3A_234 : i32
        %rem3A_236 = arith.remsi %add3A_218, %jit3A_219 : i32
        %ne3A_237 = arith.constant 0 : i32
        %ne3A_238 = arith.cmpi ne, %rem3A_236, %ne3A_237 : i32
        %and3A_239 = arith.andi %ne3A_235, %ne3A_238 : i1
        %sub3A_240 = arith.constant 1 : i32
        %sub3A_241 = arith.subi %div3A_220, %sub3A_240 : i32
        %select_n3A_242 = arith.select %and3A_239, %sub3A_241, %div3A_220 : i32
        %mul3A_243 = arith.constant 98 : i32
        %mul3A_244 = arith.muli %select_n3A_242, %mul3A_243 : i32
        %sub3A_245 = arith.subi %add3A_218, %mul3A_244 : i32
        %add3A_246 = vector.broadcast %select_n3A_242 : i32 to vector<16xi32>
        %add3A_247 = arith.addi %mul3A_110, %add3A_246 : vector<16xi32>
        %broadcast_in_dim3A_248 = vector.broadcast %sub3A_245 : i32 to vector<16xi32>
        tpu.vector_store_idx %arg17[%add3A_247, %broadcast_in_dim3A_248], %add3A_173 : memref<256x98xi32, #tpu.memory_space<vmem>>[vector<16xi32>, vector<16xi32>], vector<16xi32>,
        %add3A_249 = vector.broadcast %add3A_218 : i32 to vector<16xi32>
        %add3A_250 = arith.addi %mul3A_107, %add3A_249 : vector<16xi32>
        tpu.vector_store_idx %arg18[%add3A_250], %mul3A_175 : memref<25088xf32, #tpu.memory_space<vmem>>[vector<16xi32>], vector<16xf32>,
        %add3A_251 = arith.constant 2 : i32
        %add3A_252 = arith.addi %mul3A_183, %add3A_251 : i32
        %jit3A_253 = arith.constant 98 : i32
        %div3A_254 = arith.divsi %add3A_252, %jit3A_253 : i32
        %sign3A_255 = arith.constant 0 : i32
        %sign3A_256 = arith.cmpi sgt, %add3A_252, %sign3A_255 : i32
        %sign3A_257 = arith.extui %sign3A_256 : i1 to i32
        %sign3A_258 = arith.constant 0 : i32
        %sign3A_259 = arith.cmpi slt, %add3A_252, %sign3A_258 : i32
        %sign3A_260 = arith.extui %sign3A_259 : i1 to i32
        %sign3A_261 = arith.subi %sign3A_257, %sign3A_260 : i32
        %sign3A_262 = arith.constant 0 : i32
        %sign3A_263 = arith.cmpi sgt, %jit3A_253, %sign3A_262 : i32
        %sign3A_264 = arith.extui %sign3A_263 : i1 to i32
        %sign3A_265 = arith.constant 0 : i32
        %sign3A_266 = arith.cmpi slt, %jit3A_253, %sign3A_265 : i32
        %sign3A_267 = arith.extui %sign3A_266 : i1 to i32
        %sign3A_268 = arith.subi %sign3A_264, %sign3A_267 : i32
        %ne3A_269 = arith.cmpi ne, %sign3A_261, %sign3A_268 : i32
        %rem3A_270 = arith.remsi %add3A_252, %jit3A_253 : i32
        %ne3A_271 = arith.constant 0 : i32
        %ne3A_272 = arith.cmpi ne, %rem3A_270, %ne3A_271 : i32
        %and3A_273 = arith.andi %ne3A_269, %ne3A_272 : i1
        %sub3A_274 = arith.constant 1 : i32
        %sub3A_275 = arith.subi %div3A_254, %sub3A_274 : i32
        %select_n3A_276 = arith.select %and3A_273, %sub3A_275, %div3A_254 : i32
        %mul3A_277 = arith.constant 98 : i32
        %mul3A_278 = arith.muli %select_n3A_276, %mul3A_277 : i32
        %sub3A_279 = arith.subi %add3A_252, %mul3A_278 : i32
        %add3A_280 = vector.broadcast %select_n3A_276 : i32 to vector<16xi32>
        %add3A_281 = arith.addi %mul3A_110, %add3A_280 : vector<16xi32>
        %broadcast_in_dim3A_282 = vector.broadcast %sub3A_279 : i32 to vector<16xi32>
        tpu.vector_store_idx %arg17[%add3A_281, %broadcast_in_dim3A_282], %add3A_176 : memref<256x98xi32, #tpu.memory_space<vmem>>[vector<16xi32>, vector<16xi32>], vector<16xi32>,
        %add3A_283 = vector.broadcast %add3A_252 : i32 to vector<16xi32>
        %add3A_284 = arith.addi %mul3A_107, %add3A_283 : vector<16xi32>
        tpu.vector_store_idx %arg18[%add3A_284], %mul3A_178 : memref<25088xf32, #tpu.memory_space<vmem>>[vector<16xi32>], vector<16xf32>,
        %add3A_285 = arith.constant 3 : i32
        %add3A_286 = arith.addi %mul3A_183, %add3A_285 : i32
        %jit3A_287 = arith.constant 98 : i32
        %div3A_288 = arith.divsi %add3A_286, %jit3A_287 : i32
        %sign3A_289 = arith.constant 0 : i32
        %sign3A_290 = arith.cmpi sgt, %add3A_286, %sign3A_289 : i32
        %sign3A_291 = arith.extui %sign3A_290 : i1 to i32
        %sign3A_292 = arith.constant 0 : i32
        %sign3A_293 = arith.cmpi slt, %add3A_286, %sign3A_292 : i32
        %sign3A_294 = arith.extui %sign3A_293 : i1 to i32
        %sign3A_295 = arith.subi %sign3A_291, %sign3A_294 : i32
        %sign3A_296 = arith.constant 0 : i32
        %sign3A_297 = arith.cmpi sgt, %jit3A_287, %sign3A_296 : i32
        %sign3A_298 = arith.extui %sign3A_297 : i1 to i32
        %sign3A_299 = arith.constant 0 : i32
        %sign3A_300 = arith.cmpi slt, %jit3A_287, %sign3A_299 : i32
        %sign3A_301 = arith.extui %sign3A_300 : i1 to i32
        %sign3A_302 = arith.subi %sign3A_298, %sign3A_301 : i32
        %ne3A_303 = arith.cmpi ne, %sign3A_295, %sign3A_302 : i32
        %rem3A_304 = arith.remsi %add3A_286, %jit3A_287 : i32
        %ne3A_305 = arith.constant 0 : i32
        %ne3A_306 = arith.cmpi ne, %rem3A_304, %ne3A_305 : i32
        %and3A_307 = arith.andi %ne3A_303, %ne3A_306 : i1
        %sub3A_308 = arith.constant 1 : i32
        %sub3A_309 = arith.subi %div3A_288, %sub3A_308 : i32
        %select_n3A_310 = arith.select %and3A_307, %sub3A_309, %div3A_288 : i32
        %mul3A_311 = arith.constant 98 : i32
        %mul3A_312 = arith.muli %select_n3A_310, %mul3A_311 : i32
        %sub3A_313 = arith.subi %add3A_286, %mul3A_312 : i32
        %add3A_314 = vector.broadcast %select_n3A_310 : i32 to vector<16xi32>
        %add3A_315 = arith.addi %mul3A_110, %add3A_314 : vector<16xi32>
        %broadcast_in_dim3A_316 = vector.broadcast %sub3A_313 : i32 to vector<16xi32>
        tpu.vector_store_idx %arg17[%add3A_315, %broadcast_in_dim3A_316], %add3A_179 : memref<256x98xi32, #tpu.memory_space<vmem>>[vector<16xi32>, vector<16xi32>], vector<16xi32>,
        %add3A_317 = vector.broadcast %add3A_286 : i32 to vector<16xi32>
        %add3A_318 = arith.addi %mul3A_107, %add3A_317 : vector<16xi32>
        tpu.vector_store_idx %arg18[%add3A_318], %mul3A_181 : memref<25088xf32, #tpu.memory_space<vmem>>[vector<16xi32>], vector<16xf32>,
        %scan3A_319 = arith.constant 0 : i32
        scf.yield %scan3A_319 : i32
      }
      %scan3A_117 = arith.constant 49 : i32
      %scan3A_118 = arith.constant 0 : i32
      scf.yield %scan3A_118 : i32
    }
    %scan3A_8 = arith.constant 8 : i32
    %dma_start3A = arith.constant 0 : i32
    %dma_start3A_9 = arith.constant 0 : i32
    %dma_start3A_10 = arith.constant 0 : i32
    %dma_start3A_11 = tpu.memref_slice %arg19[%dma_start3A_9, %dma_start3A_10] : memref<196x96xf32, #tpu.memory_space<vmem>> -> memref<98x96xf32, #tpu.memory_space<vmem>>
    %dma_start3A_12 = arith.constant 0 : i32
    %dma_start3A_13 = tpu.memref_slice %arg17[%dma_start3A, %dma_start3A_12] : memref<256x98xi32, #tpu.memory_space<vmem>> -> memref<1x98xi32, #tpu.memory_space<vmem>>
    %dma_start3A_14 = tpu.memref_squeeze %dma_start3A_13 : memref<1x98xi32, #tpu.memory_space<vmem>> -> memref<98xi32, #tpu.memory_space<vmem>>
    %dma_start3A_15 = arith.constant 0 : i32
    %dma_start3A_16 = arith.constant 0 : i32
    %dma_start3A_17 = tpu.memref_slice %arg2[%dma_start3A_15, %dma_start3A_16] : memref<200704x96xf32, #tpu.memory_space<hbm>> -> memref<200704x96xf32, #tpu.memory_space<hbm>>
    tpu.enqueue_indirect_dma source(%dma_start3A_17 : memref<200704x96xf32, #tpu.memory_space<hbm>>) target(%dma_start3A_11 : memref<98x96xf32, #tpu.memory_space<vmem>>) offsets(%dma_start3A_14 : memref<98xi32, #tpu.memory_space<vmem>>) semaphore(%arg22 : memref<!tpu.dma_semaphore, #tpu.memory_space<semaphore_mem>>)
    %dma_start3A_18 = arith.constant 1 : i32
    %dma_start3A_19 = arith.constant 98 : i32
    %dma_start3A_20 = arith.constant 0 : i32
    %dma_start3A_21 = tpu.memref_slice %arg19[%dma_start3A_19, %dma_start3A_20] : memref<196x96xf32, #tpu.memory_space<vmem>> -> memref<98x96xf32, #tpu.memory_space<vmem>>
    %dma_start3A_22 = arith.constant 0 : i32
    %dma_start3A_23 = tpu.memref_slice %arg17[%dma_start3A_18, %dma_start3A_22] : memref<256x98xi32, #tpu.memory_space<vmem>> -> memref<1x98xi32, #tpu.memory_space<vmem>>
    %dma_start3A_24 = tpu.memref_squeeze %dma_start3A_23 : memref<1x98xi32, #tpu.memory_space<vmem>> -> memref<98xi32, #tpu.memory_space<vmem>>
    %dma_start3A_25 = arith.constant 0 : i32
    %dma_start3A_26 = arith.constant 0 : i32
    %dma_start3A_27 = tpu.memref_slice %arg2[%dma_start3A_25, %dma_start3A_26] : memref<200704x96xf32, #tpu.memory_space<hbm>> -> memref<200704x96xf32, #tpu.memory_space<hbm>>
    tpu.enqueue_indirect_dma source(%dma_start3A_27 : memref<200704x96xf32, #tpu.memory_space<hbm>>) target(%dma_start3A_21 : memref<98x96xf32, #tpu.memory_space<vmem>>) offsets(%dma_start3A_24 : memref<98xi32, #tpu.memory_space<vmem>>) semaphore(%arg22 : memref<!tpu.dma_semaphore, #tpu.memory_space<semaphore_mem>>)
    %scan3A_28 = arith.constant 0 : i32
    %scan3A_29 = arith.constant 0 : i32
    %scan3A_30 = arith.constant 64 : i32
    %scan3A_31 = arith.addi %scan3A_29, %scan3A_30 : i32
    %scan3A_32 = arith.constant 1 : i32
    %scan3A_33 = scf.for %scan3A_35 = %scan3A_29 to %scan3A_31 step %scan3A_32 iter_args(%scan3A_36 = %scan3A_28) -> (i32)  : i32 {
      %mul3A_37 = arith.constant 2 : i32
      %mul3A_38 = arith.muli %scan3A_35, %mul3A_37 : i32
      %add3A_39 = arith.constant 1 : i32
      %add3A_40 = arith.addi %mul3A_38, %add3A_39 : i32
      %mul3A_41 = arith.constant 2 : i32
      %mul3A_42 = arith.muli %add3A_40, %mul3A_41 : i32
      %dma_start3A_43 = arith.constant 0 : i32
      %dma_start3A_44 = arith.constant 0 : i32
      %dma_start3A_45 = tpu.memref_slice %arg20[%dma_start3A_43, %dma_start3A_44] : memref<196x96xf32, #tpu.memory_space<vmem>> -> memref<98x96xf32, #tpu.memory_space<vmem>>
      %dma_start3A_46 = arith.constant 0 : i32
      %dma_start3A_47 = tpu.memref_slice %arg17[%mul3A_42, %dma_start3A_46] : memref<256x98xi32, #tpu.memory_space<vmem>> -> memref<1x98xi32, #tpu.memory_space<vmem>>
      %dma_start3A_48 = tpu.memref_squeeze %dma_start3A_47 : memref<1x98xi32, #tpu.memory_space<vmem>> -> memref<98xi32, #tpu.memory_space<vmem>>
      %dma_start3A_49 = arith.constant 0 : i32
      %dma_start3A_50 = arith.constant 0 : i32
      %dma_start3A_51 = tpu.memref_slice %arg2[%dma_start3A_49, %dma_start3A_50] : memref<200704x96xf32, #tpu.memory_space<hbm>> -> memref<200704x96xf32, #tpu.memory_space<hbm>>
      tpu.enqueue_indirect_dma source(%dma_start3A_51 : memref<200704x96xf32, #tpu.memory_space<hbm>>) target(%dma_start3A_45 : memref<98x96xf32, #tpu.memory_space<vmem>>) offsets(%dma_start3A_48 : memref<98xi32, #tpu.memory_space<vmem>>) semaphore(%arg23 : memref<!tpu.dma_semaphore, #tpu.memory_space<semaphore_mem>>)
      %add3A_52 = arith.constant 1 : i32
      %add3A_53 = arith.addi %mul3A_42, %add3A_52 : i32
      %dma_start3A_54 = arith.constant 98 : i32
      %dma_start3A_55 = arith.constant 0 : i32
      %dma_start3A_56 = tpu.memref_slice %arg20[%dma_start3A_54, %dma_start3A_55] : memref<196x96xf32, #tpu.memory_space<vmem>> -> memref<98x96xf32, #tpu.memory_space<vmem>>
      %dma_start3A_57 = arith.constant 0 : i32
      %dma_start3A_58 = tpu.memref_slice %arg17[%add3A_53, %dma_start3A_57] : memref<256x98xi32, #tpu.memory_space<vmem>> -> memref<1x98xi32, #tpu.memory_space<vmem>>
      %dma_start3A_59 = tpu.memref_squeeze %dma_start3A_58 : memref<1x98xi32, #tpu.memory_space<vmem>> -> memref<98xi32, #tpu.memory_space<vmem>>
      %dma_start3A_60 = arith.constant 0 : i32
      %dma_start3A_61 = arith.constant 0 : i32
      %dma_start3A_62 = tpu.memref_slice %arg2[%dma_start3A_60, %dma_start3A_61] : memref<200704x96xf32, #tpu.memory_space<hbm>> -> memref<200704x96xf32, #tpu.memory_space<hbm>>
      tpu.enqueue_indirect_dma source(%dma_start3A_62 : memref<200704x96xf32, #tpu.memory_space<hbm>>) target(%dma_start3A_56 : memref<98x96xf32, #tpu.memory_space<vmem>>) offsets(%dma_start3A_59 : memref<98xi32, #tpu.memory_space<vmem>>) semaphore(%arg23 : memref<!tpu.dma_semaphore, #tpu.memory_space<semaphore_mem>>)
      %dma_wait3A = arith.constant 0 : i32
      %dma_wait3A_63 = arith.constant 0 : i32
      %dma_wait3A_64 = arith.constant 0 : i32
      %dma_wait3A_65 = tpu.memref_slice %arg19[%dma_wait3A_63, %dma_wait3A_64] : memref<196x96xf32, #tpu.memory_space<vmem>> -> memref<98x96xf32, #tpu.memory_space<vmem>>
      %dma_wait3A_66 = arith.constant 0 : i32
      %dma_wait3A_67 = tpu.memref_slice %arg17[%dma_wait3A, %dma_wait3A_66] : memref<256x98xi32, #tpu.memory_space<vmem>> -> memref<1x98xi32, #tpu.memory_space<vmem>>
      %dma_wait3A_68 = tpu.memref_squeeze %dma_wait3A_67 : memref<1x98xi32, #tpu.memory_space<vmem>> -> memref<98xi32, #tpu.memory_space<vmem>>
      %dma_wait3A_69 = arith.constant 0 : i32
      %dma_wait3A_70 = arith.constant 0 : i32
      %dma_wait3A_71 = tpu.memref_slice %arg2[%dma_wait3A_69, %dma_wait3A_70] : memref<200704x96xf32, #tpu.memory_space<hbm>> -> memref<200704x96xf32, #tpu.memory_space<hbm>>
      tpu.wait_indirect_dma semaphore(%arg22 : memref<!tpu.dma_semaphore, #tpu.memory_space<semaphore_mem>>) src(%dma_wait3A_71 : memref<200704x96xf32, #tpu.memory_space<hbm>>) dst(%dma_wait3A_65 : memref<98x96xf32, #tpu.memory_space<vmem>>)
      %dma_wait3A_72 = arith.constant 0 : i32
      %dma_wait3A_73 = arith.constant 98 : i32
      %dma_wait3A_74 = arith.constant 0 : i32
      %dma_wait3A_75 = tpu.memref_slice %arg19[%dma_wait3A_73, %dma_wait3A_74] : memref<196x96xf32, #tpu.memory_space<vmem>> -> memref<98x96xf32, #tpu.memory_space<vmem>>
      %dma_wait3A_76 = arith.constant 0 : i32
      %dma_wait3A_77 = tpu.memref_slice %arg17[%dma_wait3A_72, %dma_wait3A_76] : memref<256x98xi32, #tpu.memory_space<vmem>> -> memref<1x98xi32, #tpu.memory_space<vmem>>
      %dma_wait3A_78 = tpu.memref_squeeze %dma_wait3A_77 : memref<1x98xi32, #tpu.memory_space<vmem>> -> memref<98xi32, #tpu.memory_space<vmem>>
      %dma_wait3A_79 = arith.constant 0 : i32
      %dma_wait3A_80 = arith.constant 0 : i32
      %dma_wait3A_81 = tpu.memref_slice %arg2[%dma_wait3A_79, %dma_wait3A_80] : memref<200704x96xf32, #tpu.memory_space<hbm>> -> memref<200704x96xf32, #tpu.memory_space<hbm>>
      tpu.wait_indirect_dma semaphore(%arg22 : memref<!tpu.dma_semaphore, #tpu.memory_space<semaphore_mem>>) src(%dma_wait3A_81 : memref<200704x96xf32, #tpu.memory_space<hbm>>) dst(%dma_wait3A_75 : memref<98x96xf32, #tpu.memory_space<vmem>>)
      %add3A_82 = arith.addi %mul3A_2, %mul3A_38 : i32
      %lt3A = arith.constant 4000 : i32
      %lt3A_83 = arith.cmpi slt, %add3A_82, %lt3A : i32
      %convert_element_type3A = arith.extui %lt3A_83 : i1 to i32
      %cond3A = arith.constant 0 : i32
      %cond3A_84 = arith.cmpi ne, %convert_element_type3A, %cond3A : i32
      scf.if %cond3A_84 {
        %mul3A_121 = arith.constant 196 : i32
        %mul3A_122 = arith.muli %mul3A_38, %mul3A_121 : i32
        %scan3A_123 = arith.constant 0 : i32
        %scan3A_124 = arith.constant 0 : i32
        %scan3A_125 = arith.constant 49 : i32
        %scan3A_126 = arith.addi %scan3A_124, %scan3A_125 : i32
        %scan3A_127 = arith.constant 1 : i32
        %scan3A_128 = scf.for %scan3A_130 = %scan3A_124 to %scan3A_126 step %scan3A_127 iter_args(%scan3A_131 = %scan3A_123) -> (i32)  : i32 {
          %mul3A_132 = arith.constant 4 : i32
          %mul3A_133 = arith.muli %scan3A_130, %mul3A_132 : i32
          %add3A_134 = arith.addi %mul3A_122, %mul3A_133 : i32
          %broadcast_in_dim3A = vector.broadcast %add3A_134 : i32 to vector<16xi32>
          %gather3A = tpu.vector_load_idx %arg18[%broadcast_in_dim3A] : memref<25088xf32, #tpu.memory_space<vmem>>[vector<16xi32>], vector<16xf32>,
          %add3A_135 = arith.constant 1 : i32
          %add3A_136 = arith.addi %add3A_134, %add3A_135 : i32
          %broadcast_in_dim3A_137 = vector.broadcast %add3A_136 : i32 to vector<16xi32>
          %gather3A_138 = tpu.vector_load_idx %arg18[%broadcast_in_dim3A_137] : memref<25088xf32, #tpu.memory_space<vmem>>[vector<16xi32>], vector<16xf32>,
          %add3A_139 = arith.constant 2 : i32
          %add3A_140 = arith.addi %add3A_134, %add3A_139 : i32
          %broadcast_in_dim3A_141 = vector.broadcast %add3A_140 : i32 to vector<16xi32>
          %gather3A_142 = tpu.vector_load_idx %arg18[%broadcast_in_dim3A_141] : memref<25088xf32, #tpu.memory_space<vmem>>[vector<16xi32>], vector<16xf32>,
          %add3A_143 = arith.constant 3 : i32
          %add3A_144 = arith.addi %add3A_134, %add3A_143 : i32
          %broadcast_in_dim3A_145 = vector.broadcast %add3A_144 : i32 to vector<16xi32>
          %gather3A_146 = tpu.vector_load_idx %arg18[%broadcast_in_dim3A_145] : memref<25088xf32, #tpu.memory_space<vmem>>[vector<16xi32>], vector<16xf32>,
          %mul3A_147 = arith.constant 4 : i32
          %mul3A_148 = arith.muli %scan3A_130, %mul3A_147 : i32
          %mul3A_149 = arith.constant 96 : i32
          %mul3A_150 = arith.muli %scan3A_130, %mul3A_149 : i32
          %add3A_151 = arith.constant 0 : i32
          %add3A_152 = vector.broadcast %add3A_151 : i32 to vector<16xi32>
          %add3A_153 = arith.addi %add3A_152, %iota3A : vector<16xi32>
          %broadcast_in_dim3A_154 = vector.broadcast %mul3A_148 : i32 to vector<16xi32>
          %gather3A_155 = tpu.vector_load_idx %arg19[%broadcast_in_dim3A_154, %add3A_153] : memref<196x96xf32, #tpu.memory_space<vmem>>[vector<16xi32>, vector<16xi32>], vector<16xf32>,
          %add3A_156 = arith.constant 1 : i32
          %add3A_157 = arith.addi %mul3A_148, %add3A_156 : i32
          %broadcast_in_dim3A_158 = vector.broadcast %add3A_157 : i32 to vector<16xi32>
          %gather3A_159 = tpu.vector_load_idx %arg19[%broadcast_in_dim3A_158, %add3A_153] : memref<196x96xf32, #tpu.memory_space<vmem>>[vector<16xi32>, vector<16xi32>], vector<16xf32>,
          %add3A_160 = arith.constant 2 : i32
          %add3A_161 = arith.addi %mul3A_148, %add3A_160 : i32
          %broadcast_in_dim3A_162 = vector.broadcast %add3A_161 : i32 to vector<16xi32>
          %gather3A_163 = tpu.vector_load_idx %arg19[%broadcast_in_dim3A_162, %add3A_153] : memref<196x96xf32, #tpu.memory_space<vmem>>[vector<16xi32>, vector<16xi32>], vector<16xf32>,
          %add3A_164 = arith.constant 3 : i32
          %add3A_165 = arith.addi %mul3A_148, %add3A_164 : i32
          %broadcast_in_dim3A_166 = vector.broadcast %add3A_165 : i32 to vector<16xi32>
          %gather3A_167 = tpu.vector_load_idx %arg19[%broadcast_in_dim3A_166, %add3A_153] : memref<196x96xf32, #tpu.memory_space<vmem>>[vector<16xi32>, vector<16xi32>], vector<16xf32>,
          %mul3A_168 = arith.mulf %gather3A, %gather3A_155 : vector<16xf32>
          %mul3A_169 = arith.mulf %gather3A_138, %gather3A_159 : vector<16xf32>
          %add3A_170 = arith.addf %mul3A_168, %mul3A_169 : vector<16xf32>
          %mul3A_171 = arith.mulf %gather3A_142, %gather3A_163 : vector<16xf32>
          %add3A_172 = arith.addf %add3A_170, %mul3A_171 : vector<16xf32>
          %mul3A_173 = arith.mulf %gather3A_146, %gather3A_167 : vector<16xf32>
          %add3A_174 = arith.addf %add3A_172, %mul3A_173 : vector<16xf32>
          %add3A_175 = arith.constant 0 : i32
          %add3A_176 = arith.addi %mul3A_150, %add3A_175 : i32
          %add3A_177 = vector.broadcast %add3A_176 : i32 to vector<16xi32>
          %add3A_178 = arith.addi %add3A_177, %iota3A : vector<16xi32>
          tpu.vector_store_idx %arg21[%add3A_178], %add3A_174 : memref<4704xf32, #tpu.memory_space<vmem>>[vector<16xi32>], vector<16xf32>,
          %add3A_179 = arith.constant 16 : i32
          %add3A_180 = vector.broadcast %add3A_179 : i32 to vector<16xi32>
          %add3A_181 = arith.addi %add3A_180, %iota3A : vector<16xi32>
          %broadcast_in_dim3A_182 = vector.broadcast %mul3A_148 : i32 to vector<16xi32>
          %gather3A_183 = tpu.vector_load_idx %arg19[%broadcast_in_dim3A_182, %add3A_181] : memref<196x96xf32, #tpu.memory_space<vmem>>[vector<16xi32>, vector<16xi32>], vector<16xf32>,
          %add3A_184 = arith.constant 1 : i32
          %add3A_185 = arith.addi %mul3A_148, %add3A_184 : i32
          %broadcast_in_dim3A_186 = vector.broadcast %add3A_185 : i32 to vector<16xi32>
          %gather3A_187 = tpu.vector_load_idx %arg19[%broadcast_in_dim3A_186, %add3A_181] : memref<196x96xf32, #tpu.memory_space<vmem>>[vector<16xi32>, vector<16xi32>], vector<16xf32>,
          %add3A_188 = arith.constant 2 : i32
          %add3A_189 = arith.addi %mul3A_148, %add3A_188 : i32
          %broadcast_in_dim3A_190 = vector.broadcast %add3A_189 : i32 to vector<16xi32>
          %gather3A_191 = tpu.vector_load_idx %arg19[%broadcast_in_dim3A_190, %add3A_181] : memref<196x96xf32, #tpu.memory_space<vmem>>[vector<16xi32>, vector<16xi32>], vector<16xf32>,
          %add3A_192 = arith.constant 3 : i32
          %add3A_193 = arith.addi %mul3A_148, %add3A_192 : i32
          %broadcast_in_dim3A_194 = vector.broadcast %add3A_193 : i32 to vector<16xi32>
          %gather3A_195 = tpu.vector_load_idx %arg19[%broadcast_in_dim3A_194, %add3A_181] : memref<196x96xf32, #tpu.memory_space<vmem>>[vector<16xi32>, vector<16xi32>], vector<16xf32>,
          %mul3A_196 = arith.mulf %gather3A, %gather3A_183 : vector<16xf32>
          %mul3A_197 = arith.mulf %gather3A_138, %gather3A_187 : vector<16xf32>
          %add3A_198 = arith.addf %mul3A_196, %mul3A_197 : vector<16xf32>
          %mul3A_199 = arith.mulf %gather3A_142, %gather3A_191 : vector<16xf32>
          %add3A_200 = arith.addf %add3A_198, %mul3A_199 : vector<16xf32>
          %mul3A_201 = arith.mulf %gather3A_146, %gather3A_195 : vector<16xf32>
          %add3A_202 = arith.addf %add3A_200, %mul3A_201 : vector<16xf32>
          %add3A_203 = arith.constant 16 : i32
          %add3A_204 = arith.addi %mul3A_150, %add3A_203 : i32
          %add3A_205 = vector.broadcast %add3A_204 : i32 to vector<16xi32>
          %add3A_206 = arith.addi %add3A_205, %iota3A : vector<16xi32>
          tpu.vector_store_idx %arg21[%add3A_206], %add3A_202 : memref<4704xf32, #tpu.memory_space<vmem>>[vector<16xi32>], vector<16xf32>,
          %add3A_207 = arith.constant 32 : i32
          %add3A_208 = vector.broadcast %add3A_207 : i32 to vector<16xi32>
          %add3A_209 = arith.addi %add3A_208, %iota3A : vector<16xi32>
          %broadcast_in_dim3A_210 = vector.broadcast %mul3A_148 : i32 to vector<16xi32>
          %gather3A_211 = tpu.vector_load_idx %arg19[%broadcast_in_dim3A_210, %add3A_209] : memref<196x96xf32, #tpu.memory_space<vmem>>[vector<16xi32>, vector<16xi32>], vector<16xf32>,
          %add3A_212 = arith.constant 1 : i32
          %add3A_213 = arith.addi %mul3A_148, %add3A_212 : i32
          %broadcast_in_dim3A_214 = vector.broadcast %add3A_213 : i32 to vector<16xi32>
          %gather3A_215 = tpu.vector_load_idx %arg19[%broadcast_in_dim3A_214, %add3A_209] : memref<196x96xf32, #tpu.memory_space<vmem>>[vector<16xi32>, vector<16xi32>], vector<16xf32>,
          %add3A_216 = arith.constant 2 : i32
          %add3A_217 = arith.addi %mul3A_148, %add3A_216 : i32
          %broadcast_in_dim3A_218 = vector.broadcast %add3A_217 : i32 to vector<16xi32>
          %gather3A_219 = tpu.vector_load_idx %arg19[%broadcast_in_dim3A_218, %add3A_209] : memref<196x96xf32, #tpu.memory_space<vmem>>[vector<16xi32>, vector<16xi32>], vector<16xf32>,
          %add3A_220 = arith.constant 3 : i32
          %add3A_221 = arith.addi %mul3A_148, %add3A_220 : i32
          %broadcast_in_dim3A_222 = vector.broadcast %add3A_221 : i32 to vector<16xi32>
          %gather3A_223 = tpu.vector_load_idx %arg19[%broadcast_in_dim3A_222, %add3A_209] : memref<196x96xf32, #tpu.memory_space<vmem>>[vector<16xi32>, vector<16xi32>], vector<16xf32>,
          %mul3A_224 = arith.mulf %gather3A, %gather3A_211 : vector<16xf32>
          %mul3A_225 = arith.mulf %gather3A_138, %gather3A_215 : vector<16xf32>
          %add3A_226 = arith.addf %mul3A_224, %mul3A_225 : vector<16xf32>
          %mul3A_227 = arith.mulf %gather3A_142, %gather3A_219 : vector<16xf32>
          %add3A_228 = arith.addf %add3A_226, %mul3A_227 : vector<16xf32>
          %mul3A_229 = arith.mulf %gather3A_146, %gather3A_223 : vector<16xf32>
          %add3A_230 = arith.addf %add3A_228, %mul3A_229 : vector<16xf32>
          %add3A_231 = arith.constant 32 : i32
          %add3A_232 = arith.addi %mul3A_150, %add3A_231 : i32
          %add3A_233 = vector.broadcast %add3A_232 : i32 to vector<16xi32>
          %add3A_234 = arith.addi %add3A_233, %iota3A : vector<16xi32>
          tpu.vector_store_idx %arg21[%add3A_234], %add3A_230 : memref<4704xf32, #tpu.memory_space<vmem>>[vector<16xi32>], vector<16xf32>,
          %add3A_235 = arith.constant 48 : i32
          %add3A_236 = vector.broadcast %add3A_235 : i32 to vector<16xi32>
          %add3A_237 = arith.addi %add3A_236, %iota3A : vector<16xi32>
          %broadcast_in_dim3A_238 = vector.broadcast %mul3A_148 : i32 to vector<16xi32>
          %gather3A_239 = tpu.vector_load_idx %arg19[%broadcast_in_dim3A_238, %add3A_237] : memref<196x96xf32, #tpu.memory_space<vmem>>[vector<16xi32>, vector<16xi32>], vector<16xf32>,
          %add3A_240 = arith.constant 1 : i32
          %add3A_241 = arith.addi %mul3A_148, %add3A_240 : i32
          %broadcast_in_dim3A_242 = vector.broadcast %add3A_241 : i32 to vector<16xi32>
          %gather3A_243 = tpu.vector_load_idx %arg19[%broadcast_in_dim3A_242, %add3A_237] : memref<196x96xf32, #tpu.memory_space<vmem>>[vector<16xi32>, vector<16xi32>], vector<16xf32>,
          %add3A_244 = arith.constant 2 : i32
          %add3A_245 = arith.addi %mul3A_148, %add3A_244 : i32
          %broadcast_in_dim3A_246 = vector.broadcast %add3A_245 : i32 to vector<16xi32>
          %gather3A_247 = tpu.vector_load_idx %arg19[%broadcast_in_dim3A_246, %add3A_237] : memref<196x96xf32, #tpu.memory_space<vmem>>[vector<16xi32>, vector<16xi32>], vector<16xf32>,
          %add3A_248 = arith.constant 3 : i32
          %add3A_249 = arith.addi %mul3A_148, %add3A_248 : i32
          %broadcast_in_dim3A_250 = vector.broadcast %add3A_249 : i32 to vector<16xi32>
          %gather3A_251 = tpu.vector_load_idx %arg19[%broadcast_in_dim3A_250, %add3A_237] : memref<196x96xf32, #tpu.memory_space<vmem>>[vector<16xi32>, vector<16xi32>], vector<16xf32>,
          %mul3A_252 = arith.mulf %gather3A, %gather3A_239 : vector<16xf32>
          %mul3A_253 = arith.mulf %gather3A_138, %gather3A_243 : vector<16xf32>
          %add3A_254 = arith.addf %mul3A_252, %mul3A_253 : vector<16xf32>
          %mul3A_255 = arith.mulf %gather3A_142, %gather3A_247 : vector<16xf32>
          %add3A_256 = arith.addf %add3A_254, %mul3A_255 : vector<16xf32>
          %mul3A_257 = arith.mulf %gather3A_146, %gather3A_251 : vector<16xf32>
          %add3A_258 = arith.addf %add3A_256, %mul3A_257 : vector<16xf32>
          %add3A_259 = arith.constant 48 : i32
          %add3A_260 = arith.addi %mul3A_150, %add3A_259 : i32
          %add3A_261 = vector.broadcast %add3A_260 : i32 to vector<16xi32>
          %add3A_262 = arith.addi %add3A_261, %iota3A : vector<16xi32>
          tpu.vector_store_idx %arg21[%add3A_262], %add3A_258 : memref<4704xf32, #tpu.memory_space<vmem>>[vector<16xi32>], vector<16xf32>,
          %add3A_263 = arith.constant 64 : i32
          %add3A_264 = vector.broadcast %add3A_263 : i32 to vector<16xi32>
          %add3A_265 = arith.addi %add3A_264, %iota3A : vector<16xi32>
          %broadcast_in_dim3A_266 = vector.broadcast %mul3A_148 : i32 to vector<16xi32>
          %gather3A_267 = tpu.vector_load_idx %arg19[%broadcast_in_dim3A_266, %add3A_265] : memref<196x96xf32, #tpu.memory_space<vmem>>[vector<16xi32>, vector<16xi32>], vector<16xf32>,
          %add3A_268 = arith.constant 1 : i32
          %add3A_269 = arith.addi %mul3A_148, %add3A_268 : i32
          %broadcast_in_dim3A_270 = vector.broadcast %add3A_269 : i32 to vector<16xi32>
          %gather3A_271 = tpu.vector_load_idx %arg19[%broadcast_in_dim3A_270, %add3A_265] : memref<196x96xf32, #tpu.memory_space<vmem>>[vector<16xi32>, vector<16xi32>], vector<16xf32>,
          %add3A_272 = arith.constant 2 : i32
          %add3A_273 = arith.addi %mul3A_148, %add3A_272 : i32
          %broadcast_in_dim3A_274 = vector.broadcast %add3A_273 : i32 to vector<16xi32>
          %gather3A_275 = tpu.vector_load_idx %arg19[%broadcast_in_dim3A_274, %add3A_265] : memref<196x96xf32, #tpu.memory_space<vmem>>[vector<16xi32>, vector<16xi32>], vector<16xf32>,
          %add3A_276 = arith.constant 3 : i32
          %add3A_277 = arith.addi %mul3A_148, %add3A_276 : i32
          %broadcast_in_dim3A_278 = vector.broadcast %add3A_277 : i32 to vector<16xi32>
          %gather3A_279 = tpu.vector_load_idx %arg19[%broadcast_in_dim3A_278, %add3A_265] : memref<196x96xf32, #tpu.memory_space<vmem>>[vector<16xi32>, vector<16xi32>], vector<16xf32>,
          %mul3A_280 = arith.mulf %gather3A, %gather3A_267 : vector<16xf32>
          %mul3A_281 = arith.mulf %gather3A_138, %gather3A_271 : vector<16xf32>
          %add3A_282 = arith.addf %mul3A_280, %mul3A_281 : vector<16xf32>
          %mul3A_283 = arith.mulf %gather3A_142, %gather3A_275 : vector<16xf32>
          %add3A_284 = arith.addf %add3A_282, %mul3A_283 : vector<16xf32>
          %mul3A_285 = arith.mulf %gather3A_146, %gather3A_279 : vector<16xf32>
          %add3A_286 = arith.addf %add3A_284, %mul3A_285 : vector<16xf32>
          %add3A_287 = arith.constant 64 : i32
          %add3A_288 = arith.addi %mul3A_150, %add3A_287 : i32
          %add3A_289 = vector.broadcast %add3A_288 : i32 to vector<16xi32>
          %add3A_290 = arith.addi %add3A_289, %iota3A : vector<16xi32>
          tpu.vector_store_idx %arg21[%add3A_290], %add3A_286 : memref<4704xf32, #tpu.memory_space<vmem>>[vector<16xi32>], vector<16xf32>,
          %add3A_291 = arith.constant 80 : i32
          %add3A_292 = vector.broadcast %add3A_291 : i32 to vector<16xi32>
          %add3A_293 = arith.addi %add3A_292, %iota3A : vector<16xi32>
          %broadcast_in_dim3A_294 = vector.broadcast %mul3A_148 : i32 to vector<16xi32>
          %gather3A_295 = tpu.vector_load_idx %arg19[%broadcast_in_dim3A_294, %add3A_293] : memref<196x96xf32, #tpu.memory_space<vmem>>[vector<16xi32>, vector<16xi32>], vector<16xf32>,
          %add3A_296 = arith.constant 1 : i32
          %add3A_297 = arith.addi %mul3A_148, %add3A_296 : i32
          %broadcast_in_dim3A_298 = vector.broadcast %add3A_297 : i32 to vector<16xi32>
          %gather3A_299 = tpu.vector_load_idx %arg19[%broadcast_in_dim3A_298, %add3A_293] : memref<196x96xf32, #tpu.memory_space<vmem>>[vector<16xi32>, vector<16xi32>], vector<16xf32>,
          %add3A_300 = arith.constant 2 : i32
          %add3A_301 = arith.addi %mul3A_148, %add3A_300 : i32
          %broadcast_in_dim3A_302 = vector.broadcast %add3A_301 : i32 to vector<16xi32>
          %gather3A_303 = tpu.vector_load_idx %arg19[%broadcast_in_dim3A_302, %add3A_293] : memref<196x96xf32, #tpu.memory_space<vmem>>[vector<16xi32>, vector<16xi32>], vector<16xf32>,
          %add3A_304 = arith.constant 3 : i32
          %add3A_305 = arith.addi %mul3A_148, %add3A_304 : i32
          %broadcast_in_dim3A_306 = vector.broadcast %add3A_305 : i32 to vector<16xi32>
          %gather3A_307 = tpu.vector_load_idx %arg19[%broadcast_in_dim3A_306, %add3A_293] : memref<196x96xf32, #tpu.memory_space<vmem>>[vector<16xi32>, vector<16xi32>], vector<16xf32>,
          %mul3A_308 = arith.mulf %gather3A, %gather3A_295 : vector<16xf32>
          %mul3A_309 = arith.mulf %gather3A_138, %gather3A_299 : vector<16xf32>
          %add3A_310 = arith.addf %mul3A_308, %mul3A_309 : vector<16xf32>
          %mul3A_311 = arith.mulf %gather3A_142, %gather3A_303 : vector<16xf32>
          %add3A_312 = arith.addf %add3A_310, %mul3A_311 : vector<16xf32>
          %mul3A_313 = arith.mulf %gather3A_146, %gather3A_307 : vector<16xf32>
          %add3A_314 = arith.addf %add3A_312, %mul3A_313 : vector<16xf32>
          %add3A_315 = arith.constant 80 : i32
          %add3A_316 = arith.addi %mul3A_150, %add3A_315 : i32
          %add3A_317 = vector.broadcast %add3A_316 : i32 to vector<16xi32>
          %add3A_318 = arith.addi %add3A_317, %iota3A : vector<16xi32>
          tpu.vector_store_idx %arg21[%add3A_318], %add3A_314 : memref<4704xf32, #tpu.memory_space<vmem>>[vector<16xi32>], vector<16xf32>,
          %scan3A_319 = arith.constant 0 : i32
          scf.yield %scan3A_319 : i32
        }
        %scan3A_129 = arith.constant 49 : i32
        "tpu.region"() ({
          %run_scoped3A = tpu.sem_alloc : memref<!tpu.dma_semaphore, #tpu.memory_space<semaphore_mem>>
          %dma_start3A_130 = arith.constant 0 : i32
          %dma_start3A_131 = tpu.memref_slice %arg4[%add3A_82, %dma_start3A_130] : memref<4000x4704xf32, #tpu.memory_space<hbm>> -> memref<1x4704xf32, #tpu.memory_space<hbm>>
          %dma_start3A_132 = tpu.memref_squeeze %dma_start3A_131 : memref<1x4704xf32, #tpu.memory_space<hbm>> -> memref<4704xf32, #tpu.memory_space<hbm>>
          %dma_start3A_133 = arith.constant 0 : i32
          %dma_start3A_134 = tpu.memref_slice %arg4[%add3A_82, %dma_start3A_133] : memref<4000x4704xf32, #tpu.memory_space<hbm>> -> memref<1x4704xf32, #tpu.memory_space<hbm>>
          %dma_start3A_135 = tpu.memref_squeeze %dma_start3A_134 : memref<1x4704xf32, #tpu.memory_space<hbm>> -> memref<4704xf32, #tpu.memory_space<hbm>>
          tpu.enqueue_dma source(%arg21 : memref<4704xf32, #tpu.memory_space<vmem>>) target(%dma_start3A_135 : memref<4704xf32, #tpu.memory_space<hbm>>) target_semaphore(%run_scoped3A : memref<!tpu.dma_semaphore, #tpu.memory_space<semaphore_mem>>)
          %dma_wait3A_136 = arith.constant 0 : i32
          %dma_wait3A_137 = tpu.memref_slice %arg4[%add3A_82, %dma_wait3A_136] : memref<4000x4704xf32, #tpu.memory_space<hbm>> -> memref<1x4704xf32, #tpu.memory_space<hbm>>
          %dma_wait3A_138 = tpu.memref_squeeze %dma_wait3A_137 : memref<1x4704xf32, #tpu.memory_space<hbm>> -> memref<4704xf32, #tpu.memory_space<hbm>>
          %dma_wait3A_139 = arith.constant 0 : i32
          %dma_wait3A_140 = tpu.memref_slice %arg4[%add3A_82, %dma_wait3A_139] : memref<4000x4704xf32, #tpu.memory_space<hbm>> -> memref<1x4704xf32, #tpu.memory_space<hbm>>
          %dma_wait3A_141 = tpu.memref_squeeze %dma_wait3A_140 : memref<1x4704xf32, #tpu.memory_space<hbm>> -> memref<4704xf32, #tpu.memory_space<hbm>>
          tpu.wait_dma2 semaphore(%run_scoped3A : memref<!tpu.dma_semaphore, #tpu.memory_space<semaphore_mem>>) src(%arg21 : memref<4704xf32, #tpu.memory_space<vmem>>) dst(%dma_wait3A_141 : memref<4704xf32, #tpu.memory_space<hbm>>)
          tpu.yield
        }) : () -> ()
      } else {
      }
      %add3A_85 = arith.constant 2 : i32
      %add3A_86 = arith.addi %mul3A_38, %add3A_85 : i32
      %lt3A_87 = arith.constant 128 : i32
      %lt3A_88 = arith.cmpi slt, %add3A_86, %lt3A_87 : i32
      %convert_element_type3A_89 = arith.extui %lt3A_88 : i1 to i32
      %cond3A_90 = arith.constant 0 : i32
      %cond3A_91 = arith.cmpi ne, %convert_element_type3A_89, %cond3A_90 : i32
      scf.if %cond3A_91 {
        %add3A_121 = arith.constant 2 : i32
        %add3A_122 = arith.addi %mul3A_38, %add3A_121 : i32
        %mul3A_123 = arith.constant 2 : i32
        %mul3A_124 = arith.muli %add3A_122, %mul3A_123 : i32
        %dma_start3A_125 = arith.constant 0 : i32
        %dma_start3A_126 = arith.constant 0 : i32
        %dma_start3A_127 = tpu.memref_slice %arg19[%dma_start3A_125, %dma_start3A_126] : memref<196x96xf32, #tpu.memory_space<vmem>> -> memref<98x96xf32, #tpu.memory_space<vmem>>
        %dma_start3A_128 = arith.constant 0 : i32
        %dma_start3A_129 = tpu.memref_slice %arg17[%mul3A_124, %dma_start3A_128] : memref<256x98xi32, #tpu.memory_space<vmem>> -> memref<1x98xi32, #tpu.memory_space<vmem>>
        %dma_start3A_130 = tpu.memref_squeeze %dma_start3A_129 : memref<1x98xi32, #tpu.memory_space<vmem>> -> memref<98xi32, #tpu.memory_space<vmem>>
        %dma_start3A_131 = arith.constant 0 : i32
        %dma_start3A_132 = arith.constant 0 : i32
        %dma_start3A_133 = tpu.memref_slice %arg2[%dma_start3A_131, %dma_start3A_132] : memref<200704x96xf32, #tpu.memory_space<hbm>> -> memref<200704x96xf32, #tpu.memory_space<hbm>>
        tpu.enqueue_indirect_dma source(%dma_start3A_133 : memref<200704x96xf32, #tpu.memory_space<hbm>>) target(%dma_start3A_127 : memref<98x96xf32, #tpu.memory_space<vmem>>) offsets(%dma_start3A_130 : memref<98xi32, #tpu.memory_space<vmem>>) semaphore(%arg22 : memref<!tpu.dma_semaphore, #tpu.memory_space<semaphore_mem>>)
        %add3A_134 = arith.constant 1 : i32
        %add3A_135 = arith.addi %mul3A_124, %add3A_134 : i32
        %dma_start3A_136 = arith.constant 98 : i32
        %dma_start3A_137 = arith.constant 0 : i32
        %dma_start3A_138 = tpu.memref_slice %arg19[%dma_start3A_136, %dma_start3A_137] : memref<196x96xf32, #tpu.memory_space<vmem>> -> memref<98x96xf32, #tpu.memory_space<vmem>>
        %dma_start3A_139 = arith.constant 0 : i32
        %dma_start3A_140 = tpu.memref_slice %arg17[%add3A_135, %dma_start3A_139] : memref<256x98xi32, #tpu.memory_space<vmem>> -> memref<1x98xi32, #tpu.memory_space<vmem>>
        %dma_start3A_141 = tpu.memref_squeeze %dma_start3A_140 : memref<1x98xi32, #tpu.memory_space<vmem>> -> memref<98xi32, #tpu.memory_space<vmem>>
        %dma_start3A_142 = arith.constant 0 : i32
        %dma_start3A_143 = arith.constant 0 : i32
        %dma_start3A_144 = tpu.memref_slice %arg2[%dma_start3A_142, %dma_start3A_143] : memref<200704x96xf32, #tpu.memory_space<hbm>> -> memref<200704x96xf32, #tpu.memory_space<hbm>>
        tpu.enqueue_indirect_dma source(%dma_start3A_144 : memref<200704x96xf32, #tpu.memory_space<hbm>>) target(%dma_start3A_138 : memref<98x96xf32, #tpu.memory_space<vmem>>) offsets(%dma_start3A_141 : memref<98xi32, #tpu.memory_space<vmem>>) semaphore(%arg22 : memref<!tpu.dma_semaphore, #tpu.memory_space<semaphore_mem>>)
      } else {
      }
      %dma_wait3A_92 = arith.constant 0 : i32
      %dma_wait3A_93 = arith.constant 0 : i32
      %dma_wait3A_94 = arith.constant 0 : i32
      %dma_wait3A_95 = tpu.memref_slice %arg20[%dma_wait3A_93, %dma_wait3A_94] : memref<196x96xf32, #tpu.memory_space<vmem>> -> memref<98x96xf32, #tpu.memory_space<vmem>>
      %dma_wait3A_96 = arith.constant 0 : i32
      %dma_wait3A_97 = tpu.memref_slice %arg17[%dma_wait3A_92, %dma_wait3A_96] : memref<256x98xi32, #tpu.memory_space<vmem>> -> memref<1x98xi32, #tpu.memory_space<vmem>>
      %dma_wait3A_98 = tpu.memref_squeeze %dma_wait3A_97 : memref<1x98xi32, #tpu.memory_space<vmem>> -> memref<98xi32, #tpu.memory_space<vmem>>
      %dma_wait3A_99 = arith.constant 0 : i32
      %dma_wait3A_100 = arith.constant 0 : i32
      %dma_wait3A_101 = tpu.memref_slice %arg2[%dma_wait3A_99, %dma_wait3A_100] : memref<200704x96xf32, #tpu.memory_space<hbm>> -> memref<200704x96xf32, #tpu.memory_space<hbm>>
      tpu.wait_indirect_dma semaphore(%arg23 : memref<!tpu.dma_semaphore, #tpu.memory_space<semaphore_mem>>) src(%dma_wait3A_101 : memref<200704x96xf32, #tpu.memory_space<hbm>>) dst(%dma_wait3A_95 : memref<98x96xf32, #tpu.memory_space<vmem>>)
      %dma_wait3A_102 = arith.constant 0 : i32
      %dma_wait3A_103 = arith.constant 98 : i32
      %dma_wait3A_104 = arith.constant 0 : i32
      %dma_wait3A_105 = tpu.memref_slice %arg20[%dma_wait3A_103, %dma_wait3A_104] : memref<196x96xf32, #tpu.memory_space<vmem>> -> memref<98x96xf32, #tpu.memory_space<vmem>>
      %dma_wait3A_106 = arith.constant 0 : i32
      %dma_wait3A_107 = tpu.memref_slice %arg17[%dma_wait3A_102, %dma_wait3A_106] : memref<256x98xi32, #tpu.memory_space<vmem>> -> memref<1x98xi32, #tpu.memory_space<vmem>>
      %dma_wait3A_108 = tpu.memref_squeeze %dma_wait3A_107 : memref<1x98xi32, #tpu.memory_space<vmem>> -> memref<98xi32, #tpu.memory_space<vmem>>
      %dma_wait3A_109 = arith.constant 0 : i32
      %dma_wait3A_110 = arith.constant 0 : i32
      %dma_wait3A_111 = tpu.memref_slice %arg2[%dma_wait3A_109, %dma_wait3A_110] : memref<200704x96xf32, #tpu.memory_space<hbm>> -> memref<200704x96xf32, #tpu.memory_space<hbm>>
      tpu.wait_indirect_dma semaphore(%arg23 : memref<!tpu.dma_semaphore, #tpu.memory_space<semaphore_mem>>) src(%dma_wait3A_111 : memref<200704x96xf32, #tpu.memory_space<hbm>>) dst(%dma_wait3A_105 : memref<98x96xf32, #tpu.memory_space<vmem>>)
      %add3A_112 = arith.constant 1 : i32
      %add3A_113 = arith.addi %mul3A_38, %add3A_112 : i32
      %add3A_114 = arith.addi %mul3A_2, %add3A_113 : i32
      %lt3A_115 = arith.constant 4000 : i32
      %lt3A_116 = arith.cmpi slt, %add3A_114, %lt3A_115 : i32
      %convert_element_type3A_117 = arith.extui %lt3A_116 : i1 to i32
      %cond3A_118 = arith.constant 0 : i32
      %cond3A_119 = arith.cmpi ne, %convert_element_type3A_117, %cond3A_118 : i32
      scf.if %cond3A_119 {
        %mul3A_121 = arith.constant 196 : i32
        %mul3A_122 = arith.muli %add3A_113, %mul3A_121 : i32
        %scan3A_123 = arith.constant 0 : i32
        %scan3A_124 = arith.constant 0 : i32
        %scan3A_125 = arith.constant 49 : i32
        %scan3A_126 = arith.addi %scan3A_124, %scan3A_125 : i32
        %scan3A_127 = arith.constant 1 : i32
        %scan3A_128 = scf.for %scan3A_130 = %scan3A_124 to %scan3A_126 step %scan3A_127 iter_args(%scan3A_131 = %scan3A_123) -> (i32)  : i32 {
          %mul3A_132 = arith.constant 4 : i32
          %mul3A_133 = arith.muli %scan3A_130, %mul3A_132 : i32
          %add3A_134 = arith.addi %mul3A_122, %mul3A_133 : i32
          %broadcast_in_dim3A = vector.broadcast %add3A_134 : i32 to vector<16xi32>
          %gather3A = tpu.vector_load_idx %arg18[%broadcast_in_dim3A] : memref<25088xf32, #tpu.memory_space<vmem>>[vector<16xi32>], vector<16xf32>,
          %add3A_135 = arith.constant 1 : i32
          %add3A_136 = arith.addi %add3A_134, %add3A_135 : i32
          %broadcast_in_dim3A_137 = vector.broadcast %add3A_136 : i32 to vector<16xi32>
          %gather3A_138 = tpu.vector_load_idx %arg18[%broadcast_in_dim3A_137] : memref<25088xf32, #tpu.memory_space<vmem>>[vector<16xi32>], vector<16xf32>,
          %add3A_139 = arith.constant 2 : i32
          %add3A_140 = arith.addi %add3A_134, %add3A_139 : i32
          %broadcast_in_dim3A_141 = vector.broadcast %add3A_140 : i32 to vector<16xi32>
          %gather3A_142 = tpu.vector_load_idx %arg18[%broadcast_in_dim3A_141] : memref<25088xf32, #tpu.memory_space<vmem>>[vector<16xi32>], vector<16xf32>,
          %add3A_143 = arith.constant 3 : i32
          %add3A_144 = arith.addi %add3A_134, %add3A_143 : i32
          %broadcast_in_dim3A_145 = vector.broadcast %add3A_144 : i32 to vector<16xi32>
          %gather3A_146 = tpu.vector_load_idx %arg18[%broadcast_in_dim3A_145] : memref<25088xf32, #tpu.memory_space<vmem>>[vector<16xi32>], vector<16xf32>,
          %mul3A_147 = arith.constant 4 : i32
          %mul3A_148 = arith.muli %scan3A_130, %mul3A_147 : i32
          %mul3A_149 = arith.constant 96 : i32
          %mul3A_150 = arith.muli %scan3A_130, %mul3A_149 : i32
          %add3A_151 = arith.constant 0 : i32
          %add3A_152 = vector.broadcast %add3A_151 : i32 to vector<16xi32>
          %add3A_153 = arith.addi %add3A_152, %iota3A : vector<16xi32>
          %broadcast_in_dim3A_154 = vector.broadcast %mul3A_148 : i32 to vector<16xi32>
          %gather3A_155 = tpu.vector_load_idx %arg20[%broadcast_in_dim3A_154, %add3A_153] : memref<196x96xf32, #tpu.memory_space<vmem>>[vector<16xi32>, vector<16xi32>], vector<16xf32>,
          %add3A_156 = arith.constant 1 : i32
          %add3A_157 = arith.addi %mul3A_148, %add3A_156 : i32
          %broadcast_in_dim3A_158 = vector.broadcast %add3A_157 : i32 to vector<16xi32>
          %gather3A_159 = tpu.vector_load_idx %arg20[%broadcast_in_dim3A_158, %add3A_153] : memref<196x96xf32, #tpu.memory_space<vmem>>[vector<16xi32>, vector<16xi32>], vector<16xf32>,
          %add3A_160 = arith.constant 2 : i32
          %add3A_161 = arith.addi %mul3A_148, %add3A_160 : i32
          %broadcast_in_dim3A_162 = vector.broadcast %add3A_161 : i32 to vector<16xi32>
          %gather3A_163 = tpu.vector_load_idx %arg20[%broadcast_in_dim3A_162, %add3A_153] : memref<196x96xf32, #tpu.memory_space<vmem>>[vector<16xi32>, vector<16xi32>], vector<16xf32>,
          %add3A_164 = arith.constant 3 : i32
          %add3A_165 = arith.addi %mul3A_148, %add3A_164 : i32
          %broadcast_in_dim3A_166 = vector.broadcast %add3A_165 : i32 to vector<16xi32>
          %gather3A_167 = tpu.vector_load_idx %arg20[%broadcast_in_dim3A_166, %add3A_153] : memref<196x96xf32, #tpu.memory_space<vmem>>[vector<16xi32>, vector<16xi32>], vector<16xf32>,
          %mul3A_168 = arith.mulf %gather3A, %gather3A_155 : vector<16xf32>
          %mul3A_169 = arith.mulf %gather3A_138, %gather3A_159 : vector<16xf32>
          %add3A_170 = arith.addf %mul3A_168, %mul3A_169 : vector<16xf32>
          %mul3A_171 = arith.mulf %gather3A_142, %gather3A_163 : vector<16xf32>
          %add3A_172 = arith.addf %add3A_170, %mul3A_171 : vector<16xf32>
          %mul3A_173 = arith.mulf %gather3A_146, %gather3A_167 : vector<16xf32>
          %add3A_174 = arith.addf %add3A_172, %mul3A_173 : vector<16xf32>
          %add3A_175 = arith.constant 0 : i32
          %add3A_176 = arith.addi %mul3A_150, %add3A_175 : i32
          %add3A_177 = vector.broadcast %add3A_176 : i32 to vector<16xi32>
          %add3A_178 = arith.addi %add3A_177, %iota3A : vector<16xi32>
          tpu.vector_store_idx %arg21[%add3A_178], %add3A_174 : memref<4704xf32, #tpu.memory_space<vmem>>[vector<16xi32>], vector<16xf32>,
          %add3A_179 = arith.constant 16 : i32
          %add3A_180 = vector.broadcast %add3A_179 : i32 to vector<16xi32>
          %add3A_181 = arith.addi %add3A_180, %iota3A : vector<16xi32>
          %broadcast_in_dim3A_182 = vector.broadcast %mul3A_148 : i32 to vector<16xi32>
          %gather3A_183 = tpu.vector_load_idx %arg20[%broadcast_in_dim3A_182, %add3A_181] : memref<196x96xf32, #tpu.memory_space<vmem>>[vector<16xi32>, vector<16xi32>], vector<16xf32>,
          %add3A_184 = arith.constant 1 : i32
          %add3A_185 = arith.addi %mul3A_148, %add3A_184 : i32
          %broadcast_in_dim3A_186 = vector.broadcast %add3A_185 : i32 to vector<16xi32>
          %gather3A_187 = tpu.vector_load_idx %arg20[%broadcast_in_dim3A_186, %add3A_181] : memref<196x96xf32, #tpu.memory_space<vmem>>[vector<16xi32>, vector<16xi32>], vector<16xf32>,
          %add3A_188 = arith.constant 2 : i32
          %add3A_189 = arith.addi %mul3A_148, %add3A_188 : i32
          %broadcast_in_dim3A_190 = vector.broadcast %add3A_189 : i32 to vector<16xi32>
          %gather3A_191 = tpu.vector_load_idx %arg20[%broadcast_in_dim3A_190, %add3A_181] : memref<196x96xf32, #tpu.memory_space<vmem>>[vector<16xi32>, vector<16xi32>], vector<16xf32>,
          %add3A_192 = arith.constant 3 : i32
          %add3A_193 = arith.addi %mul3A_148, %add3A_192 : i32
          %broadcast_in_dim3A_194 = vector.broadcast %add3A_193 : i32 to vector<16xi32>
          %gather3A_195 = tpu.vector_load_idx %arg20[%broadcast_in_dim3A_194, %add3A_181] : memref<196x96xf32, #tpu.memory_space<vmem>>[vector<16xi32>, vector<16xi32>], vector<16xf32>,
          %mul3A_196 = arith.mulf %gather3A, %gather3A_183 : vector<16xf32>
          %mul3A_197 = arith.mulf %gather3A_138, %gather3A_187 : vector<16xf32>
          %add3A_198 = arith.addf %mul3A_196, %mul3A_197 : vector<16xf32>
          %mul3A_199 = arith.mulf %gather3A_142, %gather3A_191 : vector<16xf32>
          %add3A_200 = arith.addf %add3A_198, %mul3A_199 : vector<16xf32>
          %mul3A_201 = arith.mulf %gather3A_146, %gather3A_195 : vector<16xf32>
          %add3A_202 = arith.addf %add3A_200, %mul3A_201 : vector<16xf32>
          %add3A_203 = arith.constant 16 : i32
          %add3A_204 = arith.addi %mul3A_150, %add3A_203 : i32
          %add3A_205 = vector.broadcast %add3A_204 : i32 to vector<16xi32>
          %add3A_206 = arith.addi %add3A_205, %iota3A : vector<16xi32>
          tpu.vector_store_idx %arg21[%add3A_206], %add3A_202 : memref<4704xf32, #tpu.memory_space<vmem>>[vector<16xi32>], vector<16xf32>,
          %add3A_207 = arith.constant 32 : i32
          %add3A_208 = vector.broadcast %add3A_207 : i32 to vector<16xi32>
          %add3A_209 = arith.addi %add3A_208, %iota3A : vector<16xi32>
          %broadcast_in_dim3A_210 = vector.broadcast %mul3A_148 : i32 to vector<16xi32>
          %gather3A_211 = tpu.vector_load_idx %arg20[%broadcast_in_dim3A_210, %add3A_209] : memref<196x96xf32, #tpu.memory_space<vmem>>[vector<16xi32>, vector<16xi32>], vector<16xf32>,
          %add3A_212 = arith.constant 1 : i32
          %add3A_213 = arith.addi %mul3A_148, %add3A_212 : i32
          %broadcast_in_dim3A_214 = vector.broadcast %add3A_213 : i32 to vector<16xi32>
          %gather3A_215 = tpu.vector_load_idx %arg20[%broadcast_in_dim3A_214, %add3A_209] : memref<196x96xf32, #tpu.memory_space<vmem>>[vector<16xi32>, vector<16xi32>], vector<16xf32>,
          %add3A_216 = arith.constant 2 : i32
          %add3A_217 = arith.addi %mul3A_148, %add3A_216 : i32
          %broadcast_in_dim3A_218 = vector.broadcast %add3A_217 : i32 to vector<16xi32>
          %gather3A_219 = tpu.vector_load_idx %arg20[%broadcast_in_dim3A_218, %add3A_209] : memref<196x96xf32, #tpu.memory_space<vmem>>[vector<16xi32>, vector<16xi32>], vector<16xf32>,
          %add3A_220 = arith.constant 3 : i32
          %add3A_221 = arith.addi %mul3A_148, %add3A_220 : i32
          %broadcast_in_dim3A_222 = vector.broadcast %add3A_221 : i32 to vector<16xi32>
          %gather3A_223 = tpu.vector_load_idx %arg20[%broadcast_in_dim3A_222, %add3A_209] : memref<196x96xf32, #tpu.memory_space<vmem>>[vector<16xi32>, vector<16xi32>], vector<16xf32>,
          %mul3A_224 = arith.mulf %gather3A, %gather3A_211 : vector<16xf32>
          %mul3A_225 = arith.mulf %gather3A_138, %gather3A_215 : vector<16xf32>
          %add3A_226 = arith.addf %mul3A_224, %mul3A_225 : vector<16xf32>
          %mul3A_227 = arith.mulf %gather3A_142, %gather3A_219 : vector<16xf32>
          %add3A_228 = arith.addf %add3A_226, %mul3A_227 : vector<16xf32>
          %mul3A_229 = arith.mulf %gather3A_146, %gather3A_223 : vector<16xf32>
          %add3A_230 = arith.addf %add3A_228, %mul3A_229 : vector<16xf32>
          %add3A_231 = arith.constant 32 : i32
          %add3A_232 = arith.addi %mul3A_150, %add3A_231 : i32
          %add3A_233 = vector.broadcast %add3A_232 : i32 to vector<16xi32>
          %add3A_234 = arith.addi %add3A_233, %iota3A : vector<16xi32>
          tpu.vector_store_idx %arg21[%add3A_234], %add3A_230 : memref<4704xf32, #tpu.memory_space<vmem>>[vector<16xi32>], vector<16xf32>,
          %add3A_235 = arith.constant 48 : i32
          %add3A_236 = vector.broadcast %add3A_235 : i32 to vector<16xi32>
          %add3A_237 = arith.addi %add3A_236, %iota3A : vector<16xi32>
          %broadcast_in_dim3A_238 = vector.broadcast %mul3A_148 : i32 to vector<16xi32>
          %gather3A_239 = tpu.vector_load_idx %arg20[%broadcast_in_dim3A_238, %add3A_237] : memref<196x96xf32, #tpu.memory_space<vmem>>[vector<16xi32>, vector<16xi32>], vector<16xf32>,
          %add3A_240 = arith.constant 1 : i32
          %add3A_241 = arith.addi %mul3A_148, %add3A_240 : i32
          %broadcast_in_dim3A_242 = vector.broadcast %add3A_241 : i32 to vector<16xi32>
          %gather3A_243 = tpu.vector_load_idx %arg20[%broadcast_in_dim3A_242, %add3A_237] : memref<196x96xf32, #tpu.memory_space<vmem>>[vector<16xi32>, vector<16xi32>], vector<16xf32>,
          %add3A_244 = arith.constant 2 : i32
          %add3A_245 = arith.addi %mul3A_148, %add3A_244 : i32
          %broadcast_in_dim3A_246 = vector.broadcast %add3A_245 : i32 to vector<16xi32>
          %gather3A_247 = tpu.vector_load_idx %arg20[%broadcast_in_dim3A_246, %add3A_237] : memref<196x96xf32, #tpu.memory_space<vmem>>[vector<16xi32>, vector<16xi32>], vector<16xf32>,
          %add3A_248 = arith.constant 3 : i32
          %add3A_249 = arith.addi %mul3A_148, %add3A_248 : i32
          %broadcast_in_dim3A_250 = vector.broadcast %add3A_249 : i32 to vector<16xi32>
          %gather3A_251 = tpu.vector_load_idx %arg20[%broadcast_in_dim3A_250, %add3A_237] : memref<196x96xf32, #tpu.memory_space<vmem>>[vector<16xi32>, vector<16xi32>], vector<16xf32>,
          %mul3A_252 = arith.mulf %gather3A, %gather3A_239 : vector<16xf32>
          %mul3A_253 = arith.mulf %gather3A_138, %gather3A_243 : vector<16xf32>
          %add3A_254 = arith.addf %mul3A_252, %mul3A_253 : vector<16xf32>
          %mul3A_255 = arith.mulf %gather3A_142, %gather3A_247 : vector<16xf32>
          %add3A_256 = arith.addf %add3A_254, %mul3A_255 : vector<16xf32>
          %mul3A_257 = arith.mulf %gather3A_146, %gather3A_251 : vector<16xf32>
          %add3A_258 = arith.addf %add3A_256, %mul3A_257 : vector<16xf32>
          %add3A_259 = arith.constant 48 : i32
          %add3A_260 = arith.addi %mul3A_150, %add3A_259 : i32
          %add3A_261 = vector.broadcast %add3A_260 : i32 to vector<16xi32>
          %add3A_262 = arith.addi %add3A_261, %iota3A : vector<16xi32>
          tpu.vector_store_idx %arg21[%add3A_262], %add3A_258 : memref<4704xf32, #tpu.memory_space<vmem>>[vector<16xi32>], vector<16xf32>,
          %add3A_263 = arith.constant 64 : i32
          %add3A_264 = vector.broadcast %add3A_263 : i32 to vector<16xi32>
          %add3A_265 = arith.addi %add3A_264, %iota3A : vector<16xi32>
          %broadcast_in_dim3A_266 = vector.broadcast %mul3A_148 : i32 to vector<16xi32>
          %gather3A_267 = tpu.vector_load_idx %arg20[%broadcast_in_dim3A_266, %add3A_265] : memref<196x96xf32, #tpu.memory_space<vmem>>[vector<16xi32>, vector<16xi32>], vector<16xf32>,
          %add3A_268 = arith.constant 1 : i32
          %add3A_269 = arith.addi %mul3A_148, %add3A_268 : i32
          %broadcast_in_dim3A_270 = vector.broadcast %add3A_269 : i32 to vector<16xi32>
          %gather3A_271 = tpu.vector_load_idx %arg20[%broadcast_in_dim3A_270, %add3A_265] : memref<196x96xf32, #tpu.memory_space<vmem>>[vector<16xi32>, vector<16xi32>], vector<16xf32>,
          %add3A_272 = arith.constant 2 : i32
          %add3A_273 = arith.addi %mul3A_148, %add3A_272 : i32
          %broadcast_in_dim3A_274 = vector.broadcast %add3A_273 : i32 to vector<16xi32>
          %gather3A_275 = tpu.vector_load_idx %arg20[%broadcast_in_dim3A_274, %add3A_265] : memref<196x96xf32, #tpu.memory_space<vmem>>[vector<16xi32>, vector<16xi32>], vector<16xf32>,
          %add3A_276 = arith.constant 3 : i32
          %add3A_277 = arith.addi %mul3A_148, %add3A_276 : i32
          %broadcast_in_dim3A_278 = vector.broadcast %add3A_277 : i32 to vector<16xi32>
          %gather3A_279 = tpu.vector_load_idx %arg20[%broadcast_in_dim3A_278, %add3A_265] : memref<196x96xf32, #tpu.memory_space<vmem>>[vector<16xi32>, vector<16xi32>], vector<16xf32>,
          %mul3A_280 = arith.mulf %gather3A, %gather3A_267 : vector<16xf32>
          %mul3A_281 = arith.mulf %gather3A_138, %gather3A_271 : vector<16xf32>
          %add3A_282 = arith.addf %mul3A_280, %mul3A_281 : vector<16xf32>
          %mul3A_283 = arith.mulf %gather3A_142, %gather3A_275 : vector<16xf32>
          %add3A_284 = arith.addf %add3A_282, %mul3A_283 : vector<16xf32>
          %mul3A_285 = arith.mulf %gather3A_146, %gather3A_279 : vector<16xf32>
          %add3A_286 = arith.addf %add3A_284, %mul3A_285 : vector<16xf32>
          %add3A_287 = arith.constant 64 : i32
          %add3A_288 = arith.addi %mul3A_150, %add3A_287 : i32
          %add3A_289 = vector.broadcast %add3A_288 : i32 to vector<16xi32>
          %add3A_290 = arith.addi %add3A_289, %iota3A : vector<16xi32>
          tpu.vector_store_idx %arg21[%add3A_290], %add3A_286 : memref<4704xf32, #tpu.memory_space<vmem>>[vector<16xi32>], vector<16xf32>,
          %add3A_291 = arith.constant 80 : i32
          %add3A_292 = vector.broadcast %add3A_291 : i32 to vector<16xi32>
          %add3A_293 = arith.addi %add3A_292, %iota3A : vector<16xi32>
          %broadcast_in_dim3A_294 = vector.broadcast %mul3A_148 : i32 to vector<16xi32>
          %gather3A_295 = tpu.vector_load_idx %arg20[%broadcast_in_dim3A_294, %add3A_293] : memref<196x96xf32, #tpu.memory_space<vmem>>[vector<16xi32>, vector<16xi32>], vector<16xf32>,
          %add3A_296 = arith.constant 1 : i32
          %add3A_297 = arith.addi %mul3A_148, %add3A_296 : i32
          %broadcast_in_dim3A_298 = vector.broadcast %add3A_297 : i32 to vector<16xi32>
          %gather3A_299 = tpu.vector_load_idx %arg20[%broadcast_in_dim3A_298, %add3A_293] : memref<196x96xf32, #tpu.memory_space<vmem>>[vector<16xi32>, vector<16xi32>], vector<16xf32>,
          %add3A_300 = arith.constant 2 : i32
          %add3A_301 = arith.addi %mul3A_148, %add3A_300 : i32
          %broadcast_in_dim3A_302 = vector.broadcast %add3A_301 : i32 to vector<16xi32>
          %gather3A_303 = tpu.vector_load_idx %arg20[%broadcast_in_dim3A_302, %add3A_293] : memref<196x96xf32, #tpu.memory_space<vmem>>[vector<16xi32>, vector<16xi32>], vector<16xf32>,
          %add3A_304 = arith.constant 3 : i32
          %add3A_305 = arith.addi %mul3A_148, %add3A_304 : i32
          %broadcast_in_dim3A_306 = vector.broadcast %add3A_305 : i32 to vector<16xi32>
          %gather3A_307 = tpu.vector_load_idx %arg20[%broadcast_in_dim3A_306, %add3A_293] : memref<196x96xf32, #tpu.memory_space<vmem>>[vector<16xi32>, vector<16xi32>], vector<16xf32>,
          %mul3A_308 = arith.mulf %gather3A, %gather3A_295 : vector<16xf32>
          %mul3A_309 = arith.mulf %gather3A_138, %gather3A_299 : vector<16xf32>
          %add3A_310 = arith.addf %mul3A_308, %mul3A_309 : vector<16xf32>
          %mul3A_311 = arith.mulf %gather3A_142, %gather3A_303 : vector<16xf32>
          %add3A_312 = arith.addf %add3A_310, %mul3A_311 : vector<16xf32>
          %mul3A_313 = arith.mulf %gather3A_146, %gather3A_307 : vector<16xf32>
          %add3A_314 = arith.addf %add3A_312, %mul3A_313 : vector<16xf32>
          %add3A_315 = arith.constant 80 : i32
          %add3A_316 = arith.addi %mul3A_150, %add3A_315 : i32
          %add3A_317 = vector.broadcast %add3A_316 : i32 to vector<16xi32>
          %add3A_318 = arith.addi %add3A_317, %iota3A : vector<16xi32>
          tpu.vector_store_idx %arg21[%add3A_318], %add3A_314 : memref<4704xf32, #tpu.memory_space<vmem>>[vector<16xi32>], vector<16xf32>,
          %scan3A_319 = arith.constant 0 : i32
          scf.yield %scan3A_319 : i32
        }
        %scan3A_129 = arith.constant 49 : i32
        "tpu.region"() ({
          %run_scoped3A = tpu.sem_alloc : memref<!tpu.dma_semaphore, #tpu.memory_space<semaphore_mem>>
          %dma_start3A_130 = arith.constant 0 : i32
          %dma_start3A_131 = tpu.memref_slice %arg4[%add3A_114, %dma_start3A_130] : memref<4000x4704xf32, #tpu.memory_space<hbm>> -> memref<1x4704xf32, #tpu.memory_space<hbm>>
          %dma_start3A_132 = tpu.memref_squeeze %dma_start3A_131 : memref<1x4704xf32, #tpu.memory_space<hbm>> -> memref<4704xf32, #tpu.memory_space<hbm>>
          %dma_start3A_133 = arith.constant 0 : i32
          %dma_start3A_134 = tpu.memref_slice %arg4[%add3A_114, %dma_start3A_133] : memref<4000x4704xf32, #tpu.memory_space<hbm>> -> memref<1x4704xf32, #tpu.memory_space<hbm>>
          %dma_start3A_135 = tpu.memref_squeeze %dma_start3A_134 : memref<1x4704xf32, #tpu.memory_space<hbm>> -> memref<4704xf32, #tpu.memory_space<hbm>>
          tpu.enqueue_dma source(%arg21 : memref<4704xf32, #tpu.memory_space<vmem>>) target(%dma_start3A_135 : memref<4704xf32, #tpu.memory_space<hbm>>) target_semaphore(%run_scoped3A : memref<!tpu.dma_semaphore, #tpu.memory_space<semaphore_mem>>)
          %dma_wait3A_136 = arith.constant 0 : i32
          %dma_wait3A_137 = tpu.memref_slice %arg4[%add3A_114, %dma_wait3A_136] : memref<4000x4704xf32, #tpu.memory_space<hbm>> -> memref<1x4704xf32, #tpu.memory_space<hbm>>
          %dma_wait3A_138 = tpu.memref_squeeze %dma_wait3A_137 : memref<1x4704xf32, #tpu.memory_space<hbm>> -> memref<4704xf32, #tpu.memory_space<hbm>>
          %dma_wait3A_139 = arith.constant 0 : i32
          %dma_wait3A_140 = tpu.memref_slice %arg4[%add3A_114, %dma_wait3A_139] : memref<4000x4704xf32, #tpu.memory_space<hbm>> -> memref<1x4704xf32, #tpu.memory_space<hbm>>
          %dma_wait3A_141 = tpu.memref_squeeze %dma_wait3A_140 : memref<1x4704xf32, #tpu.memory_space<hbm>> -> memref<4704xf32, #tpu.memory_space<hbm>>
          tpu.wait_dma2 semaphore(%run_scoped3A : memref<!tpu.dma_semaphore, #tpu.memory_space<semaphore_mem>>) src(%arg21 : memref<4704xf32, #tpu.memory_space<vmem>>) dst(%dma_wait3A_141 : memref<4704xf32, #tpu.memory_space<hbm>>)
          tpu.yield
        }) : () -> ()
      } else {
      }
      %scan3A_120 = arith.constant 0 : i32
      scf.yield %scan3A_120 : i32
    }
    %scan3A_34 = arith.constant 64 : i32
    return
  }
}

</mosaic_0001>

<sc_bundles>
// kernel: kernel.3.cloned.1.call-start
scs
__scs_entry_jumppad:
0x0: {  	(pc) =	sbr.rel $0x88, $3  }
0x1: {  	(tag) =	ssettag $0x0;
	lr =	simm.s32 $0x1  }
0x2: {  	[smem:$0x3F9F] =	sst lr;
	_ =	strace $0xD0000000  }
0x3: {  	_ = 	snop  }
0x4: {  	_ = 	snop  }
0x5: {  	_ = 	snop  }
0x6: {  	_ = 	snop  }
0x7: {  	_ = 	snop  }
__scs_overlays_trampoline_lowered:
0x8: {  	[smem:$0x3FAE] =	sst s0  }
0x9: {  	[smem:$0x3FAF] =	sst s1  }
0xa: {  	[smem:$0x3FB0] =	sst s2  }
0xb: {  	[smem:$0x3FB1] =	sst s3  }
0xc: {  	[smem:$0x3FB2] =	sst s4  }
0xd: {  	[smem:$0x3FB3] =	sst s5  }
0xe: {  	[smem:$0x3FB4] =	sst s6  }
0xf: {  	[smem:$0x3FB5] =	sst s7  }
0x10: {  	[smem:$0x3FB6] =	sst s8  }
0x11: {  	[smem:$0x3FB7] =	sst s9;
	s0 =	simm.s32 @!p0 $0x0  }
0x12: {  	s1 =	sld [smem:$0x3F9D];
	s0 =	simm.s32 @p0 $0x1  }
0x13: {  	[smem:$0x3FB8] =	sst s0;
	s0 =	simm.s32 @!p1 $0x0  }
0x14: {  	s2 =	sld [smem:$0x3F9C];
	s0 =	simm.s32 @p1 $0x1  }
0x15: {  	[smem:$0x3FB9] =	sst s0;
	s0 =	simm.s32 @!p2 $0x0  }
0x16: {  	s3 =	sld [smem:$0x3FDB];
	s0 =	simm.s32 @p2 $0x1  }
0x17: {  	s4 =	simm.s32 $0x1BF5;
	[smem:$0x3FBB] =	sst s0  }
0x18: {  	s0 =	sld [smem:$0x3F9E];
	_ =	swait.ge [sflag:s4], $0x0  }
0x19: {  	s7 =	sld [smem:$0x3F9F]  }
0x1a: {  	s8 =	sadd.s32 $0xFFFFE003, lr  }
0x1b: {  	s9 =	sadd.s32 $0xFFFFFEF7, lr;
	s5 =	simm.s32 $0xFFFFFFFF;
	p2 =	slt.u32 s8, $0xFFFFF086  }
0x1c: {  	p1 =	slt.u32 s9, $0xF7A;
	s5 =	simm.s32 @!p2 $0x0  }
0x1d: {  	s5 =	simm.s32 @p1 $0x1;
	p0 =	seq.s32 s7, s2  }
0x1e: {  	s7 =	smul.u32 @!p0 $0xF7A, s2;
	p2 =	seq.s32 @!p0 s5, $0x0  }
0x1f: {  	s9 =	smul.u32 $0xF7A, s1;
	s8 =	simm.s32 @!p0 $0x1BF5;
	p2 =	por !p2, p0  }
0x20: {  	[sflag:s8] =	ssyncset.s32 @!p0 $0xFFFFF086;
	s6 =	sadd.s32 @!p0 s3, s7;
	s7 =	simm.s32 @!p0 $0x108  }
0x21: {  	s3 =	sadd.s32 s3, s9;
	s6 =	sadd.s32 @!p0 $0x88, s6;
	s7 =	simm.s32 @p2 $0x1082  }
0x22: {  	[simem:s7], [sflag:s8] =	dma.local @!p0 [hbm:s6], $0xF7A  }
0x23: {  	s9 =	sor.u32 $0xD0000000, s2;
	s6 =	simm.s32 $0x108;
	_ =	swait.ge @!p0 [sflag:s8], $0x0  }
0x24: {  	s3 =	sadd.s32 $0x88, s3;
	s6 =	simm.s32 @!p1 $0x1082;
	[sflag:s4] =	ssyncset.s32 $0xFFFFF086  }
0x25: {  	[simem:s6], [sflag:s4] =	dma.local [hbm:s3], $0xF7A  }
0x26: {  	[smem:$0x3F9F] =	sst s1;
	(tag) =	ssettag s2;
	_ =	strace s9  }
0x27: {  	s1 =	sld [smem:$0x3FAF]  }
0x28: {  	s2 =	sld [smem:$0x3FB0]  }
0x29: {  	s4 =	sld [smem:$0x3FB2]  }
0x2a: {  	p0 =	seq.s32 s5, $0x0;
	s5 =	sld [smem:$0x3FB3]  }
0x2b: {  	s6 =	sld [smem:$0x3FB4]  }
0x2c: {  	s7 =	sld [smem:$0x3FB5]  }
0x2d: {  	s3 =	simm.s32 $0x108;
	s8 =	sld [smem:$0x3FB6]  }
0x2e: {  	s3 =	simm.s32 @!p0 $0x1082;
	s9 =	sld [smem:$0x3FB7]  }
0x2f: {  	lr =	sadd.s32 s0, s3;
	s0 =	sld [smem:$0x3FAE]  }
0x30: {  	s3 =	sld [smem:$0x3FB1]  }
0x31: {  	[smem:$0x3FBA] =	sst s10  }
0x32: {  	s10 =	sld [smem:$0x3FB8];
	_ =	sdelay $0x3  }
0x33: {  	p0 =	seq.s32 s10, $0x1;
	s10 =	sld [smem:$0x3FBA];
	_ =	sdelay $0x3  }
0x34: {  	[smem:$0x3FBA] =	sst s10  }
0x35: {  	s10 =	sld [smem:$0x3FB9];
	_ =	sdelay $0x3  }
0x36: {  	p1 =	seq.s32 s10, $0x1;
	s10 =	sld [smem:$0x3FBA];
	_ =	sdelay $0x3  }
0x37: {  	[smem:$0x3FBA] =	sst s10  }
0x38: {  	s10 =	sld [smem:$0x3FBB]  }
0x39: {  	_ = 	snop;
	(pc) =	sbr.ind lr, $3  }
0x3a: {  	_ = 	snop  }
0x3b: {  	_ = 	snop  }
0x3c: {  	p2 =	seq.s32 s10, $0x1;
	s10 =	sld [smem:$0x3FBA]  }
0x3d: {  	_ =	shalt  }
0x3e: {  	_ =	shalt  }
0x3f: {  	_ =	shalt  }
0x40: {  	_ =	shalt  }
0x41: {  	_ =	shalt  }
0x42: {  	_ =	shalt  }
0x43: {  	_ =	shalt  }
0x44: {  	_ =	shalt  }
0x45: {  	_ =	shalt  }
0x46: {  	_ =	shalt  }
0x47: {  	_ =	shalt  }
0x48: {  	_ =	shalt  }
0x49: {  	_ =	shalt  }
0x4a: {  	_ =	shalt  }
0x4b: {  	_ =	shalt  }
0x4c: {  	_ =	shalt  }
0x4d: {  	_ =	shalt  }
0x4e: {  	_ =	shalt  }
0x4f: {  	_ =	shalt  }
0x50: {  	_ =	shalt  }
0x51: {  	_ =	shalt  }
0x52: {  	_ =	shalt  }
0x53: {  	_ =	shalt  }
0x54: {  	_ =	shalt  }
0x55: {  	_ =	shalt  }
0x56: {  	_ =	shalt  }
0x57: {  	_ =	shalt  }
0x58: {  	_ =	shalt  }
0x59: {  	_ =	shalt  }
0x5a: {  	_ =	shalt  }
0x5b: {  	_ =	shalt  }
0x5c: {  	_ =	shalt  }
0x5d: {  	_ =	shalt  }
0x5e: {  	_ =	shalt  }
0x5f: {  	_ =	shalt  }
0x60: {  	_ =	shalt  }
0x61: {  	_ =	shalt  }
0x62: {  	_ =	shalt  }
0x63: {  	_ =	shalt  }
0x64: {  	_ =	shalt  }
0x65: {  	_ =	shalt  }
0x66: {  	_ =	shalt  }
0x67: {  	_ =	shalt  }
0x68: {  	_ =	shalt  }
0x69: {  	_ =	shalt  }
0x6a: {  	_ =	shalt  }
0x6b: {  	_ =	shalt  }
0x6c: {  	_ =	shalt  }
0x6d: {  	_ =	shalt  }
0x6e: {  	_ =	shalt  }
0x6f: {  	_ =	shalt  }
0x70: {  	_ =	shalt  }
0x71: {  	_ =	shalt  }
0x72: {  	_ =	shalt  }
0x73: {  	_ =	shalt  }
0x74: {  	_ =	shalt  }
0x75: {  	_ =	shalt  }
0x76: {  	_ =	shalt  }
0x77: {  	_ =	shalt  }
0x78: {  	_ =	shalt  }
0x79: {  	_ =	shalt  }
0x7a: {  	_ =	shalt  }
0x7b: {  	_ =	shalt  }
0x7c: {  	_ =	shalt  }
0x7d: {  	_ =	shalt  }
0x7e: {  	_ =	shalt  }
0x7f: {  	_ =	shalt  }
0x80: {  	_ =	shalt  }
0x81: {  	_ =	shalt  }
0x82: {  	_ =	shalt  }
0x83: {  	_ =	shalt  }
0x84: {  	_ =	shalt  }
0x85: {  	_ =	shalt  }
0x86: {  	_ =	shalt  }
0x87: {  	_ =	shalt  }
.Lfunc_end0:
.L_simem_size_0:
called_computation.1_lowered:
.L_overlay_start_0:
0x88: {  	s2 =	sld [smem:$0x3FD9]  }
0x89: {  	s3 =	sld [smem:$0x3FFE];
	_ =	sdelay $0x1  }
0x8a: {  	s1 =	srdreg.scid  }
0x8b: {  	s0 =	sand.u32 $0x1, s1  }
0x8c: {  	s17 =	sshll.u32 s0, $0xA;
	s2 =	sadd.s32 s3, s2  }
0x8d: {  	s2 =	sadd.s32 s2, s17  }
0x8e: {  	[smem:$0x3FC6] =	sst s2  }
0x8f: {  	_ = 	snop  }
0x90: {  	s2 =	sld [smem:$0x3FD0];
	(tm) =	ssettm $0x1  }
0x91: {  	s18 =	sld [smem:$0x3FFB];
	_ =	sdelay $0x3  }
0x92: {  	_ =	strace s18  }
0x93: {  	s3 =	sld [smem:$0x3FFC];
	_ =	sdelay $0x3  }
0x94: {  	_ =	strace s3  }
0x95: {  	s3 =	sld [smem:$0x3FFD];
	_ =	sdelay $0x3  }
0x96: {  	_ =	strace s3  }
0x97: {  	_ =	strace $0x8FFFFFFF  }
0x98: {  	s19 =	sld [smem:$0x3FDB];
	_ =	sdelay $0x1  }
0x99: {  	s4 =	simm.s32 $_scs_section_size  }
0x9a: {  	s5 =	simm.s32 $_size__tile_overlayer_lowered;
	s6 =	simm.s32 $_tile_overlayer_lowered  }
0x9b: {  	s22 =	simm.s32 $0x1BFF;
	s21 =	sshll.u32 s6, $0x1;
	s3 =	sadd.s32 s4, s19  }
0x9c: {  	s7 =	simm.s32 $0x0;
	s20 =	sshll.u32 s5, $0x1;
	s5 =	sadd.s32 s21, s3  }
0x9d: {  	[timem:s7], [sflag:s22] =	dma.local [hbm:s5], s20  }
0x9e: {  	_ =	swait.ge [sflag:s22], s20  }
0x9f: {  	s4 =	ssub.s32 $0x0, s20;
	[sflag:s22] =	ssyncset.done $0x0  }
0xa0: {  	[sflag:s22] =	ssyncadd.s32 s4;
	_ =	sdelay $0x1  }
0xa1: {  	s23 =	simm.s32 $0x1B8B  }
0xa2: {  	_ =	swait.ge [sflag:s23], $0x1  }
0xa3: {  	[sflag:s23] =	ssyncset.done $0x0  }
0xa4: {  	s25 =	simm.s32 $0x1B8E;
	s24 =	sld [smem:$0x3FFE];
	[sflag:s23] =	ssyncadd.s32 $0xFFFFFFFF  }
0xa5: {  	s26 =	simm.s32 $execute0_lowered;
	[smem:$0x3FD2] =	sst s25  }
0xa6: {  	s5 =	sshll.u32 s26, $0x1;
	_ =	strace $0x80000046;
	[dreg:$0x1] =	wrdreg $0xFFFFFFFF  }
0xa7: {  	s28 =	simm.s32 $_size_execute0_lowered;
	s3 =	sadd.s32 s3, s5;
	[dreg:$0x0] =	wrdreg $0x0  }
0xa8: {  	s5 =	sshll.u32 s28, $0x1;
	[dreg:$0x2] =	wrdreg s3  }
0xa9: {  	[dreg:$0x3] =	wrdreg s5  }
0xaa: {  	[dreg:$0x4] =	wrdreg $0xC0  }
0xab: {  	_ =	task [dreg:s7], $0x5FFFF  }
0xac: {  	[dreg:$0x1] =	wrdreg $0xFFFFFFFF  }
0xad: {  	[dreg:$0x0] =	wrdreg $0x60  }
0xae: {  	[dreg:$0x2] =	wrdreg s2  }
0xaf: {  	[dreg:$0x3] =	wrdreg s24  }
0xb0: {  	[dreg:$0x4] =	wrdreg $0x9  }
0xb1: {  	_ =	task.clear_ibuf [dreg:s7], $0x5FFFF;
	_ =	strace $0x90000046  }
0xb2: {  	s29 =	simm.s32 $0x9;
	_ =	strace $0x80000048  }
0xb3: {  	_ =	swait.ge [sflag:s29], $0x1  }
0xb4: {  	[sflag:s29] =	ssyncadd.s32 $0xFFFFFFFF  }
0xb5: {  	_ =	strace $0x90000048  }
0xb6: {  	_ =	sfence  }
0xb7: {  	s30 =	sld [smem:$0x0];
	_ =	sdelay $0x2  }
0xb8: {  	s31 =	sshll.u32 s1, $0xD;
	s1 =	sshrl.u32 s1, $0x2  }
0xb9: {  	s3 =	sand.u32 $0x4000, s31;
	s1 =	sadd.s32 s1, s30  }
0xba: {  	s0 =	sor.u32 s3, s0;
	s1 =	sshll.u32 s1, $0x11  }
0xbb: {  	s0 =	sor.u32 s1, s0  }
0xbc: {  	s0 =	sadd.s32 $0x8F2B, s0  }
0xbd: {  	[sflag:s0] =	ssyncadd.remote.s32 $0x1  }
0xbe: {  	_ =	sfence.sel $0xFFFF  }
0xbf: {  	[dreg:$0x0] =	wrdreg $0xFFFFFFFF;
	(pc) =	sbr.abs _section_cstart, $3  }
0xc0: {  	[dreg:$0x1] =	wrdreg $0xFFFFFFFF  }
0xc1: {  	_ =	task.clear_ibuf [dreg:s7], $0x2FFFF;
	_ =	strace $0x9FFFFFFF  }
0xc2: {  	(tm) =	ssettm $0x7FFFFFFF  }
0xc3: {  	_ =	shalt  }
tec
execute0_lowered:
.L_overlay_start_1:
0x0: {  	(tag) =	ssettag $0x1  }
0x1: {  	s0 =	rddreg [dreg:$0x1]  }
0x2: {  	s1 =	simm.s32 $0x0;
	s2 =	srdreg.scid;
	s23 =	stileid.u32  }
0x3: {  	s11 =	simm.s32 $0x3;
	s15 =	simm.s32 $0x40;
	s16 =	simm.s32 $0xB0  }
0x4: {  	s17 =	simm.s32 $0x120;
	s18 =	simm.s32 $0x190;
	[smem:$0x7FF] =	sst s1  }
0x5: {  	v0 =	vimm.f32 $6.000000000e+00;
	s19 =	simm.s32 $0x200;
	s20 =	simm.s32 $0x270;
	_ =	strace $0x80000047  }
0x6: {  	s28 =	simm.s32 $0xCDC0;
	s31 =	simm.s32 $0x11740;
	s30 =	simm.s32 $0x2;
	(erf) = vrcp.f32 v0  }
0x7: {  	s2 =	sand.u32 $0x1, s2;
	s21 =	sadd.s32 $0xA00, s0;
	s22 =	sadd.s32 $0x1200, s0  }
0x8: {  	s24 =	sshll.u32 s23, $0x8;
	s25 =	sadd.s32 $0xC00, s0;
	[dreg:$0x3] =	wrdreg s21  }
0x9: {  	s26 =	sadd.s32 $0xE00, s0;
	s0 =	sadd.s32 $0x1000, s0;
	[dreg:$0x4] =	wrdreg s22  }
0xa: {  	s23 =	simm.s32 $0x1;
	s1 =	simm.s32 $0x0;
	[dreg:$0x5] =	wrdreg s25  }
.Ltmp0:
0xb: {  	s3 =	ssub.s32 $0x2, s2;
	[dreg:$0x6] =	wrdreg s26;
	(pc) =	sbr.rel .LBB2_1-.Ltmp0, $4  }
0xc: {  	s2 =	sshll.u32 s2, $0x7;
	[dreg:$0x7] =	wrdreg s0;
	s4 =	sshrl.u32 s3, $0x1  }
0xd: {  	v1 =	vimm.s32 $0x0;
	s21 =	simm.s32 $0x2E0;
	s22 =	simm.s32 $0x350;
	v0 =	vlaneseq.u32;
	s3 =	ssub.s32 s3, s4  }
0xe: {  	v2 =	vimm.f32 $0.0e+00;
	s25 =	simm.s32 $0x6BC0;
	s6 =	sor.u32 s2, s24;
	v3 =	vor.u32 $0x10, v0;
	v4 =	vor.u32 $0x20, v0;
	s29 =	smax.u32 s3, $0x1  }
0xf: {  	s24 =	simm.s32 $0x3C0;
	v6 =	vor.u32 $0x30, v0;
	v7 =	vor.u32 $0x40, v0;
	v8 =	vor.u32 $0x50, v0;
	s3 =	simm.s32 $0x160C0;
	[dreg:$0x8] =	wrdreg s29;
	v5 =	vpop (erf)  }
.LBB2_17:
0x10: {  	s1 =	rddreg [dreg:$0x9]  }
0x11: {  	s0 =	rddreg [dreg:$0x8];
	s1 =	sadd.s32 $0x1, s1  }
0x12: {  	p0 =	sne.s32 s1, s0  }
.Ltmp1:
0x13: {  	_ = 	snop;
	(pc) =	sbr.rel @!p0 .LBB2_18-.Ltmp1, $1  }
0x14: {  	_ =	sdelay $0x3  }
.LBB2_1:
0x15: {  	[dreg:$0x9] =	wrdreg s1  }
0x16: {  	s2 =	simm.s32 $0x0;
	s1 =	rddreg [dreg:$0x3]  }
.LBB2_2:
0x17: {  	s0 =	sshll.u32 s2, $0x4  }
0x18: {  	s4 =	sor.u32 s6, s0  }
0x19: {  	s5 =	sshrl.u32 s4, $0x3  }
0x1a: {  	s8 =	simm.s32 $0x0;
	s7 =	sadd.s32 s1, s5  }
0x1b: {  	[tilespmem:s8], [sflag:$0x3] =	stream.linear.gather [hbm4b:s7+s8], $0x10, $0x38;
	[tilespmem:$0x17320] =	vst v63  }
0x1c: {  	_ =	swait.ge [sflag:s11], $0x10  }
0x1d: {  	[sflag:s11] =	ssyncset.done $0x0;
	s29 =	rddreg [dreg:$0x5]  }
0x1e: {  	s9 =	simm.s32 $0x10;
	[sflag:s11] =	ssyncadd.s32 $0xFFFFFFF0;
	s7 =	sadd.s32 s5, s29  }
0x1f: {  	[tilespmem:s9], [sflag:$0x3] =	stream.linear.gather [hbm4b:s7+s8], $0x10, $0x38;
	[tilespmem:$0x17320] =	vst v63  }
0x20: {  	_ =	swait.ge [sflag:s11], $0x10  }
0x21: {  	[sflag:s11] =	ssyncset.done $0x0;
	s9 =	rddreg [dreg:$0x6]  }
0x22: {  	s10 =	simm.s32 $0x20;
	[sflag:s11] =	ssyncadd.s32 $0xFFFFFFF0;
	s7 =	sadd.s32 s5, s9  }
0x23: {  	[tilespmem:s10], [sflag:$0x3] =	stream.linear.gather [hbm4b:s7+s8], $0x10, $0x38;
	[tilespmem:$0x17320] =	vst v63  }
0x24: {  	_ =	swait.ge [sflag:s11], $0x10  }
0x25: {  	[sflag:s11] =	ssyncset.done $0x0;
	s12 =	rddreg [dreg:$0x7]  }
0x26: {  	s13 =	simm.s32 $0x30;
	[sflag:s11] =	ssyncadd.s32 $0xFFFFFFF0;
	s5 =	sadd.s32 s5, s12  }
0x27: {  	[tilespmem:s13], [sflag:$0x3] =	stream.linear.gather [hbm4b:s5+s8], $0x10, $0x38;
	[tilespmem:$0x17320] =	vst v63  }
0x28: {  	_ =	swait.ge [sflag:s11], $0x10  }
0x29: {  	[sflag:s11] =	ssyncset.done $0x0  }
0x2a: {  	[sflag:s11] =	ssyncadd.s32 $0xFFFFFFF0  }
0x2b: {  	v9 =	vld [tilespmem:$0x0]  }
0x2c: {  	v10 =	vld [tilespmem:$0x20];
	_ =	sdelay $0x1  }
0x2d: {  	v12 =	vmov s4;
	v11 =	vld [tilespmem:$0x10]  }
0x2e: {  	v14 =	vbroadcast v12, $0x0;
	v13 =	vld [tilespmem:$0x30];
	_ =	sdelay $0x1  }
0x2f: {  	v15 =	vor.u32 v0, v14;
	v10 =	vsub.f32 v10, v9  }
0x30: {  	v12 =	vmulhi.u32 $0x10624DD3, v15  }
0x31: {  	v10 =	vmul.f32 $2.230000000e+02, v10  }
0x32: {  	v16 =	vshrl.u32 v12, $0x6;
	v13 =	vsub.f32 v13, v11  }
0x33: {  	s14 =	scvt.s32.f32 s8;
	v12 =	vmul.f32 v10, v5;
	v10 =	vmul.u32 $0xFFFFFC18, v16  }
0x34: {  	vm0 =	veq.s32 v14, v0;
	v14 =	vsub.s32 $0x0, v15;
	v13 =	vmul.f32 $2.230000000e+02, v13  }
0x35: {  	s26 =	simm.s32 $0x1;
	vm1 =	vne.s32 v10, v14;
	v14 =	vmul.f32 $2.230000000e+02, v9;
	v9 =	vmul.f32 s14, v12  }
0x36: {  	s4 =	scvt.s32.f32 s26;
	vm0 =	vmand vm0, vm1  }
0x37: {  	v15 =	vmul.f32 v13, v5;
	v10 =	vsel vm0, $0xFFFFFFFF, v1;
	v13 =	vadd.f32 v9, v14  }
0x38: {  	v17 =	vmul.f32 $2.230000000e+02, v11;
	v22 =	vmul.f32 s4, v12;
	v9 =	vadd.s32 v10, v16  }
0x39: {  	v10 =	vmul.f32 s14, v15;
	vm0 =	vlt.s32 v9, $0x3;
	v11 =	vmax.f32 v13, $0.0e+00  }
0x3a: {  	vm2 =	vle.f32 v13, $2.230000000e+02;
	v9 =	vnsel vm0, $0x3, v9;
	v18 =	vmin.f32 v11, $2.230000000e+02  }
0x3b: {  	v16 =	vadd.f32 v10, v17;
	vm0 =	vge.f32 v13, $0.0e+00;
	v11 =	vtrunc.f32 v18  }
0x3c: {  	v10 =	vmul.u32 $0xC400, v9;
	v9 =	vor.u32 s8, v0;
	v11 =	vcvt.f32.s32 v11  }
0x3d: {  	vm0 =	vmand vm0, vm2;
	v19 =	vmax.f32 v16, $0.0e+00;
	vm1 =	vle.f32 v16, $2.230000000e+02  }
0x3e: {  	vm2 =	vge.f32 v16, $0.0e+00;
	v13 =	vmul.u32 $0xE0, v11;
	v16 =	vadd.s32 $0x1, v11  }
0x3f: {  	vm1 =	vmand vm2, vm1;
	v20 =	vcvt.s32.f32 v11;
	vm2 =	vlt.s32 v16, $0xDF  }
0x40: {  	v21 =	vadd.s32 v10, v13;
	v13 =	vnsel vm2, $0xDF, v16  }
0x41: {  	v18 =	vsub.f32 v18, v20;
	v20 =	vadd.f32 v22, v14;
	v16 =	vmul.u32 $0xE0, v13  }
0x42: {  	s29 =	simm.s32 $0x10;
	v23 =	vmul.f32 s4, v15;
	v24 =	vsel vm0, $0x3F800000, v2;
	v19 =	vmin.f32 v19, $2.230000000e+02  }
0x43: {  	v11 =	vor.u32 s29, v0;
	v25 =	vadd.s32 v10, v16;
	v16 =	vmax.f32 v20, $0.0e+00  }
0x44: {  	v22 =	vadd.f32 v23, v17;
	v23 =	vtrunc.f32 v19;
	[tilespmem:v9+s15+$0x0] =	vst.idx.msk $0xffff, v21;
	v21 =	vmin.f32 v16, $2.230000000e+02  }
0x45: {  	v13 =	vsel vm1, $0x3F800000, v2;
	v26 =	vcvt.f32.s32 v23;
	[tilespmem:v9+s16+$0x0] =	vst.idx.msk $0xffff, v25;
	v25 =	vtrunc.f32 v21  }
0x46: {  	vm0 =	vge.f32 v20, $0.0e+00;
	v23 =	vmax.f32 v22, $0.0e+00;
	[tilespmem:v9+s17+$0x0] =	vst.idx.msk $0xffff, v18;
	v18 =	vcvt.f32.s32 v25  }
0x47: {  	vm1 =	vle.f32 v22, $2.230000000e+02;
	vm3 =	vle.f32 v20, $2.230000000e+02;
	v27 =	vcvt.s32.f32 v26  }
0x48: {  	vm0 =	vmand vm0, vm3;
	v16 =	vmin.f32 v23, $2.230000000e+02;
	v23 =	vadd.s32 $0x1, v26  }
0x49: {  	vm3 =	vge.f32 v22, $0.0e+00;
	v20 =	vmovc v11;
	vm2 =	vlt.s32 v23, $0xDF;
	v22 =	vsub.f32 v19, v27;
	[tilespmem:v9+s18+$0x0] =	vst.idx.msk $0xffff, v24  }
0x4a: {  	s5 =	simm.s32 $0x20;
	s4 =	simm.s32 $0x2;
	v19 =	vmovc v11;
	[tilespmem:v9+s19+$0x0] =	vst.idx.msk $0xffff, v26;
	v24 =	vadd.s32 $0x1, v18;
	v25 =	vmul.u32 $0xE0, v18;
	v26 =	vcvt.s32.f32 v18;
	v18 =	vmovc v11  }
.LBB2_3:
0x4b: {  	s7 =	scvt.s32.f32 s4;
	v27 =	vor.u32 s5, v0;
	p0 =	sne.s32 s4, $0x6;
	s4 =	sadd.s32 $0x1, s4;
	vm1 =	vmand vm3, vm1;
	v23 =	vnsel vm2, $0xDF, v23  }
0x4c: {  	vm2 =	vlt.s32 v24, $0xDF;
	v25 =	vadd.s32 v10, v25;
	v26 =	vsub.f32 v21, v26;
	[tilespmem:v9+s20+$0x0] =	vst.idx.msk $0xffff, v23  }
0x4d: {  	v24 =	vnsel vm2, $0xDF, v24;
	v21 =	vmul.f32 s7, v12;
	v23 =	vmul.f32 s7, v15;
	[tilespmem:v9+s21+$0x0] =	vst.idx.msk $0xffff, v22  }
0x4e: {  	v22 =	vmul.u32 $0xE0, v24;
	[tilespmem:v9+s22+$0x0] =	vst.idx.msk $0xffff, v13;
	v13 =	vsel vm1, $0x3F800000, v2;
	v9 =	vmovc v11;
	v11 =	vmov v27  }
0x4f: {  	v24 =	vadd.f32 v21, v14;
	v28 =	vadd.f32 v23, v17;
	v21 =	vtrunc.f32 v16  }
0x50: {  	v23 =	vsel vm0, $0x3F800000, v2;
	v22 =	vadd.s32 v10, v22;
	[tilespmem:v20+s15+$0x0] =	vst.idx.msk $0xffff, v25;
	v25 =	vcvt.f32.s32 v21;
	v20 =	vmovc v27  }
0x51: {  	vm0 =	vge.f32 v24, $0.0e+00;
	v21 =	vmax.f32 v24, $0.0e+00;
	v29 =	vmax.f32 v28, $0.0e+00;
	[tilespmem:v19+s16+$0x0] =	vst.idx.msk $0xffff, v22;
	v19 =	vmovc v27  }
.Ltmp2:
0x52: {  	vm1 =	vle.f32 v28, $2.230000000e+02;
	v21 =	vmin.f32 v21, $2.230000000e+02;
	v29 =	vmin.f32 v29, $2.230000000e+02;
	[tilespmem:v18+s17+$0x0] =	vst.idx.msk $0xffff, v26;
	v18 =	vmovc v27;
	(pc) =	sbr.rel @p0 .LBB2_3-.Ltmp2, $4  }
0x53: {  	v26 =	vcvt.s32.f32 v25;
	v22 =	vtrunc.f32 v21;
	[tilespmem:v9+s18+$0x0] =	vst.idx.msk $0xffff, v23;
	v23 =	vadd.s32 $0x1, v25  }
0x54: {  	vm3 =	vle.f32 v24, $2.230000000e+02;
	v27 =	vcvt.f32.s32 v22;
	vm2 =	vlt.s32 v23, $0xDF;
	[tilespmem:v9+s19+$0x0] =	vst.idx.msk $0xffff, v25  }
0x55: {  	vm0 =	vmand vm0, vm3;
	vm3 =	vge.f32 v28, $0.0e+00;
	v22 =	vsub.f32 v16, v26;
	v16 =	vmovc v29  }
0x56: {  	s5 =	sadd.s32 $0x10, s5;
	v24 =	vadd.s32 $0x1, v27;
	v25 =	vmul.u32 $0xE0, v27;
	v26 =	vcvt.s32.f32 v27  }
0x57: {  	s4 =	simm.s32 $0x0  }
0x58: {  	p0 =	por $0x0, $0x0;
	s5 =	smulhi.u32 $0x24924925, s4  }
0x59: {  	s8 =	simm.s32 $0x1;
	s9 =	simm.s32 $0x1;
	s4 =	smul.u32 $0x25, s4  }
0x5a: {  	vm14 =	vlt.s32 v24, $0xDF;
	s12 =	simm.s32 $0x1;
	s8 =	simm.s32 @!p0 $0x0;
	s10 =	smulhi.u32 $0x24924925, s9  }
0x5b: {  	v14 =	vnsel vm2, $0xDF, v23;
	v17 =	vadd.s32 v10, v25;
	v25 =	vor.u32 s0, v0;
	s9 =	smul.u32 $0x25, s9;
	s0 =	simm.s32 $0xFFFFFF9E;
	s7 =	ssub.s32 $0x0, s5  }
0x5c: {  	v15 =	vnsel vm14, $0xDF, v24;
	[tilespmem:v9+s20+$0x0] =	vst.idx.msk $0xffff, v14;
	s4 =	sshrl.u32 s4, $0x8;
	s13 =	ssub.s32 $0x1, s10;
	s7 =	sshrl.u32 s7, $0x1  }
0x5d: {  	v12 =	vtrunc.f32 v16;
	v15 =	vmul.u32 $0xE0, v15;
	[tilespmem:v9+s21+$0x0] =	vst.idx.msk $0xffff, v22;
	s9 =	sshrl.u32 s9, $0x8;
	s26 =	ssub.s32 $0x0, s4;
	s5 =	sadd.s32 s5, s7  }
0x5e: {  	vm1 =	vmand vm3, vm1;
	v12 =	vcvt.f32.s32 v12;
	[tilespmem:v9+s22+$0x0] =	vst.idx.msk $0xffff, v13;
	s14 =	sshrl.u32 s13, $0x1;
	s7 =	sand.u32 $0xFE, s26;
	s5 =	sshrl.u32 s5, $0x2  }
0x5f: {  	v21 =	vsub.f32 v21, v26;
	v15 =	vadd.s32 v10, v15;
	v10 =	vshll.u32 v25, $0x1;
	[tilespmem:v20+s15+$0x0] =	vst.idx.msk $0xffff, v17;
	s26 =	sadd.s32 s10, s14;
	s7 =	sshrl.u32 s7, $0x1;
	s5 =	smul.u32 $0x70, s5  }
0x60: {  	v23 =	vsel vm0, $0x3F800000, v2;
	v24 =	vcvt.s32.f32 v12;
	v17 =	vor.u32 s8, v10;
	[tilespmem:v19+s16+$0x0] =	vst.idx.msk $0xffff, v15;
	s8 =	simm.s32 $0x0;
	s4 =	sadd.s32 s4, s7;
	s7 =	simm.s32 $0xFFFFFF9E  }
0x61: {  	v14 =	vsel vm1, $0x3F800000, v2;
	v22 =	vadd.s32 $0x1, v12;
	v9 =	vmul.u32 $0xC4, v25;
	[tilespmem:v18+s17+$0x0] =	vst.idx.msk $0xffff, v21;
	s4 =	sand.u32 $0xFC, s4;
	s7 =	simm.s32 @!p0 $0x0;
	s5 =	ssub.s32 $0x0, s5  }
0x62: {  	vm15 =	vlt.s32 v22, $0xDF;
	v13 =	vsub.f32 v16, v24;
	[tilespmem:v11+s18+$0x0] =	vst.idx.msk $0xffff, v23;
	p0 =	por $0x0, $0x0;
	s4 =	sshll.u32 s4, $0x2;
	s7 =	sadd.s32 $0x3, s7;
	v15 =	vor.u32 s5, v0  }
0x63: {  	v16 =	vnsel vm15, $0xDF, v22;
	v17 =	vmul.u32 $0x68, v17;
	[tilespmem:v11+s19+$0x0] =	vst.idx.msk $0xffff, v12;
	s12 =	simm.s32 @!p0 $0x0;
	s0 =	simm.s32 @!p0 $0x0;
	s29 =	sadd.s32 $0xFFFFFFFD, s7;
	v21 =	vor.u32 s4, v0  }
0x64: {  	v25 =	vadd.s32 s8, v9;
	p0 =	por $0x0, $0x0;
	[tilespmem:v11+s20+$0x0] =	vst.idx.msk $0xffff, v16;
	s7 =	sadd.s32 $0xFFFFFFFE, s7;
	s0 =	sadd.s32 $0x2, s0;
	v22 =	vor.u32 s12, v10;
	v19 =	vmov s29  }
0x65: {  	s5 =	sshrl.u32 s26, $0x2;
	[tilespmem:v11+s21+$0x0] =	vst.idx.msk $0xffff, v13;
	s12 =	simm.s32 $0x1;
	s29 =	ssub.s32 $0x1, s9;
	v20 =	vmov s7;
	v12 =	vmul.u32 $0x68, v22;
	v23 =	vmov s0  }
0x66: {  	s4 =	smul.u32 $0x70, s5;
	s0 =	simm.s32 $0x1;
	[tilespmem:v11+s22+$0x0] =	vst.idx.msk $0xffff, v14;
	v30 =	vadd.s32 s12, v9;
	v18 =	vand.u32 $0xFFFFFFF8, v19;
	s7 =	sand.u32 $0xFE, s29;
	v22 =	vand.u32 $0xFFFFFFF8, v20  }
0x67: {  	v16 =	vand.u32 $0xFFFFFFF8, v23;
	s0 =	simm.s32 @!p0 $0x0;
	v18 =	vadd.s32 v18, v17;
	s5 =	sshrl.u32 s7, $0x1;
	s7 =	simm.s32 $0xFFFFFF9E;
	v17 =	vadd.s32 v22, v17;
	v22 =	vld.idx.msk [tilespmem:v15+s21+$0x0], $0xffff  }
0x68: {  	v19 =	vand.u32 $0x6, v19;
	v13 =	vand.u32 $0x6, v23;
	v12 =	vadd.s32 v16, v12;
	s4 =	ssub.s32 $0x10, s4;
	s5 =	sadd.s32 s9, s5;
	s7 =	simm.s32 @!p0 $0x0;
	v23 =	vld.idx.msk [tilespmem:v21+s17+$0x0], $0xffff  }
0x69: {  	v16 =	vor.u32 s0, v10;
	s0 =	simm.s32 $0x1;
	v19 =	vor.u32 v19, v18;
	v13 =	vor.u32 v13, v12;
	s5 =	sand.u32 $0xFC, s5;
	s7 =	sadd.s32 $0x3, s7;
	v24 =	vld.idx.msk [tilespmem:v15+s22+$0x0], $0xffff  }
0x6a: {  	v16 =	vmul.u32 $0x68, v16;
	p0 =	por $0x0, $0x0;
	v12 =	vor.u32 s4, v0;
	v26 =	vld.idx.msk [tilespmem:v21+s18+$0x0], $0xffff;
	v14 =	vmov s7;
	s7 =	simm.s32 $0xFFFFFF9E;
	s5 =	sshll.u32 s5, $0x2  }
0x6b: {  	s0 =	simm.s32 @!p0 $0x0;
	v18 =	vand.u32 $0xFFFFFFF8, v14;
	s7 =	simm.s32 @!p0 $0x0;
	v11 =	vor.u32 s5, v0;
	v14 =	vand.u32 $0x7, v14;
	p0 =	por $0x0, $0x0  }
0x6c: {  	v16 =	vadd.s32 v18, v16;
	s9 =	sadd.s32 $0x7, s7;
	v18 =	vand.u32 $0x7, v20;
	v20 =	vor.u32 s0, v10;
	s7 =	simm.s32 $0x1;
	s0 =	simm.s32 $0x2  }
0x6d: {  	v16 =	vor.u32 v14, v16;
	s10 =	sadd.s32 $0xFFFFFFFD, s9;
	s4 =	sadd.s32 $0xFFFFFFFE, s9;
	v27 =	vor.u32 v18, v17;
	v17 =	vmul.u32 $0x68, v20;
	s7 =	simm.s32 @!p0 $0x0  }
0x6e: {  	v31 =	vld.idx.msk [tilespmem:v15+s19+$0x0], $0xffff;
	s13 =	smulhi.u32 $0x24924925, s0;
	v14 =	vmov s10;
	v18 =	vmov s4;
	v29 =	vor.u32 s7, v10  }
0x6f: {  	v33 =	vld.idx.msk [tilespmem:v15+s20+$0x0], $0xffff;
	s14 =	smul.u32 $0x25, s0;
	s4 =	simm.s32 $0xFFFFFF9E;
	v32 =	vsub.f32 $1.000000000e+00, v22;
	v15 =	vsub.f32 $1.000000000e+00, v23;
	v26 =	vmul.f32 v24, v26  }
0x70: {  	s29 =	simm.s32 $0x3;
	v28 =	vld.idx.msk [tilespmem:v21+s15+$0x0], $0xffff;
	v20 =	vand.u32 $0xFFFFFFF8, v14;
	v14 =	vand.u32 $0x6, v14;
	s4 =	simm.s32 @!p0 $0x0;
	v29 =	vmul.u32 $0x68, v29  }
0x71: {  	s26 =	ssub.s32 $0x2, s13;
	s5 =	sshrl.u32 s14, $0x8;
	v20 =	vadd.s32 v20, v17;
	s4 =	sadd.s32 $0x6, s4;
	v24 =	vmul.f32 v32, v15;
	v15 =	vmul.f32 v22, v15  }
0x72: {  	s10 =	simm.s32 $0xB;
	s7 =	sshrl.u32 s26, $0x1;
	s12 =	ssub.s32 $0x2, s5;
	v14 =	vor.u32 v14, v20;
	v20 =	vand.u32 $0xFFFFFFF8, v18;
	v34 =	vmov s4  }
0x73: {  	p0 =	por $0x0, $0x0;
	v32 =	vmul.f32 v32, v23;
	s7 =	sadd.s32 s13, s7;
	s8 =	sand.u32 $0xFE, s12;
	v20 =	vadd.s32 v20, v17;
	v17 =	vand.u32 $0xFFFFFFF8, v34  }
0x74: {  	v35 =	vld.idx.msk [tilespmem:v21+s16+$0x0], $0xffff;
	s14 =	simm.s32 $0x4;
	s7 =	sshrl.u32 s7, $0x2;
	v34 =	vand.u32 $0x6, v34;
	s8 =	sshrl.u32 s8, $0x1;
	v63 =	vmul.f32 v26, v24;
	v17 =	vadd.s32 v17, v29  }
0x75: {  	s13 =	simm.s32 $0x2;
	v29 =	vmul.f32 v22, v23;
	s7 =	smul.u32 $0x70, s7;
	s5 =	sadd.s32 s5, s8;
	v22 =	vor.u32 v34, v17;
	v17 =	vadd.s32 v28, v31  }
0x76: {  	s4 =	simm.s32 $0x7;
	v21 =	vadd.s32 s13, v9;
	v36 =	vmul.f32 v26, v15;
	v24 =	vadd.s32 s29, v9;
	s8 =	simm.s32 $0xFFFFFF9E;
	s5 =	sand.u32 $0xFC, s5;
	[tilespmem:v19+s24+$0x0] =	vst.idx.msk $0xffff, v17  }
0x77: {  	v28 =	vadd.s32 v28, v33;
	s8 =	simm.s32 @!p0 $0x0;
	s7 =	ssub.s32 $0x20, s7;
	v23 =	vmul.f32 v26, v29;
	s26 =	sshll.u32 s5, $0x2;
	v19 =	vadd.s32 s14, v9;
	[tilespmem:v25+s25+$0x0] =	vst.idx.msk $0xffff, v63  }
0x78: {  	s12 =	simm.s32 $0xF;
	s5 =	simm.s32 $0x1;
	v26 =	vmul.f32 v26, v32;
	s29 =	sadd.s32 $0x7, s8;
	v17 =	vor.u32 s7, v0;
	v15 =	vor.u32 s26, v0;
	[tilespmem:v27+s24+$0x0] =	vst.idx.msk $0xffff, v28  }
0x79: {  	s13 =	simm.s32 $0x6;
	s14 =	simm.s32 $0x20;
	s5 =	simm.s32 @!p0 $0x0;
	v25 =	vmov s29;
	v28 =	vadd.s32 v35, v31;
	v27 =	vadd.s32 v35, v33;
	[tilespmem:v30+s25+$0x0] =	vst.idx.msk $0xffff, v36  }
.LBB2_5:
0x7a: {  	p0 =	sne.s32 s12, $0xC3;
	v29 =	vor.u32 s5, v10;
	[tilespmem:v13+s24+$0x0] =	vst.idx.msk $0xffff, v28;
	v13 =	vmov v22;
	s29 =	smov.u32 s12;
	s12 =	sadd.s32 $0x4, s12  }
0x7b: {  	v22 =	vand.u32 $0xFFFFFFF8, v25;
	v28 =	vmul.u32 $0x68, v29;
	[tilespmem:v21+s25+$0x0] =	vst.idx.msk $0xffff, v26  }
0x7c: {  	p1 =	sgt.u32 s0, $0x18;
	v18 =	vand.u32 $0x7, v18;
	s5 =	simm.s32 $0x1;
	s7 =	simm.s32 $0xFFFFFF9E;
	v21 =	vadd.s32 s13, v9;
	[tilespmem:v16+s24+$0x0] =	vst.idx.msk $0xffff, v27  }
0x7d: {  	s5 =	simm.s32 @!p1 $0x0;
	s7 =	simm.s32 @!p1 $0x0;
	v16 =	vand.u32 $0x7, v25;
	v22 =	vadd.s32 v22, v28;
	[tilespmem:v24+s25+$0x0] =	vst.idx.msk $0xffff, v23  }
0x7e: {  	s7 =	sadd.s32 s10, s7;
	v23 =	vor.u32 s5, v10;
	v24 =	vld.idx.msk [tilespmem:v12+s21+$0x0], $0xffff;
	v16 =	vor.u32 v16, v22  }
0x7f: {  	s8 =	sadd.s32 $0xFFFFFFFE, s4;
	v29 =	vor.u32 v18, v20;
	s5 =	sadd.s32 $0xFFFFFFFD, s7;
	s7 =	sadd.s32 $0xFFFFFFFE, s7;
	v25 =	vld.idx.msk [tilespmem:v11+s17+$0x0], $0xffff  }
0x80: {  	s0 =	sadd.s32 $0x1, s0;
	s13 =	sadd.s32 $0xFFFFFFFF, s10;
	v20 =	vmov s5;
	v22 =	vmul.u32 $0x68, v23;
	v23 =	vld.idx.msk [tilespmem:v12+s22+$0x0], $0xffff  }
0x81: {  	p1 =	sgt.u32 s13, $0x61;
	v18 =	vmov s7;
	s5 =	simm.s32 $0x1;
	s7 =	simm.s32 $0xFFFFFF9E;
	v26 =	vand.u32 $0xFFFFFFF8, v20;
	v27 =	vld.idx.msk [tilespmem:v11+s18+$0x0], $0xffff  }
0x82: {  	s9 =	smulhi.u32 $0x24924925, s0;
	v20 =	vand.u32 $0x6, v20;
	s5 =	simm.s32 @!p1 $0x0;
	s7 =	simm.s32 @!p1 $0x0;
	v26 =	vadd.s32 v26, v22;
	v28 =	vld.idx.msk [tilespmem:v11+s15+$0x0], $0xffff  }
0x83: {  	v32 =	vadd.s32 s8, v9;
	s7 =	sadd.s32 s7, s13;
	v30 =	vor.u32 s5, v10;
	s5 =	smul.u32 $0x25, s0;
	v31 =	vld.idx.msk [tilespmem:v12+s19+$0x0], $0xffff  }
0x84: {  	s8 =	ssub.s32 s0, s9;
	v30 =	vmul.u32 $0x68, v30;
	v33 =	vsub.f32 $1.000000000e+00, v24  }
0x85: {  	s8 =	sshrl.u32 s8, $0x1;
	v34 =	vor.u32 v20, v26;
	v20 =	vand.u32 $0xFFFFFFF8, v18;
	s5 =	sshrl.u32 s5, $0x8;
	v26 =	vsub.f32 $1.000000000e+00, v25;
	v35 =	vld.idx.msk [tilespmem:v12+s20+$0x0], $0xffff;
	v12 =	vmovc v17  }
0x86: {  	v20 =	vadd.s32 v20, v22;
	v36 =	vmul.f32 v24, v25;
	v17 =	vmov s7;
	s7 =	sadd.s32 s9, s8;
	s8 =	ssub.s32 s0, s5  }
0x87: {  	v22 =	vand.u32 $0xFFFFFFF8, v17;
	v27 =	vmul.f32 v23, v27;
	v23 =	vmul.f32 v33, v26;
	s7 =	sshrl.u32 s7, $0x2;
	s8 =	sand.u32 $0xFE, s8;
	v37 =	vld.idx.msk [tilespmem:v11+s16+$0x0], $0xffff;
	v11 =	vmovc v15  }
0x88: {  	s14 =	sadd.s32 $0x10, s14;
	v24 =	vmul.f32 v24, v26;
	v15 =	vand.u32 $0x6, v17;
	v17 =	vadd.s32 v22, v30;
	s7 =	smul.u32 $0x70, s7;
	s8 =	sshrl.u32 s8, $0x1  }
0x89: {  	p1 =	sgt.u32 s10, $0x61;
	v25 =	vmul.f32 v33, v25;
	v22 =	vor.u32 v15, v17;
	v15 =	vmul.f32 v27, v23;
	s5 =	sadd.s32 s5, s8;
	s8 =	sadd.s32 $0xFFFFFFFD, s10  }
.Ltmp3:
0x8a: {  	v17 =	vadd.s32 v28, v31;
	v30 =	vmul.f32 v27, v24;
	v23 =	vmul.f32 v27, v36;
	s7 =	ssub.s32 s14, s7;
	s5 =	sand.u32 $0xFC, s5;
	(pc) =	sbr.rel @p0 .LBB2_5-.Ltmp3, $4  }
0x8b: {  	v24 =	vadd.s32 s4, v9;
	v33 =	vadd.s32 v28, v35;
	s4 =	sshll.u32 s5, $0x2;
	s5 =	simm.s32 $0x1;
	[tilespmem:v14+s24+$0x0] =	vst.idx.msk $0xffff, v17;
	v17 =	vor.u32 s7, v0;
	s7 =	simm.s32 $0xFFFFFF9E  }
0x8c: {  	v26 =	vmul.f32 v27, v25;
	s5 =	simm.s32 @!p1 $0x0;
	v14 =	vmov v34;
	s7 =	simm.s32 @!p1 $0x0;
	[tilespmem:v19+s25+$0x0] =	vst.idx.msk $0xffff, v15;
	v19 =	vadd.s32 s8, v9  }
0x8d: {  	v15 =	vor.u32 s4, v0;
	v28 =	vadd.s32 v37, v31;
	v27 =	vadd.s32 v37, v35;
	s4 =	smov.u32 s10;
	s7 =	sadd.s32 s10, s7;
	[tilespmem:v29+s24+$0x0] =	vst.idx.msk $0xffff, v33;
	s10 =	smov.u32 s29  }
0x8e: {  	v25 =	vmov s7;
	[tilespmem:v32+s25+$0x0] =	vst.idx.msk $0xffff, v30  }
0x8f: {  	_ =	sdelay $0x3  }
0x90: {  	[tilespmem:v13+s24+$0x0] =	vst.idx.msk $0xffff, v28  }
0x91: {  	[tilespmem:v21+s25+$0x0] =	vst.idx.msk $0xffff, v26  }
0x92: {  	[tilespmem:v16+s24+$0x0] =	vst.idx.msk $0xffff, v27  }
0x93: {  	[tilespmem:v24+s25+$0x0] =	vst.idx.msk $0xffff, v23  }
0x94: {  	v13 =	vld.idx.msk [tilespmem:v12+s21+$0x0], $0xffff  }
0x95: {  	v16 =	vld.idx.msk [tilespmem:v11+s17+$0x0], $0xffff  }
0x96: {  	v21 =	vld.idx.msk [tilespmem:v12+s22+$0x0], $0xffff  }
0x97: {  	v23 =	vld.idx.msk [tilespmem:v11+s18+$0x0], $0xffff  }
0x98: {  	v24 =	vld.idx.msk [tilespmem:v11+s15+$0x0], $0xffff  }
0x99: {  	v26 =	vld.idx.msk [tilespmem:v12+s19+$0x0], $0xffff  }
0x9a: {  	v55 =	vor.u32 s5, v10;
	v57 =	vld.idx.msk [tilespmem:v12+s20+$0x0], $0xffff;
	v56 =	vsub.f32 $1.000000000e+00, v13;
	v29 =	vsub.f32 $1.000000000e+00, v16  }
0x9b: {  	v30 =	vand.u32 $0xFFFFFFF8, v25;
	v18 =	vand.u32 $0x7, v18;
	v27 =	vmul.u32 $0x68, v55  }
0x9c: {  	s12 =	sadd.s32 $0xFFFFFFFE, s4;
	v18 =	vor.u32 v18, v20;
	v11 =	vld.idx.msk [tilespmem:v11+s16+$0x0], $0xffff;
	v58 =	vmul.f32 v21, v23;
	v59 =	vmul.f32 v56, v29  }
0x9d: {  	v60 =	vand.u32 $0x7, v25;
	v62 =	vadd.s32 s12, v9;
	v61 =	vadd.s32 v30, v27  }
0x9e: {  	v63 =	vadd.s32 v24, v26;
	v29 =	vmul.f32 v13, v29;
	v21 =	vmul.f32 v58, v59  }
0x9f: {  	v31 =	vadd.s32 s13, v9;
	v23 =	vor.u32 v60, v61;
	v24 =	vadd.s32 v24, v57;
	[tilespmem:v14+s24+$0x0] =	vst.idx.msk $0xffff, v63  }
0xa0: {  	v33 =	vmul.f32 v56, v16;
	v34 =	vmul.f32 v58, v29;
	[tilespmem:v19+s25+$0x0] =	vst.idx.msk $0xffff, v21  }
0xa1: {  	v35 =	vadd.s32 s4, v9;
	v37 =	vadd.s32 v11, v26;
	[tilespmem:v18+s24+$0x0] =	vst.idx.msk $0xffff, v24  }
0xa2: {  	p0 =	sgt.u32 s0, $0x18;
	s0 =	simm.s32 $0xFFFFFF9E;
	v13 =	vmul.f32 v13, v16;
	v36 =	vmul.f32 v58, v33;
	[tilespmem:v62+s25+$0x0] =	vst.idx.msk $0xffff, v34  }
0xa3: {  	s4 =	simm.s32 $0x1;
	s7 =	sadd.s32 $0xFFFFFFFF, s10;
	s5 =	simm.s32 $0xFFFFFF9E;
	[tilespmem:v22+s24+$0x0] =	vst.idx.msk $0xffff, v37  }
0xa4: {  	s26 =	sadd.s32 $0xFFFFFFFD, s10;
	s29 =	sadd.s32 $0xFFFFFFFE, s10;
	s0 =	simm.s32 @!p0 $0x0;
	v11 =	vadd.s32 v11, v57;
	v13 =	vmul.f32 v58, v13;
	[tilespmem:v31+s25+$0x0] =	vst.idx.msk $0xffff, v36  }
0xa5: {  	s4 =	simm.s32 @!p0 $0x0;
	p0 =	sgt.u32 s7, $0x61;
	s0 =	sadd.s32 s10, s0;
	[tilespmem:v23+s24+$0x0] =	vst.idx.msk $0xffff, v11  }
0xa6: {  	v47 =	vadd.s32 s26, v9;
	s5 =	simm.s32 @!p0 $0x0;
	s13 =	sadd.s32 $0xFFFFFFFD, s0;
	s0 =	sadd.s32 $0xFFFFFFFE, s0;
	[tilespmem:v35+s25+$0x0] =	vst.idx.msk $0xffff, v13  }
0xa7: {  	v55 =	vadd.s32 s29, v9;
	s14 =	sadd.s32 s5, s7;
	v38 =	vmov s13;
	v40 =	vmov s0;
	v14 =	vld.idx.msk [tilespmem:v17+s21+$0x0], $0xffff  }
0xa8: {  	v42 =	vmov s14;
	v39 =	vand.u32 $0xFFFFFFF8, v38;
	v11 =	vor.u32 s4, v10;
	s4 =	simm.s32 $0x1;
	v19 =	vld.idx.msk [tilespmem:v15+s17+$0x0], $0xffff  }
0xa9: {  	v12 =	vand.u32 $0x6, v38;
	v43 =	vand.u32 $0xFFFFFFF8, v40;
	v11 =	vmul.u32 $0x68, v11;
	s4 =	simm.s32 @!p0 $0x0;
	v21 =	vld.idx.msk [tilespmem:v17+s22+$0x0], $0xffff  }
0xaa: {  	s5 =	simm.s32 $0x1;
	s0 =	simm.s32 $0xFFFFFF9E;
	v44 =	vand.u32 $0xFFFFFFF8, v42;
	v45 =	vand.u32 $0x6, v42;
	p0 =	sgt.u32 s10, $0x61;
	v41 =	vor.u32 s4, v10;
	v23 =	vld.idx.msk [tilespmem:v15+s18+$0x0], $0xffff  }
0xab: {  	v16 =	vand.u32 $0x7, v40;
	s0 =	simm.s32 @!p0 $0x0;
	v46 =	vld.idx.msk [tilespmem:v15+s15+$0x0], $0xffff;
	s5 =	simm.s32 @!p0 $0x0;
	v13 =	vadd.s32 v39, v11;
	v18 =	vmul.u32 $0x68, v41  }
0xac: {  	v24 =	vld.idx.msk [tilespmem:v17+s19+$0x0], $0xffff;
	v11 =	vadd.s32 v43, v11;
	s0 =	sadd.s32 s10, s0;
	v10 =	vor.u32 s5, v10;
	v12 =	vor.u32 v12, v13  }
0xad: {  	v52 =	vld.idx.msk [tilespmem:v17+s20+$0x0], $0xffff;
	v48 =	vmov s0;
	v49 =	vsub.f32 $1.000000000e+00, v14;
	v50 =	vsub.f32 $1.000000000e+00, v19  }
0xae: {  	v10 =	vmul.u32 $0x68, v10;
	v11 =	vor.u32 v16, v11;
	v18 =	vadd.s32 v44, v18  }
0xaf: {  	v56 =	vld.idx.msk [tilespmem:v15+s16+$0x0], $0xffff;
	v51 =	vand.u32 $0xFFFFFFF8, v48;
	v53 =	vmul.f32 v21, v23;
	v54 =	vmul.f32 v49, v50  }
0xb0: {  	v22 =	vand.u32 $0x7, v48;
	v13 =	vor.u32 v45, v18;
	v10 =	vadd.s32 v51, v10  }
0xb1: {  	v57 =	vadd.s32 v46, v24;
	v26 =	vmul.f32 v14, v50;
	v21 =	vmul.f32 v53, v54  }
0xb2: {  	v58 =	vadd.s32 s7, v9;
	v10 =	vor.u32 v22, v10;
	v20 =	vadd.s32 v46, v52;
	[tilespmem:v12+s24+$0x0] =	vst.idx.msk $0xffff, v57  }
0xb3: {  	s2 =	sadd.s32 $0x1, s2;
	v59 =	vmul.f32 v49, v19;
	v60 =	vmul.f32 v53, v26;
	[tilespmem:v47+s25+$0x0] =	vst.idx.msk $0xffff, v21  }
0xb4: {  	v9 =	vadd.s32 s10, v9;
	p0 =	sne.s32 s2, $0x8;
	v61 =	vadd.s32 v56, v24;
	[tilespmem:v11+s24+$0x0] =	vst.idx.msk $0xffff, v20  }
.Ltmp4:
0xb5: {  	v14 =	vmul.f32 v14, v19;
	v11 =	vmul.f32 v53, v59;
	[tilespmem:v55+s25+$0x0] =	vst.idx.msk $0xffff, v60;
	(pc) =	sbr.rel @p0 .LBB2_2-.Ltmp4, $4  }
0xb6: {  	[tilespmem:v13+s24+$0x0] =	vst.idx.msk $0xffff, v61  }
0xb7: {  	v63 =	vadd.s32 v56, v52;
	v62 =	vmul.f32 v53, v14;
	[tilespmem:v58+s25+$0x0] =	vst.idx.msk $0xffff, v11  }
0xb8: {  	[tilespmem:v10+s24+$0x0] =	vst.idx.msk $0xffff, v63  }
0xb9: {  	[tilespmem:v9+s25+$0x0] =	vst.idx.msk $0xffff, v62  }
.Ltmp5:
0xba: {  	s29 =	rddreg [dreg:$0x0];
	s0 =	simm.s32 $0x62;
	(pc) =	sbr.rel .LBB2_8-.Ltmp5, $4  }
0xbb: {  	[tilespmem:s28], [sflag:$0x1] =	stream.indirect.gather [hbm4b:s29+s0], $0x60, s24, s0, $0xb8;
	[tilespmem:$0x17320] =	vst v63  }
0xbc: {  	s1 =	simm.s32 $0x428;
	s2 =	simm.s32 $0xF280  }
0xbd: {  	[tilespmem:s2], [sflag:$0x1] =	stream.indirect.gather [hbm4b:s29+s0], $0x60, s1, s0, $0xb8;
	[tilespmem:$0x17320] =	vst v63  }
0xbe: {  	s10 =	simm.s32 $0x0;
	s2 =	simm.s32 $0x0  }
.LBB2_16:
0xbf: {  	s2 =	sadd.s32 $0x1, s2  }
0xc0: {  	p0 =	sne.s32 s2, $0x40  }
.Ltmp6:
0xc1: {  	_ = 	snop;
	(pc) =	sbr.rel @!p0 .LBB2_17-.Ltmp6, $2  }
0xc2: {  	_ =	sdelay $0x2  }
0xc3: {  	s10 =	sadd.s32 $0x188, s10  }
.LBB2_8:
0xc4: {  	s12 =	sshllo.u32 s2, $0x1  }
0xc5: {  	s0 =	smul.u32 $0x340, s12;
	_ =	sdelay $0x1  }
0xc6: {  	s0 =	sshra.s32 s0, $0x2  }
0xc7: {  	s1 =	simm.s32 $0x62;
	s26 =	sshll.u32 s2, $0x1;
	s4 =	sadd.s32 $0x3C0, s0  }
0xc8: {  	[tilespmem:s31], [sflag:$0x2] =	stream.indirect.gather [hbm4b:s29+s1], $0x60, s4, s1, $0xb8;
	[tilespmem:$0x17320] =	vst v63  }
0xc9: {  	s14 =	simm.s32 $0x13C00;
	s13 =	sor.u32 s6, s26;
	s0 =	sadd.s32 $0x428, s0  }
0xca: {  	[tilespmem:s14], [sflag:$0x2] =	stream.indirect.gather [hbm4b:s29+s1], $0x60, s0, s1, $0xb8;
	[tilespmem:$0x17320] =	vst v63  }
0xcb: {  	p0 =	sgt.u32 s13, $0xF9F;
	_ =	swait.ge [sflag:s23], $0x24C0  }
.Ltmp7:
0xcc: {  	[sflag:s23] =	ssyncset.done $0x0;
	(pc) =	sbr.rel @p0 .LBB2_12-.Ltmp7, $4  }
0xcd: {  	[sflag:s23] =	ssyncadd.s32 $0xFFFFDB40  }
0xce: {  	_ =	swait.ge [sflag:s23], $0x24C0  }
0xcf: {  	[sflag:s23] =	ssyncset.done $0x0  }
0xd0: {  	s0 =	simm.s32 $0x3;
	[sflag:s23] =	ssyncadd.s32 $0xFFFFDB40  }
0xd1: {  	s4 =	simm.s32 $0x0;
	s5 =	sadd.s32 $0x3, s10  }
0xd2: {  	s7 =	simm.s32 $0x1;
	v9 =	vmov s4;
	s9 =	sadd.s32 $0xFFFFFFFE, s5  }
0xd3: {  	v10 =	vmov s7;
	v9 =	vmul.u32 $0x60, v9;
	v11 =	vmov s9  }
0xd4: {  	v17 =	vmov s0;
	s14 =	sadd.s32 $0xFFFFFFFD, s5;
	v10 =	vmul.u32 $0x60, v10;
	v11 =	vand.u32 $0xFFFFFFFD, v11  }
0xd5: {  	s26 =	simm.s32 $0x2;
	s1 =	sadd.s32 $0xFFFFFFFF, s5;
	v12 =	vmov s14;
	v13 =	vbroadcast v9, $0x0;
	v11 =	vbroadcast v11, $0x0  }
0xd6: {  	v15 =	vmov s1;
	v14 =	vbroadcast v10, $0x0;
	v10 =	vmov s26  }
0xd7: {  	v9 =	vand.u32 $0xFFFFFFFC, v12;
	v10 =	vmul.u32 $0x60, v10;
	v12 =	vor.u32 v0, v13  }
0xd8: {  	v15 =	vand.u32 $0xFFFFFFFE, v15;
	v9 =	vbroadcast v9, $0x0;
	v16 =	vor.u32 v0, v14  }
0xd9: {  	v15 =	vbroadcast v15, $0x0;
	v18 =	vbroadcast v10, $0x0;
	v10 =	vmul.u32 $0x60, v17;
	_ =	sdelay $0x1  }
0xda: {  	v17 =	vor.u32 v0, v18;
	v19 =	vbroadcast v10, $0x0;
	v10 =	vld.idx.msk [tilespmem:v11+s25+$0x0], $0xffff  }
0xdb: {  	v22 =	vmov s5;
	v20 =	vld.idx.msk [tilespmem:v12+s28+$0x0], $0xffff  }
0xdc: {  	v16 =	vld.idx.msk [tilespmem:v16+s28+$0x0], $0xffff;
	v21 =	vor.u32 v0, v19  }
0xdd: {  	v12 =	vld.idx.msk [tilespmem:v9+s25+$0x0], $0xffff  }
0xde: {  	v11 =	vld.idx.msk [tilespmem:v15+s25+$0x0], $0xffff  }
0xdf: {  	v17 =	vld.idx.msk [tilespmem:v17+s28+$0x0], $0xffff  }
0xe0: {  	v9 =	vld.idx.msk [tilespmem:v22+s25+$0x0], $0xffff  }
0xe1: {  	v15 =	vld.idx.msk [tilespmem:v21+s28+$0x0], $0xffff  }
0xe2: {  	v20 =	vmul.f32 v20, v12;
	v16 =	vmul.f32 v16, v10;
	_ =	sdelay $0x1  }
0xe3: {  	s7 =	simm.s32 $0x0;
	v16 =	vadd.f32 v16, v20;
	v17 =	vmul.f32 v17, v11  }
0xe4: {  	v20 =	vor.u32 s7, v0  }
0xe5: {  	v60 =	vor.u32 v3, v13;
	v16 =	vadd.f32 v17, v16;
	v15 =	vmul.f32 v15, v9  }
0xe6: {  	v17 =	vor.u32 v3, v14  }
0xe7: {  	v15 =	vadd.f32 v15, v16  }
0xe8: {  	v16 =	vor.u32 v3, v18  }
0xe9: {  	[tilespmem:v20+s3+$0x0] =	vst.idx.msk $0xffff, v15  }
0xea: {  	v20 =	vor.u32 v3, v19;
	v15 =	vld.idx.msk [tilespmem:v60+s28+$0x0], $0xffff  }
0xeb: {  	v17 =	vld.idx.msk [tilespmem:v17+s28+$0x0], $0xffff;
	_ =	sdelay $0x1  }
0xec: {  	v16 =	vld.idx.msk [tilespmem:v16+s28+$0x0], $0xffff;
	_ =	sdelay $0x1  }
0xed: {  	v20 =	vld.idx.msk [tilespmem:v20+s28+$0x0], $0xffff  }
0xee: {  	v15 =	vmul.f32 v15, v12;
	v17 =	vmul.f32 v17, v10;
	_ =	sdelay $0x1  }
0xef: {  	s8 =	simm.s32 $0x10;
	v15 =	vadd.f32 v17, v15;
	v16 =	vmul.f32 v16, v11  }
0xf0: {  	v17 =	vor.u32 s8, v0  }
0xf1: {  	v61 =	vor.u32 v4, v13;
	v15 =	vadd.f32 v16, v15;
	v16 =	vmul.f32 v20, v9  }
0xf2: {  	v20 =	vadd.s32 v4, v14  }
0xf3: {  	v15 =	vadd.f32 v16, v15  }
0xf4: {  	v16 =	vor.u32 v4, v18  }
0xf5: {  	[tilespmem:v17+s3+$0x0] =	vst.idx.msk $0xffff, v15  }
0xf6: {  	v17 =	vadd.s32 v4, v19;
	v15 =	vld.idx.msk [tilespmem:v61+s28+$0x0], $0xffff  }
0xf7: {  	v20 =	vld.idx.msk [tilespmem:v20+s28+$0x0], $0xffff;
	_ =	sdelay $0x1  }
0xf8: {  	v16 =	vld.idx.msk [tilespmem:v16+s28+$0x0], $0xffff;
	_ =	sdelay $0x1  }
0xf9: {  	v17 =	vld.idx.msk [tilespmem:v17+s28+$0x0], $0xffff  }
0xfa: {  	v15 =	vmul.f32 v15, v12;
	v20 =	vmul.f32 v20, v10;
	_ =	sdelay $0x1  }
0xfb: {  	s9 =	simm.s32 $0x20;
	v15 =	vadd.f32 v20, v15;
	v16 =	vmul.f32 v16, v11  }
0xfc: {  	v20 =	vor.u32 s9, v0  }
0xfd: {  	v62 =	vor.u32 v6, v13;
	v15 =	vadd.f32 v16, v15;
	v16 =	vmul.f32 v17, v9  }
0xfe: {  	v17 =	vadd.s32 v6, v14  }
0xff: {  	v15 =	vadd.f32 v16, v15  }
0x100: {  	v16 =	vor.u32 v6, v18  }
0x101: {  	[tilespmem:v20+s3+$0x0] =	vst.idx.msk $0xffff, v15  }
0x102: {  	v20 =	vadd.s32 v6, v19;
	v15 =	vld.idx.msk [tilespmem:v62+s28+$0x0], $0xffff  }
0x103: {  	v17 =	vld.idx.msk [tilespmem:v17+s28+$0x0], $0xffff;
	_ =	sdelay $0x1  }
0x104: {  	v16 =	vld.idx.msk [tilespmem:v16+s28+$0x0], $0xffff;
	_ =	sdelay $0x1  }
0x105: {  	v20 =	vld.idx.msk [tilespmem:v20+s28+$0x0], $0xffff  }
0x106: {  	v15 =	vmul.f32 v15, v12;
	v17 =	vmul.f32 v17, v10;
	_ =	sdelay $0x1  }
0x107: {  	s14 =	simm.s32 $0x30;
	v15 =	vadd.f32 v17, v15;
	v16 =	vmul.f32 v16, v11  }
0x108: {  	v17 =	vor.u32 s14, v0  }
0x109: {  	v63 =	vor.u32 v7, v13;
	v15 =	vadd.f32 v16, v15;
	v16 =	vmul.f32 v20, v9  }
0x10a: {  	v20 =	vadd.s32 v7, v14  }
0x10b: {  	v15 =	vadd.f32 v16, v15  }
0x10c: {  	v16 =	vadd.s32 v7, v18  }
0x10d: {  	[tilespmem:v17+s3+$0x0] =	vst.idx.msk $0xffff, v15  }
0x10e: {  	v15 =	vor.u32 v7, v19;
	v17 =	vld.idx.msk [tilespmem:v63+s28+$0x0], $0xffff  }
0x10f: {  	v20 =	vld.idx.msk [tilespmem:v20+s28+$0x0], $0xffff;
	_ =	sdelay $0x1  }
0x110: {  	v16 =	vld.idx.msk [tilespmem:v16+s28+$0x0], $0xffff;
	_ =	sdelay $0x1  }
0x111: {  	v15 =	vld.idx.msk [tilespmem:v15+s28+$0x0], $0xffff  }
0x112: {  	v17 =	vmul.f32 v17, v12;
	v20 =	vmul.f32 v20, v10;
	_ =	sdelay $0x1  }
0x113: {  	s26 =	simm.s32 $0x40;
	v17 =	vadd.f32 v20, v17;
	v16 =	vmul.f32 v16, v11  }
0x114: {  	v20 =	vor.u32 s26, v0  }
0x115: {  	v13 =	vor.u32 v8, v13;
	v16 =	vadd.f32 v16, v17;
	v15 =	vmul.f32 v15, v9  }
0x116: {  	v14 =	vadd.s32 v8, v14  }
0x117: {  	v17 =	vadd.s32 v8, v18;
	v15 =	vadd.f32 v15, v16  }
0x118: {  	v19 =	vor.u32 v8, v19  }
0x119: {  	[tilespmem:v20+s3+$0x0] =	vst.idx.msk $0xffff, v15  }
0x11a: {  	s0 =	simm.s32 $0x7;
	v13 =	vld.idx.msk [tilespmem:v13+s28+$0x0], $0xffff  }
0x11b: {  	s29 =	simm.s32 $0x50;
	s4 =	simm.s32 $0xB;
	s5 =	sadd.s32 $0x7, s10;
	v16 =	vld.idx.msk [tilespmem:v14+s28+$0x0], $0xffff  }
0x11c: {  	s7 =	sadd.s32 $0xFFFFFFFF, s5;
	s14 =	simm.s32 $0x4;
	s26 =	simm.s32 $0x5;
	v15 =	vld.idx.msk [tilespmem:v17+s28+$0x0], $0xffff  }
0x11d: {  	s8 =	sadd.s32 $0xFFFFFFFD, s5;
	s9 =	sadd.s32 $0xFFFFFFFE, s5;
	v18 =	vmov s14;
	s14 =	simm.s32 $0x0;
	v14 =	vmov s26;
	v17 =	vld.idx.msk [tilespmem:v19+s28+$0x0], $0xffff  }
.LBB2_10:
0x11e: {  	p0 =	sne.s32 s4, $0xC3  }
0x11f: {  	v19 =	vmov s9;
	v18 =	vmul.u32 $0x60, v18;
	v20 =	vmul.u32 $0x60, v14;
	s14 =	sadd.s32 $0x60, s14;
	s9 =	smov.u32 s4;
	s4 =	sadd.s32 $0x4, s4  }
0x120: {  	v14 =	vmov s8;
	v19 =	vand.u32 $0xFFFFFFFD, v19;
	s8 =	sadd.s32 $0x50, s14  }
0x121: {  	v21 =	vand.u32 $0xFFFFFFFC, v14;
	v12 =	vmul.f32 v13, v12;
	v14 =	vbroadcast v18, $0x0  }
0x122: {  	v18 =	vbroadcast v19, $0x0;
	v10 =	vmul.f32 v16, v10;
	v19 =	vor.u32 s29, v0;
	s29 =	smov.u32 s8  }
0x123: {  	v13 =	vbroadcast v20, $0x0;
	v11 =	vmul.f32 v15, v11;
	v22 =	vor.u32 v0, v14  }
0x124: {  	v15 =	vmov s7;
	s7 =	sadd.s32 $0xFFFFFFFF, s0;
	v10 =	vadd.f32 v10, v12;
	v9 =	vmul.f32 v17, v9  }
0x125: {  	v12 =	vbroadcast v21, $0x0;
	v15 =	vand.u32 $0xFFFFFFFE, v15;
	v16 =	vmov s7  }
0x126: {  	v17 =	vbroadcast v15, $0x0;
	v15 =	vmul.u32 $0x60, v16;
	v10 =	vadd.f32 v11, v10  }
0x127: {  	v16 =	vmov s0;
	s0 =	smov.u32 s9;
	v11 =	vor.u32 v0, v13  }
0x128: {  	v16 =	vmul.u32 $0x60, v16;
	v15 =	vbroadcast v15, $0x0;
	v9 =	vadd.f32 v9, v10;
	_ =	sdelay $0x1  }
0x129: {  	v16 =	vbroadcast v16, $0x0;
	v20 =	vor.u32 v0, v15;
	[tilespmem:v19+s3+$0x0] =	vst.idx.msk $0xffff, v9  }
0x12a: {  	v19 =	vld.idx.msk [tilespmem:v22+s28+$0x0], $0xffff  }
0x12b: {  	v9 =	vor.u32 v0, v16;
	v21 =	vld.idx.msk [tilespmem:v11+s28+$0x0], $0xffff  }
0x12c: {  	v10 =	vld.idx.msk [tilespmem:v18+s25+$0x0], $0xffff;
	v18 =	vmov s5  }
0x12d: {  	v12 =	vld.idx.msk [tilespmem:v12+s25+$0x0], $0xffff  }
0x12e: {  	v20 =	vld.idx.msk [tilespmem:v20+s28+$0x0], $0xffff  }
0x12f: {  	v11 =	vld.idx.msk [tilespmem:v17+s25+$0x0], $0xffff  }
0x130: {  	v17 =	vld.idx.msk [tilespmem:v9+s28+$0x0], $0xffff  }
0x131: {  	v9 =	vld.idx.msk [tilespmem:v18+s25+$0x0], $0xffff;
	_ =	sdelay $0x1  }
0x132: {  	v18 =	vmul.f32 v19, v12;
	v19 =	vmul.f32 v21, v10;
	v21 =	vor.u32 v3, v14;
	_ =	sdelay $0x1  }
0x133: {  	v18 =	vadd.f32 v19, v18;
	v19 =	vmul.f32 v20, v11  }
0x134: {  	v20 =	vor.u32 s14, v0  }
0x135: {  	v18 =	vadd.f32 v19, v18;
	v17 =	vmul.f32 v17, v9  }
0x136: {  	v19 =	vor.u32 v3, v13  }
0x137: {  	v17 =	vadd.f32 v17, v18  }
0x138: {  	v18 =	vor.u32 v3, v15  }
0x139: {  	[tilespmem:v20+s3+$0x0] =	vst.idx.msk $0xffff, v17  }
0x13a: {  	v20 =	vor.u32 v3, v16;
	v17 =	vld.idx.msk [tilespmem:v21+s28+$0x0], $0xffff  }
0x13b: {  	v19 =	vld.idx.msk [tilespmem:v19+s28+$0x0], $0xffff;
	_ =	sdelay $0x1  }
0x13c: {  	v18 =	vld.idx.msk [tilespmem:v18+s28+$0x0], $0xffff;
	_ =	sdelay $0x1  }
0x13d: {  	v20 =	vld.idx.msk [tilespmem:v20+s28+$0x0], $0xffff  }
0x13e: {  	v17 =	vmul.f32 v17, v12  }
0x13f: {  	v21 =	vor.u32 v4, v14;
	v19 =	vmul.f32 v19, v10;
	_ =	sdelay $0x1  }
0x140: {  	s5 =	sadd.s32 $0x10, s14;
	v17 =	vadd.f32 v19, v17;
	v18 =	vmul.f32 v18, v11  }
0x141: {  	v19 =	vor.u32 s5, v0  }
0x142: {  	v17 =	vadd.f32 v18, v17;
	v18 =	vmul.f32 v20, v9  }
0x143: {  	v20 =	vadd.s32 v4, v13  }
0x144: {  	v17 =	vadd.f32 v18, v17  }
0x145: {  	v18 =	vor.u32 v4, v15  }
0x146: {  	[tilespmem:v19+s3+$0x0] =	vst.idx.msk $0xffff, v17  }
0x147: {  	v19 =	vadd.s32 v4, v16;
	v17 =	vld.idx.msk [tilespmem:v21+s28+$0x0], $0xffff  }
0x148: {  	v20 =	vld.idx.msk [tilespmem:v20+s28+$0x0], $0xffff;
	_ =	sdelay $0x1  }
0x149: {  	v18 =	vld.idx.msk [tilespmem:v18+s28+$0x0], $0xffff;
	_ =	sdelay $0x1  }
0x14a: {  	v19 =	vld.idx.msk [tilespmem:v19+s28+$0x0], $0xffff  }
0x14b: {  	v17 =	vmul.f32 v17, v12  }
0x14c: {  	v21 =	vor.u32 v6, v14;
	v20 =	vmul.f32 v20, v10;
	_ =	sdelay $0x1  }
0x14d: {  	s5 =	sadd.s32 $0x20, s14;
	v17 =	vadd.f32 v20, v17;
	v18 =	vmul.f32 v18, v11  }
0x14e: {  	v20 =	vor.u32 s5, v0  }
0x14f: {  	v17 =	vadd.f32 v18, v17;
	v18 =	vmul.f32 v19, v9  }
0x150: {  	v19 =	vadd.s32 v6, v13  }
0x151: {  	v17 =	vadd.f32 v18, v17  }
0x152: {  	v18 =	vor.u32 v6, v15  }
0x153: {  	[tilespmem:v20+s3+$0x0] =	vst.idx.msk $0xffff, v17  }
0x154: {  	v20 =	vadd.s32 v6, v16;
	v17 =	vld.idx.msk [tilespmem:v21+s28+$0x0], $0xffff  }
0x155: {  	v19 =	vld.idx.msk [tilespmem:v19+s28+$0x0], $0xffff;
	_ =	sdelay $0x1  }
0x156: {  	v18 =	vld.idx.msk [tilespmem:v18+s28+$0x0], $0xffff;
	_ =	sdelay $0x1  }
0x157: {  	v20 =	vld.idx.msk [tilespmem:v20+s28+$0x0], $0xffff  }
0x158: {  	v17 =	vmul.f32 v17, v12  }
0x159: {  	v21 =	vor.u32 v7, v14;
	v19 =	vmul.f32 v19, v10;
	_ =	sdelay $0x1  }
0x15a: {  	s5 =	sadd.s32 $0x30, s14;
	v17 =	vadd.f32 v19, v17;
	v18 =	vmul.f32 v18, v11  }
0x15b: {  	v19 =	vor.u32 s5, v0  }
0x15c: {  	v17 =	vadd.f32 v18, v17;
	v18 =	vmul.f32 v20, v9  }
0x15d: {  	v20 =	vadd.s32 v7, v13  }
0x15e: {  	v17 =	vadd.f32 v18, v17;
	v18 =	vadd.s32 v7, v15  }
0x15f: {  	v22 =	vor.u32 v7, v16  }
0x160: {  	[tilespmem:v19+s3+$0x0] =	vst.idx.msk $0xffff, v17  }
0x161: {  	v17 =	vld.idx.msk [tilespmem:v21+s28+$0x0], $0xffff  }
0x162: {  	v19 =	vld.idx.msk [tilespmem:v20+s28+$0x0], $0xffff  }
0x163: {  	v18 =	vld.idx.msk [tilespmem:v18+s28+$0x0], $0xffff  }
0x164: {  	v20 =	vld.idx.msk [tilespmem:v22+s28+$0x0], $0xffff;
	_ =	sdelay $0x2  }
0x165: {  	v17 =	vmul.f32 v17, v12  }
0x166: {  	v14 =	vor.u32 v8, v14;
	v19 =	vmul.f32 v19, v10;
	_ =	sdelay $0x1  }
0x167: {  	s5 =	sadd.s32 $0x40, s14;
	v18 =	vmul.f32 v18, v11;
	v17 =	vadd.f32 v19, v17  }
0x168: {  	v19 =	vor.u32 s5, v0  }
0x169: {  	v17 =	vadd.f32 v18, v17;
	v18 =	vmul.f32 v20, v9  }
0x16a: {  	v20 =	vadd.s32 v8, v13  }
0x16b: {  	v15 =	vadd.s32 v8, v15;
	v13 =	vadd.f32 v18, v17  }
0x16c: {  	v17 =	vor.u32 v8, v16  }
.Ltmp8:
0x16d: {  	[tilespmem:v19+s3+$0x0] =	vst.idx.msk $0xffff, v13;
	(pc) =	sbr.rel @p0 .LBB2_10-.Ltmp8, $4  }
0x16e: {  	v13 =	vld.idx.msk [tilespmem:v14+s28+$0x0], $0xffff  }
0x16f: {  	v16 =	vld.idx.msk [tilespmem:v20+s28+$0x0], $0xffff  }
0x170: {  	s26 =	sadd.s32 $0xFFFFFFFD, s0;
	s1 =	sadd.s32 $0xFFFFFFFE, s0;
	s5 =	sadd.s32 s0, s10;
	v15 =	vld.idx.msk [tilespmem:v15+s28+$0x0], $0xffff  }
0x171: {  	s8 =	sadd.s32 $0xFFFFFFFD, s5;
	s9 =	sadd.s32 $0xFFFFFFFE, s5;
	s7 =	sadd.s32 $0xFFFFFFFF, s5;
	v18 =	vmov s26;
	v14 =	vmov s1;
	v17 =	vld.idx.msk [tilespmem:v17+s28+$0x0], $0xffff  }
0x172: {  	v18 =	vmul.u32 $0x60, v18  }
0x173: {  	v19 =	vmov s9;
	v14 =	vmul.u32 $0x60, v14;
	v20 =	vmov s8  }
0x174: {  	v27 =	vor.u32 s29, v0;
	s1 =	sadd.s32 $0xFFFFFFFF, s0;
	v12 =	vmul.f32 v13, v12;
	v10 =	vmul.f32 v16, v10  }
0x175: {  	v30 =	vmov s7;
	v33 =	vmov s0;
	v31 =	vmov s1  }
0x176: {  	v18 =	vbroadcast v18, $0x0;
	v11 =	vmul.f32 v15, v11;
	v10 =	vadd.f32 v10, v12  }
0x177: {  	v19 =	vand.u32 $0xFFFFFFFD, v19;
	v29 =	vbroadcast v14, $0x0;
	v15 =	vmul.u32 $0x60, v31  }
0x178: {  	v28 =	vor.u32 v0, v18;
	v9 =	vmul.f32 v17, v9;
	v10 =	vadd.f32 v11, v10  }
0x179: {  	v25 =	vand.u32 $0xFFFFFFFC, v20;
	v26 =	vbroadcast v19, $0x0;
	v32 =	vor.u32 v0, v29  }
0x17a: {  	v15 =	vbroadcast v15, $0x0;
	v11 =	vbroadcast v25, $0x0;
	v9 =	vadd.f32 v9, v10  }
0x17b: {  	v17 =	vmul.u32 $0x60, v33;
	v10 =	vand.u32 $0xFFFFFFFE, v30  }
0x17c: {  	v34 =	vor.u32 v0, v15;
	v10 =	vbroadcast v10, $0x0;
	[tilespmem:v27+s3+$0x0] =	vst.idx.msk $0xffff, v9  }
0x17d: {  	v17 =	vbroadcast v17, $0x0;
	v9 =	vld.idx.msk [tilespmem:v28+s28+$0x0], $0xffff  }
0x17e: {  	v36 =	vmov s5;
	v13 =	vld.idx.msk [tilespmem:v32+s28+$0x0], $0xffff  }
0x17f: {  	v35 =	vor.u32 v0, v17;
	v16 =	vld.idx.msk [tilespmem:v26+s25+$0x0], $0xffff  }
0x180: {  	v11 =	vld.idx.msk [tilespmem:v11+s25+$0x0], $0xffff  }
0x181: {  	v14 =	vld.idx.msk [tilespmem:v34+s28+$0x0], $0xffff  }
0x182: {  	v10 =	vld.idx.msk [tilespmem:v10+s25+$0x0], $0xffff  }
0x183: {  	v20 =	vld.idx.msk [tilespmem:v36+s25+$0x0], $0xffff  }
0x184: {  	v19 =	vld.idx.msk [tilespmem:v35+s28+$0x0], $0xffff  }
0x185: {  	v13 =	vmul.f32 v13, v16;
	v9 =	vmul.f32 v9, v11;
	_ =	sdelay $0x1  }
0x186: {  	s26 =	sadd.s32 $0x60, s14;
	v9 =	vadd.f32 v13, v9;
	v37 =	vmul.f32 v14, v10  }
0x187: {  	v38 =	vor.u32 s26, v0  }
0x188: {  	v21 =	vor.u32 v3, v18;
	v39 =	vmul.f32 v19, v20;
	v9 =	vadd.f32 v37, v9  }
0x189: {  	v40 =	vor.u32 v3, v29  }
0x18a: {  	v9 =	vadd.f32 v39, v9  }
0x18b: {  	v41 =	vor.u32 v3, v15  }
0x18c: {  	[tilespmem:v38+s3+$0x0] =	vst.idx.msk $0xffff, v9  }
0x18d: {  	v42 =	vor.u32 v3, v17;
	v9 =	vld.idx.msk [tilespmem:v21+s28+$0x0], $0xffff  }
0x18e: {  	v19 =	vld.idx.msk [tilespmem:v40+s28+$0x0], $0xffff;
	_ =	sdelay $0x1  }
0x18f: {  	v13 =	vld.idx.msk [tilespmem:v41+s28+$0x0], $0xffff;
	_ =	sdelay $0x1  }
0x190: {  	v14 =	vld.idx.msk [tilespmem:v42+s28+$0x0], $0xffff  }
0x191: {  	v9 =	vmul.f32 v9, v11;
	v19 =	vmul.f32 v19, v16;
	_ =	sdelay $0x1  }
0x192: {  	s4 =	sadd.s32 $0x10, s26;
	v13 =	vmul.f32 v13, v10;
	v9 =	vadd.f32 v19, v9  }
0x193: {  	v43 =	vor.u32 s4, v0  }
0x194: {  	v44 =	vor.u32 v4, v18;
	v45 =	vmul.f32 v14, v20;
	v9 =	vadd.f32 v13, v9  }
0x195: {  	v46 =	vadd.s32 v4, v29  }
0x196: {  	v9 =	vadd.f32 v45, v9  }
0x197: {  	v47 =	vor.u32 v4, v15  }
0x198: {  	[tilespmem:v43+s3+$0x0] =	vst.idx.msk $0xffff, v9  }
0x199: {  	v48 =	vadd.s32 v4, v17;
	v9 =	vld.idx.msk [tilespmem:v44+s28+$0x0], $0xffff  }
0x19a: {  	v14 =	vld.idx.msk [tilespmem:v46+s28+$0x0], $0xffff;
	_ =	sdelay $0x1  }
0x19b: {  	v13 =	vld.idx.msk [tilespmem:v47+s28+$0x0], $0xffff;
	_ =	sdelay $0x1  }
0x19c: {  	v19 =	vld.idx.msk [tilespmem:v48+s28+$0x0], $0xffff  }
0x19d: {  	v9 =	vmul.f32 v9, v11;
	v14 =	vmul.f32 v14, v16;
	_ =	sdelay $0x1  }
0x19e: {  	s5 =	sadd.s32 $0x20, s26;
	v13 =	vmul.f32 v13, v10;
	v9 =	vadd.f32 v14, v9  }
0x19f: {  	v49 =	vor.u32 s5, v0  }
0x1a0: {  	v50 =	vor.u32 v6, v18;
	v51 =	vmul.f32 v19, v20;
	v9 =	vadd.f32 v13, v9  }
0x1a1: {  	v52 =	vadd.s32 v6, v29  }
0x1a2: {  	v9 =	vadd.f32 v51, v9  }
0x1a3: {  	v53 =	vor.u32 v6, v15  }
0x1a4: {  	[tilespmem:v49+s3+$0x0] =	vst.idx.msk $0xffff, v9  }
0x1a5: {  	v54 =	vadd.s32 v6, v17;
	v9 =	vld.idx.msk [tilespmem:v50+s28+$0x0], $0xffff  }
0x1a6: {  	v19 =	vld.idx.msk [tilespmem:v52+s28+$0x0], $0xffff;
	_ =	sdelay $0x1  }
0x1a7: {  	v13 =	vld.idx.msk [tilespmem:v53+s28+$0x0], $0xffff;
	_ =	sdelay $0x1  }
0x1a8: {  	v14 =	vld.idx.msk [tilespmem:v54+s28+$0x0], $0xffff  }
0x1a9: {  	v9 =	vmul.f32 v9, v11;
	v19 =	vmul.f32 v19, v16;
	_ =	sdelay $0x1  }
0x1aa: {  	s7 =	sadd.s32 $0x30, s26;
	v13 =	vmul.f32 v13, v10;
	v9 =	vadd.f32 v19, v9  }
0x1ab: {  	v55 =	vor.u32 s7, v0  }
0x1ac: {  	v56 =	vor.u32 v7, v18;
	v57 =	vmul.f32 v14, v20;
	v9 =	vadd.f32 v13, v9  }
0x1ad: {  	v58 =	vadd.s32 v7, v29  }
0x1ae: {  	v9 =	vadd.f32 v57, v9  }
0x1af: {  	v59 =	vadd.s32 v7, v15  }
0x1b0: {  	[tilespmem:v55+s3+$0x0] =	vst.idx.msk $0xffff, v9  }
0x1b1: {  	v9 =	vor.u32 v7, v17;
	v19 =	vld.idx.msk [tilespmem:v56+s28+$0x0], $0xffff  }
0x1b2: {  	v14 =	vld.idx.msk [tilespmem:v58+s28+$0x0], $0xffff;
	_ =	sdelay $0x1  }
0x1b3: {  	v13 =	vld.idx.msk [tilespmem:v59+s28+$0x0], $0xffff;
	_ =	sdelay $0x1  }
0x1b4: {  	v9 =	vld.idx.msk [tilespmem:v9+s28+$0x0], $0xffff  }
0x1b5: {  	v19 =	vmul.f32 v19, v11;
	v14 =	vmul.f32 v14, v16;
	_ =	sdelay $0x1  }
0x1b6: {  	s8 =	sadd.s32 $0x40, s26;
	v13 =	vmul.f32 v13, v10;
	v14 =	vadd.f32 v14, v19  }
0x1b7: {  	v60 =	vor.u32 s8, v0  }
0x1b8: {  	v18 =	vor.u32 v8, v18;
	v13 =	vadd.f32 v13, v14;
	v9 =	vmul.f32 v9, v20  }
0x1b9: {  	v12 =	vadd.s32 v8, v29  }
0x1ba: {  	v9 =	vadd.f32 v9, v13  }
0x1bb: {  	v61 =	vadd.s32 v8, v15  }
0x1bc: {  	[tilespmem:v60+s3+$0x0] =	vst.idx.msk $0xffff, v9  }
0x1bd: {  	v9 =	vor.u32 v8, v17;
	v62 =	vld.idx.msk [tilespmem:v18+s28+$0x0], $0xffff  }
0x1be: {  	v12 =	vld.idx.msk [tilespmem:v12+s28+$0x0], $0xffff;
	_ =	sdelay $0x1  }
0x1bf: {  	v13 =	vld.idx.msk [tilespmem:v61+s28+$0x0], $0xffff;
	_ =	sdelay $0x1  }
0x1c0: {  	v9 =	vld.idx.msk [tilespmem:v9+s28+$0x0], $0xffff  }
0x1c1: {  	v11 =	vmul.f32 v62, v11;
	v12 =	vmul.f32 v12, v16;
	_ =	sdelay $0x1  }
0x1c2: {  	s0 =	sadd.s32 $0x50, s26;
	v10 =	vmul.f32 v13, v10;
	v11 =	vadd.f32 v12, v11  }
0x1c3: {  	v63 =	vor.u32 s0, v0  }
0x1c4: {  	v9 =	vmul.f32 v9, v20;
	v10 =	vadd.f32 v10, v11;
	_ =	sdelay $0x1  }
0x1c5: {  	s9 =	smul.u32 $0x24C, s13;
	v9 =	vadd.f32 v9, v10  }
0x1c6: {  	s13 =	rddreg [dreg:$0x4]  }
0x1c7: {  	s14 =	simm.s32 $0x0;
	s26 =	simm.s32 $0x4;
	s0 =	sadd.s32 s13, s9;
	[tilespmem:v63+s3+$0x0] =	vst.idx.msk $0xffff, v9  }
0x1c8: {  	[hbm4b:s0+s14] =	stream.linear.scatter [tilespmem:s3], [sflag:$0x4], $0x1260, $0x38;
	[tilespmem:$0x17320] =	vst v63  }
0x1c9: {  	_ =	swait.ge [sflag:s26], $0x1260  }
0x1ca: {  	[sflag:s26] =	ssyncset.done $0x0  }
0x1cb: {  	[sflag:s26] =	ssyncadd.s32 $0xFFFFEDA0  }
0x1cc: {  	s29 =	rddreg [dreg:$0x0]  }
.LBB2_12:
0x1cd: {  	p0 =	seq.s32 s2, $0x3F  }
0x1ce: {  	s0 =	smul.u32 @!p0 $0x680, s2;
	_ =	sdelay $0x1  }
0x1cf: {  	s0 =	sshra.s32 @!p0 s0, $0x2  }
0x1d0: {  	s4 =	simm.s32 @!p0 $0x62;
	s5 =	simm.s32 @!p0 $0xCDC0;
	s1 =	sadd.s32 @!p0 $0x560, s0  }
0x1d1: {  	[tilespmem:s5], [sflag:$0x1] =	stream.indirect.gather @!p0 [hbm4b:s29+s4], $0x60, s1, s4, $0xb8;
	[tilespmem:$0x17320] =	vst v63  }
0x1d2: {  	s12 =	sor.u32 s6, s12;
	s0 =	sadd.s32 @!p0 $0x5C8, s0;
	s1 =	simm.s32 @!p0 $0xF280  }
0x1d3: {  	[tilespmem:s1], [sflag:$0x1] =	stream.indirect.gather @!p0 [hbm4b:s29+s4], $0x60, s0, s4, $0xb8;
	[tilespmem:$0x17320] =	vst v63  }
0x1d4: {  	p0 =	sgt.u32 s12, $0xF9F;
	_ =	swait.ge [sflag:s30], $0x24C0  }
.Ltmp9:
0x1d5: {  	[sflag:s30] =	ssyncset.done $0x0;
	(pc) =	sbr.rel @p0 .LBB2_16-.Ltmp9, $4  }
0x1d6: {  	[sflag:s30] =	ssyncadd.s32 $0xFFFFDB40  }
0x1d7: {  	_ =	swait.ge [sflag:s30], $0x24C0  }
0x1d8: {  	[sflag:s30] =	ssyncset.done $0x0  }
0x1d9: {  	[sflag:s30] =	ssyncadd.s32 $0xFFFFDB40  }
0x1da: {  	s0 =	simm.s32 $0x0  }
0x1db: {  	s1 =	simm.s32 $0x1;
	s9 =	sadd.s32 $0x1, s10;
	v9 =	vmov s0  }
0x1dc: {  	v10 =	vmov s1;
	s13 =	sadd.s32 $0xC4, s9;
	v9 =	vmul.u32 $0x60, v9  }
0x1dd: {  	v10 =	vmul.u32 $0x60, v10;
	v11 =	vmov s13  }
0x1de: {  	s4 =	sadd.s32 $0xC3, s9;
	v11 =	vand.u32 $0xFFFFFFFD, v11;
	v15 =	vbroadcast v9, $0x0  }
0x1df: {  	s26 =	simm.s32 $0x2;
	s14 =	sadd.s32 $0xC5, s9;
	v9 =	vmov s4;
	v16 =	vbroadcast v10, $0x0;
	v10 =	vbroadcast v11, $0x0  }
0x1e0: {  	v13 =	vmov s26;
	v11 =	vmov s14;
	v9 =	vand.u32 $0xFFFFFFFC, v9  }
0x1e1: {  	s5 =	simm.s32 $0x3;
	v12 =	vor.u32 v0, v15;
	v14 =	vbroadcast v9, $0x0;
	v9 =	vmul.u32 $0x60, v13  }
0x1e2: {  	v11 =	vand.u32 $0xFFFFFFFE, v11;
	v13 =	vmov s5;
	v17 =	vor.u32 v0, v16  }
0x1e3: {  	v11 =	vbroadcast v11, $0x0;
	v13 =	vmul.u32 $0x60, v13;
	v18 =	vbroadcast v9, $0x0;
	_ =	sdelay $0x1  }
0x1e4: {  	s0 =	sadd.s32 $0xC6, s9;
	v13 =	vbroadcast v13, $0x0;
	v9 =	vld.idx.msk [tilespmem:v10+s25+$0x0], $0xffff;
	v10 =	vor.u32 v0, v18  }
0x1e5: {  	v21 =	vmov s0;
	v19 =	vld.idx.msk [tilespmem:v12+s31+$0x0], $0xffff  }
0x1e6: {  	v20 =	vor.u32 v0, v13;
	v17 =	vld.idx.msk [tilespmem:v17+s31+$0x0], $0xffff  }
0x1e7: {  	v12 =	vld.idx.msk [tilespmem:v14+s25+$0x0], $0xffff  }
0x1e8: {  	v11 =	vld.idx.msk [tilespmem:v11+s25+$0x0], $0xffff  }
0x1e9: {  	v14 =	vld.idx.msk [tilespmem:v10+s31+$0x0], $0xffff  }
0x1ea: {  	v10 =	vld.idx.msk [tilespmem:v21+s25+$0x0], $0xffff  }
0x1eb: {  	v20 =	vld.idx.msk [tilespmem:v20+s31+$0x0], $0xffff  }
0x1ec: {  	v17 =	vmul.f32 v17, v9;
	v19 =	vmul.f32 v19, v12;
	_ =	sdelay $0x1  }
0x1ed: {  	s13 =	simm.s32 $0x0;
	v17 =	vadd.f32 v17, v19;
	v14 =	vmul.f32 v14, v11  }
0x1ee: {  	v19 =	vor.u32 s13, v0  }
0x1ef: {  	v21 =	vor.u32 v3, v15;
	v14 =	vadd.f32 v14, v17;
	v17 =	vmul.f32 v20, v10  }
0x1f0: {  	v20 =	vor.u32 v3, v16  }
0x1f1: {  	v14 =	vadd.f32 v17, v14  }
0x1f2: {  	v17 =	vor.u32 v3, v18  }
0x1f3: {  	[tilespmem:v19+s3+$0x0] =	vst.idx.msk $0xffff, v14  }
0x1f4: {  	v19 =	vor.u32 v3, v13;
	v14 =	vld.idx.msk [tilespmem:v21+s31+$0x0], $0xffff  }
0x1f5: {  	v20 =	vld.idx.msk [tilespmem:v20+s31+$0x0], $0xffff;
	_ =	sdelay $0x1  }
0x1f6: {  	v17 =	vld.idx.msk [tilespmem:v17+s31+$0x0], $0xffff;
	_ =	sdelay $0x1  }
0x1f7: {  	v19 =	vld.idx.msk [tilespmem:v19+s31+$0x0], $0xffff  }
0x1f8: {  	v14 =	vmul.f32 v14, v12;
	v20 =	vmul.f32 v20, v9;
	_ =	sdelay $0x1  }
0x1f9: {  	s7 =	simm.s32 $0x10;
	v14 =	vadd.f32 v20, v14;
	v17 =	vmul.f32 v17, v11  }
0x1fa: {  	v20 =	vor.u32 s7, v0  }
0x1fb: {  	v21 =	vor.u32 v4, v15;
	v14 =	vadd.f32 v17, v14;
	v17 =	vmul.f32 v19, v10  }
0x1fc: {  	v19 =	vadd.s32 v4, v16  }
0x1fd: {  	v14 =	vadd.f32 v17, v14  }
0x1fe: {  	v17 =	vor.u32 v4, v18  }
0x1ff: {  	[tilespmem:v20+s3+$0x0] =	vst.idx.msk $0xffff, v14  }
0x200: {  	v20 =	vadd.s32 v4, v13;
	v14 =	vld.idx.msk [tilespmem:v21+s31+$0x0], $0xffff  }
0x201: {  	v19 =	vld.idx.msk [tilespmem:v19+s31+$0x0], $0xffff;
	_ =	sdelay $0x1  }
0x202: {  	v17 =	vld.idx.msk [tilespmem:v17+s31+$0x0], $0xffff;
	_ =	sdelay $0x1  }
0x203: {  	v20 =	vld.idx.msk [tilespmem:v20+s31+$0x0], $0xffff  }
0x204: {  	v14 =	vmul.f32 v14, v12;
	v19 =	vmul.f32 v19, v9;
	_ =	sdelay $0x1  }
0x205: {  	s8 =	simm.s32 $0x20;
	v14 =	vadd.f32 v19, v14;
	v17 =	vmul.f32 v17, v11  }
0x206: {  	v19 =	vor.u32 s8, v0  }
0x207: {  	v21 =	vor.u32 v6, v15;
	v14 =	vadd.f32 v17, v14;
	v17 =	vmul.f32 v20, v10  }
0x208: {  	v20 =	vadd.s32 v6, v16  }
0x209: {  	v14 =	vadd.f32 v17, v14  }
0x20a: {  	v17 =	vor.u32 v6, v18  }
0x20b: {  	[tilespmem:v19+s3+$0x0] =	vst.idx.msk $0xffff, v14  }
0x20c: {  	v19 =	vadd.s32 v6, v13;
	v14 =	vld.idx.msk [tilespmem:v21+s31+$0x0], $0xffff  }
0x20d: {  	v20 =	vld.idx.msk [tilespmem:v20+s31+$0x0], $0xffff;
	_ =	sdelay $0x1  }
0x20e: {  	v17 =	vld.idx.msk [tilespmem:v17+s31+$0x0], $0xffff;
	_ =	sdelay $0x1  }
0x20f: {  	v19 =	vld.idx.msk [tilespmem:v19+s31+$0x0], $0xffff  }
0x210: {  	v14 =	vmul.f32 v14, v12;
	v20 =	vmul.f32 v20, v9;
	_ =	sdelay $0x1  }
0x211: {  	s9 =	simm.s32 $0x30;
	v14 =	vadd.f32 v20, v14;
	v17 =	vmul.f32 v17, v11  }
0x212: {  	v20 =	vor.u32 s9, v0  }
0x213: {  	v14 =	vadd.f32 v17, v14;
	v17 =	vmul.f32 v19, v10;
	v19 =	vadd.s32 v7, v16  }
0x214: {  	v21 =	vor.u32 v7, v15  }
0x215: {  	v14 =	vadd.f32 v17, v14  }
0x216: {  	v17 =	vadd.s32 v7, v18  }
0x217: {  	[tilespmem:v20+s3+$0x0] =	vst.idx.msk $0xffff, v14  }
0x218: {  	v14 =	vor.u32 v7, v13;
	v19 =	vld.idx.msk [tilespmem:v19+s31+$0x0], $0xffff  }
0x219: {  	v20 =	vld.idx.msk [tilespmem:v21+s31+$0x0], $0xffff;
	_ =	sdelay $0x1  }
0x21a: {  	v17 =	vld.idx.msk [tilespmem:v17+s31+$0x0], $0xffff;
	_ =	sdelay $0x1  }
0x21b: {  	v21 =	vld.idx.msk [tilespmem:v14+s31+$0x0], $0xffff  }
0x21c: {  	v19 =	vmul.f32 v19, v9;
	v20 =	vmul.f32 v20, v12;
	_ =	sdelay $0x1  }
0x21d: {  	s14 =	simm.s32 $0x40;
	v14 =	vadd.s32 v8, v18;
	v19 =	vadd.f32 v19, v20;
	v20 =	vmul.f32 v17, v11  }
0x21e: {  	s26 =	simm.s32 $0x4;
	v18 =	vor.u32 v8, v15;
	v17 =	vadd.s32 v8, v16;
	v16 =	vor.u32 s14, v0  }
0x21f: {  	s0 =	simm.s32 $0x5;
	s4 =	simm.s32 $0x9;
	s14 =	simm.s32 $0x50;
	v15 =	vadd.f32 v20, v19;
	v20 =	vmul.f32 v21, v10;
	v19 =	vmov s26  }
.LBB2_14:
0x220: {  	p0 =	sne.s32 s4, $0xC1  }
0x221: {  	v19 =	vmul.u32 $0x60, v19;
	v21 =	vmov s0;
	v20 =	vadd.f32 v20, v15;
	s13 =	sadd.s32 $0x60, s13;
	s1 =	smov.u32 s4;
	s4 =	sadd.s32 $0x4, s4  }
0x222: {  	s5 =	sadd.s32 s0, s10;
	v13 =	vor.u32 v8, v13;
	v21 =	vmul.u32 $0x60, v21;
	s7 =	sadd.s32 $0x50, s13  }
0x223: {  	s8 =	sadd.s32 $0xC3, s5;
	s9 =	sadd.s32 $0xC4, s5;
	s26 =	sadd.s32 $0xC5, s5;
	v15 =	vbroadcast v19, $0x0;
	[tilespmem:v16+s3+$0x0] =	vst.idx.msk $0xffff, v20  }
0x224: {  	s5 =	sadd.s32 $0xC6, s5;
	v19 =	vmov s8;
	v16 =	vbroadcast v21, $0x0;
	v18 =	vld.idx.msk [tilespmem:v18+s31+$0x0], $0xffff  }
0x225: {  	v20 =	vmov s26;
	v19 =	vand.u32 $0xFFFFFFFC, v19;
	v21 =	vor.u32 v0, v15;
	v17 =	vld.idx.msk [tilespmem:v17+s31+$0x0], $0xffff  }
0x226: {  	v22 =	vmov s9;
	v19 =	vbroadcast v19, $0x0;
	v23 =	vor.u32 v0, v16;
	v14 =	vld.idx.msk [tilespmem:v14+s31+$0x0], $0xffff  }
0x227: {  	v22 =	vand.u32 $0xFFFFFFFD, v22;
	v20 =	vand.u32 $0xFFFFFFFE, v20;
	v13 =	vld.idx.msk [tilespmem:v13+s31+$0x0], $0xffff  }
0x228: {  	v22 =	vbroadcast v22, $0x0;
	_ =	sdelay $0x1  }
0x229: {  	v12 =	vmul.f32 v18, v12  }
0x22a: {  	v9 =	vmul.f32 v17, v9;
	_ =	sdelay $0x1  }
0x22b: {  	v11 =	vmul.f32 v14, v11;
	v9 =	vadd.f32 v9, v12  }
0x22c: {  	s8 =	sadd.s32 $0x1, s0;
	v12 =	vor.u32 s14, v0;
	s14 =	smov.u32 s7  }
0x22d: {  	v14 =	vmov s8;
	s7 =	sadd.s32 $0x2, s0;
	v10 =	vmul.f32 v13, v10;
	s0 =	smov.u32 s1;
	v9 =	vadd.f32 v11, v9  }
0x22e: {  	v13 =	vmov s7;
	v11 =	vmul.u32 $0x60, v14  }
0x22f: {  	v13 =	vmul.u32 $0x60, v13;
	v9 =	vadd.f32 v10, v9  }
0x230: {  	v10 =	vbroadcast v20, $0x0;
	v17 =	vbroadcast v11, $0x0  }
0x231: {  	v13 =	vbroadcast v13, $0x0;
	[tilespmem:v12+s3+$0x0] =	vst.idx.msk $0xffff, v9  }
0x232: {  	v18 =	vor.u32 v0, v17;
	v14 =	vadd.s32 v8, v17;
	v9 =	vld.idx.msk [tilespmem:v22+s25+$0x0], $0xffff  }
0x233: {  	v20 =	vld.idx.msk [tilespmem:v21+s31+$0x0], $0xffff;
	v21 =	vor.u32 v0, v13  }
0x234: {  	v22 =	vmov s5;
	v23 =	vld.idx.msk [tilespmem:v23+s31+$0x0], $0xffff  }
0x235: {  	v12 =	vld.idx.msk [tilespmem:v19+s25+$0x0], $0xffff  }
0x236: {  	v19 =	vor.u32 v3, v15;
	v11 =	vld.idx.msk [tilespmem:v10+s25+$0x0], $0xffff  }
0x237: {  	v18 =	vld.idx.msk [tilespmem:v18+s31+$0x0], $0xffff  }
0x238: {  	v21 =	vld.idx.msk [tilespmem:v21+s31+$0x0], $0xffff  }
0x239: {  	v10 =	vld.idx.msk [tilespmem:v22+s25+$0x0], $0xffff  }
0x23a: {  	v22 =	vmul.f32 v23, v9  }
0x23b: {  	v20 =	vmul.f32 v20, v12;
	_ =	sdelay $0x1  }
0x23c: {  	v20 =	vadd.f32 v22, v20;
	v18 =	vmul.f32 v18, v11  }
0x23d: {  	v22 =	vor.u32 s13, v0  }
0x23e: {  	v18 =	vadd.f32 v18, v20;
	v20 =	vmul.f32 v21, v10  }
0x23f: {  	v21 =	vor.u32 v3, v16  }
0x240: {  	v18 =	vadd.f32 v20, v18  }
0x241: {  	v20 =	vor.u32 v3, v17  }
0x242: {  	[tilespmem:v22+s3+$0x0] =	vst.idx.msk $0xffff, v18  }
0x243: {  	v18 =	vld.idx.msk [tilespmem:v19+s31+$0x0], $0xffff;
	v19 =	vor.u32 v3, v13  }
0x244: {  	v21 =	vld.idx.msk [tilespmem:v21+s31+$0x0], $0xffff  }
0x245: {  	v22 =	vor.u32 v4, v15  }
0x246: {  	v20 =	vld.idx.msk [tilespmem:v20+s31+$0x0], $0xffff;
	_ =	sdelay $0x1  }
0x247: {  	v19 =	vld.idx.msk [tilespmem:v19+s31+$0x0], $0xffff  }
0x248: {  	v18 =	vmul.f32 v18, v12  }
0x249: {  	v21 =	vmul.f32 v21, v9;
	_ =	sdelay $0x1  }
0x24a: {  	s1 =	sadd.s32 $0x10, s13;
	v18 =	vadd.f32 v21, v18;
	v20 =	vmul.f32 v20, v11  }
0x24b: {  	v21 =	vor.u32 s1, v0  }
0x24c: {  	v18 =	vadd.f32 v20, v18;
	v19 =	vmul.f32 v19, v10  }
0x24d: {  	v20 =	vadd.s32 v4, v16  }
0x24e: {  	v18 =	vadd.f32 v19, v18  }
0x24f: {  	v19 =	vor.u32 v4, v17  }
0x250: {  	[tilespmem:v21+s3+$0x0] =	vst.idx.msk $0xffff, v18  }
0x251: {  	v21 =	vadd.s32 v4, v13;
	v18 =	vld.idx.msk [tilespmem:v22+s31+$0x0], $0xffff  }
0x252: {  	v20 =	vld.idx.msk [tilespmem:v20+s31+$0x0], $0xffff  }
0x253: {  	v22 =	vor.u32 v6, v15  }
0x254: {  	v19 =	vld.idx.msk [tilespmem:v19+s31+$0x0], $0xffff;
	_ =	sdelay $0x1  }
0x255: {  	v21 =	vld.idx.msk [tilespmem:v21+s31+$0x0], $0xffff  }
0x256: {  	v18 =	vmul.f32 v18, v12  }
0x257: {  	v20 =	vmul.f32 v20, v9;
	_ =	sdelay $0x1  }
0x258: {  	s1 =	sadd.s32 $0x20, s13;
	v18 =	vadd.f32 v20, v18;
	v19 =	vmul.f32 v19, v11  }
0x259: {  	v20 =	vor.u32 s1, v0  }
0x25a: {  	v18 =	vadd.f32 v19, v18;
	v19 =	vmul.f32 v21, v10  }
0x25b: {  	v21 =	vadd.s32 v6, v16  }
0x25c: {  	v18 =	vadd.f32 v19, v18  }
0x25d: {  	v19 =	vor.u32 v6, v17  }
0x25e: {  	[tilespmem:v20+s3+$0x0] =	vst.idx.msk $0xffff, v18  }
0x25f: {  	v20 =	vadd.s32 v6, v13;
	v18 =	vld.idx.msk [tilespmem:v22+s31+$0x0], $0xffff  }
0x260: {  	v21 =	vld.idx.msk [tilespmem:v21+s31+$0x0], $0xffff  }
0x261: {  	v22 =	vor.u32 v7, v15  }
0x262: {  	v19 =	vld.idx.msk [tilespmem:v19+s31+$0x0], $0xffff;
	_ =	sdelay $0x1  }
0x263: {  	v20 =	vld.idx.msk [tilespmem:v20+s31+$0x0], $0xffff  }
0x264: {  	v18 =	vmul.f32 v18, v12  }
0x265: {  	v21 =	vmul.f32 v21, v9;
	_ =	sdelay $0x1  }
0x266: {  	s1 =	sadd.s32 $0x30, s13;
	v18 =	vadd.f32 v21, v18;
	v19 =	vmul.f32 v19, v11  }
0x267: {  	v21 =	vor.u32 s1, v0  }
0x268: {  	v18 =	vadd.f32 v19, v18;
	v19 =	vmul.f32 v20, v10;
	v20 =	vadd.s32 v7, v16;
	_ =	sdelay $0x1  }
0x269: {  	v17 =	vadd.s32 v7, v17;
	v18 =	vadd.f32 v19, v18  }
0x26a: {  	v19 =	vor.u32 v7, v13  }
0x26b: {  	[tilespmem:v21+s3+$0x0] =	vst.idx.msk $0xffff, v18  }
0x26c: {  	v20 =	vld.idx.msk [tilespmem:v20+s31+$0x0], $0xffff  }
0x26d: {  	v21 =	vld.idx.msk [tilespmem:v22+s31+$0x0], $0xffff  }
0x26e: {  	v18 =	vor.u32 v8, v15;
	v22 =	vld.idx.msk [tilespmem:v17+s31+$0x0], $0xffff  }
0x26f: {  	v17 =	vadd.s32 v8, v16;
	v19 =	vld.idx.msk [tilespmem:v19+s31+$0x0], $0xffff;
	_ =	sdelay $0x2  }
0x270: {  	v15 =	vmul.f32 v20, v9  }
0x271: {  	v16 =	vmul.f32 v21, v12  }
.Ltmp10:
0x272: {  	(pc) =	sbr.rel @p0 .LBB2_14-.Ltmp10, $4  }
0x273: {  	s1 =	sadd.s32 $0x40, s13;
	v20 =	vmul.f32 v22, v11;
	v15 =	vadd.f32 v15, v16  }
0x274: {  	v16 =	vor.u32 s1, v0  }
0x275: {  	s1 =	sadd.s32 $0xFFFFFFFF, s0;
	v15 =	vadd.f32 v20, v15;
	v20 =	vmul.f32 v19, v10  }
0x276: {  	v19 =	vmov s1  }
0x277: {  	_ =	sdelay $0x1  }
0x278: {  	v15 =	vadd.f32 v20, v15;
	_ =	sdelay $0x1  }
0x279: {  	[tilespmem:v16+s3+$0x0] =	vst.idx.msk $0xffff, v15  }
0x27a: {  	v13 =	vor.u32 v8, v13;
	v15 =	vld.idx.msk [tilespmem:v18+s31+$0x0], $0xffff  }
0x27b: {  	v16 =	vld.idx.msk [tilespmem:v17+s31+$0x0], $0xffff;
	_ =	sdelay $0x1  }
0x27c: {  	s1 =	sadd.s32 s0, s10;
	v14 =	vld.idx.msk [tilespmem:v14+s31+$0x0], $0xffff  }
0x27d: {  	v21 =	vmov s0;
	v22 =	vmul.u32 $0x60, v19;
	s9 =	sadd.s32 $0x1, s0;
	v29 =	vor.u32 s14, v0;
	s26 =	sadd.s32 $0x2, s0;
	s4 =	sadd.s32 $0xC3, s1  }
0x27e: {  	s5 =	sadd.s32 $0xC5, s1;
	v30 =	vmov s9;
	v32 =	vmov s26;
	v23 =	vmov s4;
	v13 =	vld.idx.msk [tilespmem:v13+s31+$0x0], $0xffff  }
0x27f: {  	s8 =	sadd.s32 $0xC4, s1;
	v24 =	vmov s5;
	v12 =	vmul.f32 v15, v12;
	v9 =	vmul.f32 v16, v9  }
0x280: {  	v26 =	vmov s8;
	v31 =	vmul.u32 $0x60, v30;
	v17 =	vmul.u32 $0x60, v21  }
0x281: {  	v20 =	vand.u32 $0xFFFFFFFD, v26;
	v11 =	vmul.f32 v14, v11;
	v9 =	vadd.f32 v9, v12  }
0x282: {  	v18 =	vbroadcast v22, $0x0;
	v19 =	vand.u32 $0xFFFFFFFC, v23;
	v28 =	vbroadcast v20, $0x0  }
0x283: {  	v17 =	vbroadcast v17, $0x0;
	v10 =	vmul.f32 v13, v10;
	v9 =	vadd.f32 v11, v9  }
0x284: {  	v27 =	vbroadcast v19, $0x0;
	v20 =	vmul.u32 $0x60, v32;
	v25 =	vor.u32 v0, v18  }
0x285: {  	v13 =	vbroadcast v31, $0x0;
	v11 =	vor.u32 v0, v17;
	v9 =	vadd.f32 v10, v9  }
0x286: {  	v15 =	vand.u32 $0xFFFFFFFE, v24  }
0x287: {  	v33 =	vbroadcast v20, $0x0;
	v34 =	vor.u32 v0, v13;
	v10 =	vbroadcast v15, $0x0;
	[tilespmem:v29+s3+$0x0] =	vst.idx.msk $0xffff, v9  }
0x288: {  	v9 =	vld.idx.msk [tilespmem:v28+s25+$0x0], $0xffff  }
0x289: {  	s1 =	sadd.s32 $0xC6, s1;
	v35 =	vor.u32 v0, v33;
	v16 =	vld.idx.msk [tilespmem:v25+s31+$0x0], $0xffff  }
0x28a: {  	v36 =	vmov s1;
	v11 =	vld.idx.msk [tilespmem:v11+s31+$0x0], $0xffff  }
0x28b: {  	v12 =	vld.idx.msk [tilespmem:v27+s25+$0x0], $0xffff  }
0x28c: {  	v14 =	vld.idx.msk [tilespmem:v34+s31+$0x0], $0xffff  }
0x28d: {  	v10 =	vld.idx.msk [tilespmem:v10+s25+$0x0], $0xffff  }
0x28e: {  	v19 =	vld.idx.msk [tilespmem:v35+s31+$0x0], $0xffff  }
0x28f: {  	v20 =	vld.idx.msk [tilespmem:v36+s25+$0x0], $0xffff  }
0x290: {  	v11 =	vmul.f32 v11, v9;
	v16 =	vmul.f32 v16, v12;
	_ =	sdelay $0x1  }
0x291: {  	s4 =	sadd.s32 $0x60, s13;
	v11 =	vadd.f32 v11, v16;
	v14 =	vmul.f32 v14, v10  }
0x292: {  	v37 =	vor.u32 s4, v0  }
0x293: {  	v21 =	vor.u32 v3, v18;
	v38 =	vmul.f32 v19, v20;
	v11 =	vadd.f32 v14, v11  }
0x294: {  	v39 =	vor.u32 v3, v17  }
0x295: {  	v11 =	vadd.f32 v38, v11  }
0x296: {  	v40 =	vor.u32 v3, v13  }
0x297: {  	[tilespmem:v37+s3+$0x0] =	vst.idx.msk $0xffff, v11  }
0x298: {  	v41 =	vor.u32 v3, v33;
	v11 =	vld.idx.msk [tilespmem:v21+s31+$0x0], $0xffff  }
0x299: {  	v19 =	vld.idx.msk [tilespmem:v39+s31+$0x0], $0xffff;
	_ =	sdelay $0x1  }
0x29a: {  	v14 =	vld.idx.msk [tilespmem:v40+s31+$0x0], $0xffff;
	_ =	sdelay $0x1  }
0x29b: {  	v16 =	vld.idx.msk [tilespmem:v41+s31+$0x0], $0xffff  }
0x29c: {  	v11 =	vmul.f32 v11, v12;
	v19 =	vmul.f32 v19, v9;
	_ =	sdelay $0x1  }
0x29d: {  	s5 =	sadd.s32 $0x10, s4;
	v14 =	vmul.f32 v14, v10;
	v11 =	vadd.f32 v19, v11  }
0x29e: {  	v42 =	vor.u32 s5, v0  }
0x29f: {  	v43 =	vor.u32 v4, v18;
	v44 =	vmul.f32 v16, v20;
	v11 =	vadd.f32 v14, v11  }
0x2a0: {  	v45 =	vadd.s32 v4, v17  }
0x2a1: {  	v11 =	vadd.f32 v44, v11  }
0x2a2: {  	v46 =	vor.u32 v4, v13  }
0x2a3: {  	[tilespmem:v42+s3+$0x0] =	vst.idx.msk $0xffff, v11  }
0x2a4: {  	v47 =	vadd.s32 v4, v33;
	v11 =	vld.idx.msk [tilespmem:v43+s31+$0x0], $0xffff  }
0x2a5: {  	v16 =	vld.idx.msk [tilespmem:v45+s31+$0x0], $0xffff;
	_ =	sdelay $0x1  }
0x2a6: {  	v14 =	vld.idx.msk [tilespmem:v46+s31+$0x0], $0xffff;
	_ =	sdelay $0x1  }
0x2a7: {  	v19 =	vld.idx.msk [tilespmem:v47+s31+$0x0], $0xffff  }
0x2a8: {  	v11 =	vmul.f32 v11, v12;
	v16 =	vmul.f32 v16, v9;
	_ =	sdelay $0x1  }
0x2a9: {  	s7 =	sadd.s32 $0x20, s4;
	v14 =	vmul.f32 v14, v10;
	v11 =	vadd.f32 v16, v11  }
0x2aa: {  	v48 =	vor.u32 s7, v0  }
0x2ab: {  	v49 =	vor.u32 v6, v18;
	v50 =	vmul.f32 v19, v20;
	v11 =	vadd.f32 v14, v11  }
0x2ac: {  	v51 =	vadd.s32 v6, v17  }
0x2ad: {  	v11 =	vadd.f32 v50, v11  }
0x2ae: {  	v52 =	vor.u32 v6, v13  }
0x2af: {  	[tilespmem:v48+s3+$0x0] =	vst.idx.msk $0xffff, v11  }
0x2b0: {  	v53 =	vadd.s32 v6, v33;
	v11 =	vld.idx.msk [tilespmem:v49+s31+$0x0], $0xffff  }
0x2b1: {  	v19 =	vld.idx.msk [tilespmem:v51+s31+$0x0], $0xffff;
	_ =	sdelay $0x1  }
0x2b2: {  	v14 =	vld.idx.msk [tilespmem:v52+s31+$0x0], $0xffff;
	_ =	sdelay $0x1  }
0x2b3: {  	v16 =	vld.idx.msk [tilespmem:v53+s31+$0x0], $0xffff  }
0x2b4: {  	v11 =	vmul.f32 v11, v12;
	v19 =	vmul.f32 v19, v9;
	_ =	sdelay $0x1  }
0x2b5: {  	s8 =	sadd.s32 $0x30, s4;
	v14 =	vmul.f32 v14, v10;
	v11 =	vadd.f32 v19, v11  }
0x2b6: {  	v54 =	vor.u32 s8, v0  }
0x2b7: {  	v56 =	vadd.s32 v7, v17;
	v55 =	vmul.f32 v16, v20;
	v11 =	vadd.f32 v14, v11  }
0x2b8: {  	v57 =	vor.u32 v7, v18  }
0x2b9: {  	v11 =	vadd.f32 v55, v11  }
0x2ba: {  	v58 =	vadd.s32 v7, v13  }
0x2bb: {  	[tilespmem:v54+s3+$0x0] =	vst.idx.msk $0xffff, v11  }
0x2bc: {  	v11 =	vor.u32 v7, v33;
	v16 =	vld.idx.msk [tilespmem:v56+s31+$0x0], $0xffff  }
0x2bd: {  	v19 =	vld.idx.msk [tilespmem:v57+s31+$0x0], $0xffff;
	_ =	sdelay $0x1  }
0x2be: {  	v14 =	vld.idx.msk [tilespmem:v58+s31+$0x0], $0xffff;
	_ =	sdelay $0x1  }
0x2bf: {  	v11 =	vld.idx.msk [tilespmem:v11+s31+$0x0], $0xffff  }
0x2c0: {  	v16 =	vmul.f32 v16, v9;
	v19 =	vmul.f32 v19, v12;
	_ =	sdelay $0x1  }
0x2c1: {  	s9 =	sadd.s32 $0x40, s4;
	v14 =	vmul.f32 v14, v10;
	v16 =	vadd.f32 v16, v19  }
0x2c2: {  	v59 =	vor.u32 s9, v0  }
0x2c3: {  	v18 =	vor.u32 v8, v18;
	v14 =	vadd.f32 v14, v16;
	v11 =	vmul.f32 v11, v20  }
0x2c4: {  	v60 =	vadd.s32 v8, v17  }
0x2c5: {  	v11 =	vadd.f32 v11, v14  }
0x2c6: {  	v13 =	vadd.s32 v8, v13  }
0x2c7: {  	[tilespmem:v59+s3+$0x0] =	vst.idx.msk $0xffff, v11  }
0x2c8: {  	v11 =	vor.u32 v8, v33;
	v61 =	vld.idx.msk [tilespmem:v18+s31+$0x0], $0xffff  }
0x2c9: {  	v62 =	vld.idx.msk [tilespmem:v60+s31+$0x0], $0xffff;
	_ =	sdelay $0x1  }
0x2ca: {  	v13 =	vld.idx.msk [tilespmem:v13+s31+$0x0], $0xffff;
	_ =	sdelay $0x1  }
0x2cb: {  	v11 =	vld.idx.msk [tilespmem:v11+s31+$0x0], $0xffff  }
0x2cc: {  	v12 =	vmul.f32 v61, v12;
	v9 =	vmul.f32 v62, v9;
	_ =	sdelay $0x1  }
0x2cd: {  	s0 =	sadd.s32 $0x50, s4;
	v10 =	vmul.f32 v13, v10;
	v9 =	vadd.f32 v9, v12  }
0x2ce: {  	v63 =	vor.u32 s0, v0  }
0x2cf: {  	v9 =	vadd.f32 v10, v9;
	v10 =	vmul.f32 v11, v20;
	_ =	sdelay $0x1  }
0x2d0: {  	s13 =	smul.u32 $0x24C, s12;
	v9 =	vadd.f32 v10, v9  }
0x2d1: {  	s14 =	rddreg [dreg:$0x4]  }
.Ltmp11:
0x2d2: {  	s26 =	simm.s32 $0x0;
	s0 =	sadd.s32 s14, s13;
	[tilespmem:v63+s3+$0x0] =	vst.idx.msk $0xffff, v9;
	(pc) =	sbr.rel .LBB2_16-.Ltmp11, $4  }
0x2d3: {  	[hbm4b:s0+s26] =	stream.linear.scatter [tilespmem:s3], [sflag:$0x3], $0x1260, $0x38;
	[tilespmem:$0x17320] =	vst v63  }
0x2d4: {  	_ =	swait.ge [sflag:s11], $0x1260  }
0x2d5: {  	[sflag:s11] =	ssyncset.done $0x0  }
0x2d6: {  	[sflag:s11] =	ssyncadd.s32 $0xFFFFEDA0  }
.LBB2_18:
0x2d7: {  	_ =	sfence.sel $0x180000  }
0x2d8: {  	[bflag:$0x0] =	sbarrier.arrive $0xFFFF  }
0x2d9: {  	_ =	strace $0x90000047  }
0x2da: {  	s0 =	stileid.u32;
	[bflag:$0x2] =	sbarrier.arrive $0xFFFF  }
0x2db: {  	p0 =	sne.s32 s0, $0x0;
	s0 =	rddreg [dreg:$0x2]  }
0x2dc: {  	s0 =	sadd.s32 @!p0 $0x100000, s0  }
0x2dd: {  	[sflag:s0] =	ssyncadd.tile.s32 @!p0 $0x1;
	_ =	shalt  }
.Lfunc_end2:
_tile_overlayer_lowered:
.L_overlay_start_2:
0x2de: {  	(tag) =	ssettag $0x2  }
0x2df: {  	s0 =	rddreg [dreg:$0x0];
	s2 =	stileid.u32  }
0x2e0: {  	s1 =	rddreg [dreg:$0x1];
	p0 =	sne.s32 s2, $0x0  }
0x2e1: {  	s3 =	rddreg [dreg:$0x2];
	[bflag:$0x3] =	sbarrier.arrive $0xFFFF;
	s2 =	simm.s32 @!p0 $0x1C03  }
0x2e2: {  	[timem:s3], [sflag:s2] =	dma.local @!p0 [hbm:s0], s1  }
0x2e3: {  	s0 =	simm.s32 @!p0 $0x3  }
0x2e4: {  	_ =	swait.ge @!p0 [sflag:s0], s1  }
0x2e5: {  	s1 =	ssub.s32 @!p0 $0x0, s1;
	[sflag:s0] =	ssyncset.done @!p0 $0x0  }
0x2e6: {  	[sflag:s0] =	ssyncadd.s32 @!p0 s1  }
0x2e7: {  	[bflag:$0x3] =	sbarrier.arrive $0xFFFF  }
0x2e8: {  	_ =	shalt  }

// kernel: sparse-core-data-format-call.cloned.1.call-start
scs
called_computation_lowered:
.L_overlay_start_0:
0x0: {  	s2 =	sld [smem:$0x3FD9]  }
0x1: {  	s3 =	sld [smem:$0x3FFE];
	_ =	sdelay $0x1  }
0x2: {  	s1 =	srdreg.scid  }
0x3: {  	s0 =	sand.u32 $0x1, s1  }
0x4: {  	s18 =	sshll.u32 s0, $0xA;
	s2 =	sadd.s32 s3, s2  }
0x5: {  	s2 =	sadd.s32 s2, s18  }
0x6: {  	[smem:$0x3FC6] =	sst s2  }
0x7: {  	_ = 	snop  }
0x8: {  	s2 =	sld [smem:$0x3FD0];
	(tm) =	ssettm $0x1  }
0x9: {  	s19 =	sld [smem:$0x3FFB];
	_ =	sdelay $0x3  }
0xa: {  	_ =	strace s19  }
0xb: {  	s3 =	sld [smem:$0x3FFC];
	_ =	sdelay $0x3  }
0xc: {  	_ =	strace s3  }
0xd: {  	s3 =	sld [smem:$0x3FFD];
	_ =	sdelay $0x3  }
0xe: {  	_ =	strace s3  }
0xf: {  	_ =	strace $0x8FFFFFFF  }
0x10: {  	s20 =	sld [smem:$0x3FDB];
	_ =	sdelay $0x1  }
0x11: {  	s4 =	simm.s32 $_scs_section_size  }
0x12: {  	s5 =	simm.s32 $_size__tile_overlayer_lowered;
	s6 =	simm.s32 $_tile_overlayer_lowered  }
0x13: {  	s23 =	simm.s32 $0x1BFF;
	s22 =	sshll.u32 s6, $0x1;
	s3 =	sadd.s32 s4, s20  }
0x14: {  	s7 =	simm.s32 $0x0;
	s21 =	sshll.u32 s5, $0x1;
	s5 =	sadd.s32 s22, s3  }
0x15: {  	[timem:s7], [sflag:s23] =	dma.local [hbm:s5], s21  }
0x16: {  	_ =	swait.ge [sflag:s23], s21  }
0x17: {  	s4 =	ssub.s32 $0x0, s21;
	[sflag:s23] =	ssyncset.done $0x0  }
0x18: {  	[sflag:s23] =	ssyncadd.s32 s4;
	_ =	sdelay $0x1  }
0x19: {  	s24 =	simm.s32 $0x1B8B  }
0x1a: {  	_ =	swait.ge [sflag:s24], $0x1  }
0x1b: {  	[sflag:s24] =	ssyncset.done $0x0  }
0x1c: {  	s26 =	simm.s32 $0x1B8E;
	s25 =	sld [smem:$0x3FFE];
	[sflag:s24] =	ssyncadd.s32 $0xFFFFFFFF  }
0x1d: {  	s27 =	simm.s32 $execute0_lowered;
	[smem:$0x3FD2] =	sst s26  }
0x1e: {  	s5 =	sshll.u32 s27, $0x1;
	_ =	strace $0x80000049;
	[dreg:$0x1] =	wrdreg $0xFFFFFFFF  }
0x1f: {  	s28 =	simm.s32 $_size_execute0_lowered;
	s3 =	sadd.s32 s3, s5;
	[dreg:$0x0] =	wrdreg $0x0  }
0x20: {  	s5 =	sshll.u32 s28, $0x1;
	[dreg:$0x2] =	wrdreg s3  }
0x21: {  	[dreg:$0x3] =	wrdreg s5  }
0x22: {  	[dreg:$0x4] =	wrdreg $0xC0  }
0x23: {  	_ =	task [dreg:s7], $0x5FFFF  }
0x24: {  	[dreg:$0x1] =	wrdreg $0xFFFFFFFF  }
0x25: {  	[dreg:$0x0] =	wrdreg $0x60  }
0x26: {  	[dreg:$0x2] =	wrdreg s25  }
0x27: {  	[dreg:$0x3] =	wrdreg s2  }
0x28: {  	[dreg:$0x4] =	wrdreg $0x9  }
0x29: {  	_ =	task.clear_ibuf [dreg:s7], $0x5FFFF;
	_ =	strace $0x90000049  }
0x2a: {  	s29 =	simm.s32 $0x9;
	_ =	strace $0x8000004B  }
0x2b: {  	_ =	swait.ge [sflag:s29], $0x1  }
0x2c: {  	[sflag:s29] =	ssyncadd.s32 $0xFFFFFFFF  }
0x2d: {  	_ =	strace $0x9000004B  }
0x2e: {  	_ =	sfence  }
0x2f: {  	s30 =	sld [smem:$0x0];
	_ =	sdelay $0x2  }
0x30: {  	s31 =	sshll.u32 s1, $0xD;
	s1 =	sshrl.u32 s1, $0x2  }
0x31: {  	s3 =	sand.u32 $0x4000, s31;
	s1 =	sadd.s32 s1, s30  }
0x32: {  	s0 =	sor.u32 s3, s0;
	s1 =	sshll.u32 s1, $0x11  }
0x33: {  	s0 =	sor.u32 s1, s0  }
0x34: {  	s0 =	sadd.s32 $0x8F2B, s0  }
0x35: {  	[sflag:s0] =	ssyncadd.remote.s32 $0x1  }
0x36: {  	_ =	sfence.sel $0xFFFF  }
0x37: {  	[dreg:$0x0] =	wrdreg $0xFFFFFFFF;
	(pc) =	sbr.abs _section_cstart, $3  }
0x38: {  	[dreg:$0x1] =	wrdreg $0xFFFFFFFF  }
0x39: {  	_ =	task.clear_ibuf [dreg:s7], $0x2FFFF;
	_ =	strace $0x9FFFFFFF  }
0x3a: {  	(tm) =	ssettm $0x7FFFFFFF  }
0x3b: {  	_ =	shalt  }
tec
execute0_lowered:
.L_overlay_start_1:
0x0: {  	(tag) =	ssettag $0x1  }
0x1: {  	s0 =	rddreg [dreg:$0x0];
	s1 =	srdreg.scid  }
0x2: {  	_ =	strace $0x8000004A;
	s30 =	stileid.u32;
	s2 =	simm.s32 $0x1  }
0x3: {  	s31 =	simm.s32 $0x2;
	s16 =	simm.s32 $0x0;
	s15 =	simm.s32 $0x0  }
.Ltmp0:
0x4: {  	s14 =	simm.s32 $0x0;
	s29 =	sshll.u32 s1, $0x4;
	(pc) =	sbr.rel .LBB1_1-.Ltmp0, $4  }
0x5: {  	s10 =	simm.s32 $0x0;
	s8 =	sadd.s32 $0x23F600, s0;
	s0 =	sand.u32 $0x10, s29  }
0x6: {  	s9 =	simm.s32 $0x0;
	s7 =	simm.s32 $0x0;
	s0 =	sor.u32 s30, s0  }
0x7: {  	[sflag:s2] =	ssyncpa.u1 $0x0;
	[dreg:$0x3] =	wrdreg s8;
	s13 =	sshll.u32 s0, $0x7  }
0x8: {  	[sflag:s31] =	ssyncpa.u1 $0x0;
	s11 =	smov.u32 s13;
	[dreg:$0x4] =	wrdreg s13  }
.LBB1_12:
0x9: {  	s14 =	rddreg [dreg:$0x5]  }
0xa: {  	s5 =	rddreg [dreg:$0x9]  }
0xb: {  	s24 =	rddreg [dreg:$0x8]  }
0xc: {  	s1 =	sshll.u32 s10, $0x3;
	s2 =	sand.u32 $0x78, s10;
	s29 =	rddreg [dreg:$0x1]  }
0xd: {  	p1 =	sgt.s32 s10, $0xF80;
	s4 =	smov.u32 s10;
	s13 =	rddreg [dreg:$0x4]  }
0xe: {  	s28 =	sand.u32 $0x7, s10;
	s31 =	simm.s32 $0x8000;
	s16 =	rddreg [dreg:$0x7]  }
0xf: {  	s0 =	sshll.u32 s14, $0xC;
	s3 =	sand.u32 $0xFFFFFC00, s1;
	p0 =	sgt.s32 s14, $0x11E0  }
0x10: {  	s1 =	sand.u32 $0xC00, s1;
	s4 =	simm.s32 @!p1 $0xF80;
	s26 =	sshll.u32 s14, $0x7  }
0x11: {  	s0 =	sand.u32 $0xFFFF8000, s0;
	s4 =	sadd.s32 s24, s4;
	s1 =	sor.u32 s2, s1  }
0x12: {  	s2 =	sand.u32 $0x380, s26;
	s0 =	sadd.s32 s3, s0;
	s3 =	smov.u32 s14  }
0x13: {  	s8 =	sadd.s32 $0xFFFFF080, s4;
	s3 =	simm.s32 @!p0 $0x11E0;
	s0 =	sshrl.u32 s0, $0xC  }
0x14: {  	s4 =	ssub.s32 $0x1000, s4;
	s3 =	sadd.s32 s5, s3;
	s25 =	smulhi.u32 $0xDEE96, s0  }
0x15: {  	s1 =	sor.u32 s2, s1;
	p1 =	sgt.s32 s8, $0x7F;
	s6 =	sadd.s32 $0xFFFFEE20, s3  }
0x16: {  	s3 =	ssub.s32 $0x1260, s3;
	p0 =	sgt.s32 s6, $0x7F;
	s5 =	smul.u32 $0x1260, s25  }
0x17: {  	s1 =	sshrl.u32 s1, $0x3;
	s4 =	simm.s32 @p1 $0x0;
	s3 =	simm.s32 @p0 $0x0  }
0x18: {  	s8 =	rddreg [dreg:$0x3];
	s0 =	ssub.s32 s0, s5;
	s27 =	smul.u32 s4, s3  }
0x19: {  	s1 =	sadd.s32 s29, s1;
	s3 =	sshll.u32 s28, $0x12;
	s0 =	sshll.u32 s0, $0x9  }
0x1a: {  	s30 =	sor.u32 $0x400, s3;
	s2 =	sand.u32 $0x3FFFFFFF, s27;
	s0 =	sadd.s32 s0, s1  }
0x1b: {  	[hbm4b:s0+s30] =	stream.strided.scatter [tilespmem:s15], [sflag:$0x2], s2, s31, s30, $0x20;
	[tilespmem:$0x10100] =	vst v63  }
0x1c: {  	s15 =	rddreg [dreg:$0x6]  }
.LBB1_13:
0x1d: {  	p0 =	slt.u32 s7, $0x2  }
0x1e: {  	s1 =	smov.u32 s16;
	s2 =	smov.u32 s15;
	p1 =	sgt.s32 @!p0 s16, $0x11E0  }
0x1f: {  	s0 =	sshra.s32 @!p0 s16, $0x1F;
	p2 =	sgt.s32 @!p0 s15, $0xF80;
	s3 =	sshra.s32 @!p0 s15, $0x1F  }
0x20: {  	p1 =	por !p1, p0;
	s0 =	sand.u32 @!p0 s0, s16;
	p2 =	por !p2, p0  }
0x21: {  	s3 =	sand.u32 @!p0 s3, s15;
	s1 =	simm.s32 @p1 $0x11E0;
	s2 =	simm.s32 @p2 $0xF80  }
0x22: {  	s0 =	ssub.s32 @!p0 s1, s0;
	s1 =	ssub.s32 @!p0 s2, s3  }
0x23: {  	s2 =	sadd.s32 @!p0 $0xFFFFEE20, s0;
	s3 =	sadd.s32 @!p0 $0xFFFFF080, s1  }
0x24: {  	s0 =	ssub.s32 @!p0 $0x1260, s0;
	p1 =	sgt.s32 @!p0 s2, $0x7F;
	p2 =	sgt.s32 @!p0 s3, $0x7F  }
0x25: {  	s1 =	ssub.s32 @!p0 $0x1000, s1;
	p1 =	por !p1, p0;
	p2 =	por !p2, p0  }
0x26: {  	s0 =	simm.s32 @!p1 $0x0;
	s1 =	simm.s32 @!p2 $0x0  }
0x27: {  	s0 =	smul.u32 @!p0 s1, s0;
	s1 =	sadd.s32 $0x80, s9  }
0x28: {  	s4 =	smov.u32 s11;
	s3 =	sadd.s32 $0x1000, s11;
	p1 =	sgt.s32 s1, $0x125F  }
0x29: {  	s4 =	smov.u32 @p1 s3  }
0x2a: {  	s7 =	sadd.s32 $0x1, s7;
	s1 =	simm.s32 @p1 $0x0;
	p1 =	sgt.s32 s4, $0xF9F  }
0x2b: {  	s4 =	smov.u32 @p1 s13;
	p1 =	sne.s32 s7, $0x27  }
.Ltmp1:
0x2c: {  	_ = 	snop;
	(pc) =	sbr.rel @!p1 .LBB1_14-.Ltmp1, $4  }
0x2d: {  	s16 =	smov.u32 s14;
	s2 =	simm.s32 @!p0 $0x2;
	s0 =	sand.u32 @!p0 $0x3FFFFFFF, s0  }
0x2e: {  	s15 =	smov.u32 s10;
	s14 =	smov.u32 s9;
	_ =	swait.ge @!p0 [sflag:s2], s0  }
0x2f: {  	s10 =	smov.u32 s11;
	s0 =	ssub.s32 @!p0 $0x0, s0;
	[sflag:s2] =	ssyncset.done @!p0 $0x0  }
0x30: {  	s9 =	smov.u32 s1;
	[sflag:s2] =	ssyncadd.s32 @!p0 s0;
	s11 =	smov.u32 s4  }
.LBB1_1:
0x31: {  	p0 =	sgt.u32 s7, $0x24  }
0x32: {  	s0 =	sshrl.u32 @!p0 s11, $0x3  }
0x33: {  	s1 =	sshll.u32 @!p0 s9, $0x3;
	s0 =	smul.u32 @!p0 $0x9400, s0  }
0x34: {  	s4 =	smov.u32 s9;
	s2 =	sshll.u32 @!p0 s11, $0x7;
	s1 =	sand.u32 @!p0 $0xFFFFFC00, s1  }
0x35: {  	p1 =	sgt.s32 @!p0 s11, $0xF20;
	s0 =	sadd.s32 @!p0 s0, s1;
	s1 =	sand.u32 @!p0 $0x380, s2  }
0x36: {  	s3 =	sshra.s32 @!p0 s11, $0x1F;
	s2 =	sand.u32 @!p0 $0x7F, s9;
	s0 =	sor.u32 @!p0 s1, s0  }
0x37: {  	p1 =	por !p1, p0;
	s1 =	sor.u32 @!p0 s2, s0;
	s2 =	smov.u32 s11  }
0x38: {  	s0 =	sshrl.u32 @!p0 s0, $0x7;
	s2 =	simm.s32 @p1 $0xF20;
	p1 =	sgt.s32 @!p0 s9, $0x1200  }
0x39: {  	s5 =	sshra.s32 @!p0 s9, $0x1F;
	s0 =	smulhi.u32 @!p0 $0x6EB3E46, s0;
	p1 =	por !p1, p0  }
0x3a: {  	s3 =	sand.u32 @!p0 s3, s11;
	s5 =	sand.u32 @!p0 s5, s9;
	s4 =	simm.s32 @p1 $0x1200  }
0x3b: {  	s2 =	ssub.s32 @!p0 s2, s3;
	s6 =	smul.u32 @!p0 $0x1280, s0;
	s3 =	ssub.s32 @!p0 s4, s5  }
0x3c: {  	s4 =	smulhi.u32 @!p0 $0x10624E, s0;
	s5 =	sadd.s32 @!p0 $0xFFFFF0E0, s2;
	s2 =	ssub.s32 @!p0 $0xFA0, s2  }
0x3d: {  	s12 =	sadd.s32 @!p0 $0xFFFFEE00, s3;
	s1 =	ssub.s32 @!p0 s1, s6;
	p1 =	sgt.s32 @!p0 s5, $0x7F  }
0x3e: {  	s5 =	sxor.u32 @!p0 $0xFFFFFFFF, s7;
	s3 =	ssub.s32 @!p0 $0x1280, s3;
	p2 =	sgt.s32 @!p0 s12, $0x7F  }
0x3f: {  	s4 =	smul.u32 @!p0 $0xFA0, s4;
	p1 =	por !p1, p0;
	p2 =	por !p2, p0  }
0x40: {  	s5 =	sshll.u32 @!p0 s5, $0xE;
	s2 =	simm.s32 @!p1 $0x0;
	s3 =	simm.s32 @!p2 $0x0  }
0x41: {  	s5 =	sand.u32 @!p0 $0x4000, s5;
	s0 =	ssub.s32 @!p0 s0, s4;
	s2 =	smul.u32 @!p0 s2, s3  }
0x42: {  	s0 =	smul.u32 @!p0 $0x250, s0;
	s3 =	sshrl.u32 @!p0 s1, $0x3;
	s1 =	sand.u32 @!p0 $0x7, s1  }
0x43: {  	s3 =	sadd.s32 @!p0 s8, s3;
	s1 =	sshll.u32 @!p0 s1, $0x12;
	s2 =	sand.u32 @!p0 $0x3FFFFFFF, s2  }
0x44: {  	s0 =	sadd.s32 @!p0 s0, s3;
	s1 =	sor.u32 @!p0 $0x400, s1;
	s3 =	simm.s32 @!p0 $0x9400  }
0x45: {  	[tilespmem:s5], [sflag:$0x1] =	stream.strided.gather @!p0 [hbm4b:s0+s1], s2, s3, s1, $0x38;
	[tilespmem:$0x10100] =	vst v63  }
0x46: {  	p0 =	seq.s32 s7, $0x0  }
0x47: {  	p1 =	seq.s32 @!p0 s7, $0x26  }
0x48: {  	p0 =	por p0, p1  }
.Ltmp2:
0x49: {  	_ = 	snop;
	(pc) =	sbr.rel @p0 .LBB1_13-.Ltmp2, $1  }
0x4a: {  	_ =	sdelay $0x3  }
0x4b: {  	s0 =	ssub.s32 $0x0, s10;
	s1 =	sshra.s32 s10, $0x1F;
	p0 =	sgt.s32 s10, $0xF20  }
0x4c: {  	s2 =	smov.u32 s10;
	s25 =	ssub.s32 $0x0, s14;
	s26 =	sshra.s32 s14, $0x1F  }
0x4d: {  	s3 =	smov.u32 s14;
	s2 =	simm.s32 @!p0 $0xF20;
	p0 =	sgt.s32 s14, $0x1200  }
0x4e: {  	s4 =	sand.u32 s0, s1;
	s1 =	sand.u32 s25, s26;
	s3 =	simm.s32 @!p0 $0x1200  }
0x4f: {  	s2 =	sadd.s32 s4, s2;
	[dreg:$0x9] =	wrdreg s1;
	s1 =	sadd.s32 s1, s3  }
0x50: {  	s27 =	sadd.s32 $0xFFFFF0E0, s2;
	s2 =	ssub.s32 $0xFA0, s2;
	s28 =	sadd.s32 $0xFFFFEE00, s1  }
0x51: {  	p0 =	sgt.s32 s27, $0x7F;
	s0 =	ssub.s32 $0x1280, s1;
	p1 =	sgt.s32 s28, $0x7F  }
0x52: {  	s2 =	simm.s32 @p0 $0x0;
	s0 =	simm.s32 @p1 $0x0  }
0x53: {  	s29 =	smul.u32 s2, s0;
	s2 =	sadd.s32 $0x80, s10  }
0x54: {  	p0 =	slt.s32 s2, $0xFA0  }
0x55: {  	s2 =	simm.s32 @!p0 $0xFA0  }
0x56: {  	[dreg:$0x7] =	wrdreg s16;
	s17 =	ssub.s32 s2, s10  }
0x57: {  	[dreg:$0x6] =	wrdreg s15;
	p0 =	slt.s32 s17, $0x1  }
.Ltmp3:
0x58: {  	[dreg:$0x5] =	wrdreg s14;
	s30 =	simm.s32 $0x1;
	(pc) =	sbr.rel @p0 .LBB1_12-.Ltmp3, $4  }
0x59: {  	[dreg:$0x8] =	wrdreg s4;
	s0 =	sand.u32 $0x1, s7;
	s1 =	sand.u32 $0x3FFFFFFF, s29  }
0x5a: {  	s31 =	smul.u32 $0x4080, s0;
	_ =	swait.ge [sflag:s30], s1  }
0x5b: {  	s1 =	ssub.s32 $0x0, s1;
	[sflag:s30] =	ssyncset.done $0x0  }
0x5c: {  	s15 =	sor.u32 $0x8000, s31;
	[sflag:s30] =	ssyncadd.s32 s1  }
0x5d: {  	s2 =	rddreg [dreg:$0x5]  }
0x5e: {  	s1 =	sadd.s32 $0x80, s2  }
0x5f: {  	p0 =	slt.s32 s1, $0x1260  }
.Ltmp4:
0x60: {  	s1 =	simm.s32 @!p0 $0x1260;
	(pc) =	sbr.rel .LBB1_4-.Ltmp4, $4  }
0x61: {  	s20 =	sshll.u32 s0, $0xE;
	s1 =	ssub.s32 s1, s2  }
0x62: {  	s22 =	simm.s32 $0x0;
	s23 =	simm.s32 $0x400;
	s1 =	sadd.s32 $0xF, s1  }
0x63: {  	s18 =	sand.u32 $0xFFFFFFF0, s1;
	s19 =	sand.u32 $0xFFFFFF00, s1;
	s31 =	sshll.u32 s1, $0x3  }
0x64: {  	p0 =	slt.s32 s1, $0x100;
	s21 =	sand.u32 $0xFFFFF800, s31;
	p1 =	sge.s32 s19, s18  }
.LBB1_11:
0x65: {  	s22 =	sadd.s32 $0x1, s22  }
0x66: {  	p2 =	sne.s32 s22, s17  }
.Ltmp5:
0x67: {  	_ = 	snop;
	(pc) =	sbr.rel @!p2 .LBB1_12-.Ltmp5, $2  }
0x68: {  	_ =	sdelay $0x2  }
0x69: {  	s23 =	sadd.s32 $0x80, s23  }
.LBB1_4:
.Ltmp6:
0x6a: {  	(pc) =	sbr.rel @p0 .LBB1_8-.Ltmp6, $2  }
0x6b: {  	_ =	sdelay $0x2  }
0x6c: {  	s24 =	sshll.u32 s22, $0x7;
	s25 =	sand.u32 $0x7F, s22  }
0x6d: {  	s0 =	sshll.u32 s22, $0x3  }
0x6e: {  	s5 =	sand.u32 $0x380, s24;
	s2 =	sshrl.u32 s0, $0x7  }
0x6f: {  	s3 =	sadd.s32 $0x800, s0;
	s6 =	sadd.s32 $0x1000, s0;
	s16 =	sadd.s32 s5, s20  }
0x70: {  	s26 =	sadd.s32 $0x1800, s0;
	s12 =	sadd.s32 $0x2800, s0;
	s1 =	sand.u32 $0x78, s2  }
0x71: {  	s3 =	sshrl.u32 s3, $0x7;
	s14 =	sshrl.u32 s6, $0x7;
	s6 =	sshrl.u32 s26, $0x7  }
0x72: {  	s13 =	sshrl.u32 s12, $0x7;
	v0 =	vmov s16;
	s16 =	sand.u32 $0x3C00, s23;
	s4 =	smul.u32 $0x204, s1  }
0x73: {  	s3 =	sand.u32 $0x78, s3;
	s5 =	sand.u32 $0x78, s14;
	s6 =	sand.u32 $0x78, s6  }
0x74: {  	s14 =	sadd.s32 $0x3000, s0;
	s0 =	sadd.s32 $0x3800, s0;
	s3 =	smul.u32 $0x204, s3  }
0x75: {  	s1 =	sxor.u32 $0x40, s1;
	s5 =	smul.u32 $0x204, s5;
	s0 =	sshrl.u32 s0, $0x7  }
0x76: {  	s1 =	smul.u32 $0x204, s1;
	s4 =	sshrl.u32 s4, $0x2;
	s0 =	sand.u32 $0x78, s0  }
0x77: {  	s4 =	sadd.s32 s4, s15;
	s3 =	sshrl.u32 s3, $0x2;
	s8 =	sshrl.u32 s5, $0x2  }
0x78: {  	s1 =	sshrl.u32 s1, $0x2;
	s5 =	sshrl.u32 s14, $0x7;
	s12 =	smul.u32 $0x204, s0  }
0x79: {  	s14 =	sadd.s32 $0x20, s2;
	s3 =	sadd.s32 s3, s15;
	s26 =	sadd.s32 s25, s4  }
0x7a: {  	s4 =	sadd.s32 s8, s15;
	s1 =	sadd.s32 s1, s15;
	s27 =	sadd.s32 s25, s3  }
0x7b: {  	s3 =	smul.u32 $0x204, s6;
	s28 =	sadd.s32 s25, s4;
	s4 =	sand.u32 $0x78, s13  }
0x7c: {  	s29 =	sadd.s32 s25, s1;
	s1 =	sand.u32 $0x78, s5;
	s4 =	smul.u32 $0x204, s4  }
0x7d: {  	s8 =	sadd.s32 $0x10, s2;
	s1 =	smul.u32 $0x204, s1;
	s3 =	sshrl.u32 s3, $0x2  }
0x7e: {  	s13 =	sand.u32 $0x78, s8;
	s8 =	sand.u32 $0x78, s14;
	s3 =	sadd.s32 s3, s15  }
0x7f: {  	s6 =	sshrl.u32 s4, $0x2;
	s1 =	sshrl.u32 s1, $0x2;
	s4 =	smul.u32 $0x204, s8  }
0x80: {  	s30 =	sadd.s32 s25, s3;
	s3 =	sadd.s32 s6, s15;
	s1 =	sadd.s32 s1, s15  }
0x81: {  	s6 =	sshrl.u32 s12, $0x2;
	s12 =	sadd.s32 $0x30, s2;
	s31 =	sadd.s32 s25, s3  }
0x82: {  	s3 =	smul.u32 $0x204, s13;
	s0 =	sadd.s32 s25, s1;
	s1 =	sadd.s32 s6, s15  }
0x83: {  	s4 =	sshrl.u32 s4, $0x2;
	s5 =	sand.u32 $0x78, s12;
	s13 =	sadd.s32 $0x50, s2  }
0x84: {  	s12 =	sadd.s32 $0x60, s2;
	s5 =	smul.u32 $0x204, s5;
	s6 =	sand.u32 $0x78, s13  }
0x85: {  	s2 =	sadd.s32 $0x70, s2;
	s14 =	sand.u32 $0x78, s12;
	s13 =	smul.u32 $0x204, s6  }
0x86: {  	s2 =	sand.u32 $0x78, s2;
	s8 =	sadd.s32 s4, s15;
	s12 =	smul.u32 $0x204, s14  }
0x87: {  	v1 =	vld.idx.msk [tilespmem:v0+s16+$0x0 ss:$0x1], $0xffff;
	s3 =	sshrl.u32 s3, $0x2;
	s14 =	smul.u32 $0x204, s2;
	s5 =	sshrl.u32 s5, $0x2  }
0x88: {  	s2 =	sadd.s32 s25, s8;
	s3 =	sadd.s32 s3, s15;
	s5 =	sadd.s32 s5, s15  }
0x89: {  	s4 =	sadd.s32 s25, s3;
	s8 =	sshrl.u32 s14, $0x2;
	s6 =	sadd.s32 s25, s5  }
0x8a: {  	s5 =	sshrl.u32 s13, $0x2;
	s13 =	sshrl.u32 s12, $0x2;
	s12 =	sadd.s32 s8, s15  }
0x8b: {  	s3 =	sadd.s32 s5, s15;
	s5 =	sadd.s32 s13, s15;
	s13 =	sadd.s32 $0xFFFFFC00, s23  }
0x8c: {  	[tilespmem:s26+$0x0 ss:$0x81] =	vst.msk $0xffff, v1;
	v1 =	vld.idx.msk [tilespmem:v0+s16+$0x20 ss:$0x1], $0xffff;
	s14 =	sadd.s32 s25, s12;
	s12 =	sand.u32 $0x3C00, s13  }
0x8d: {  	v2 =	vld.idx.msk [tilespmem:v0+s12+$0x70 ss:$0x1], $0xffff  }
0x8e: {  	v3 =	vld.idx.msk [tilespmem:v0+s12+$0x0 ss:$0x1], $0xffff  }
0x8f: {  	v4 =	vld.idx.msk [tilespmem:v0+s12+$0x10 ss:$0x1], $0xffff  }
0x90: {  	v5 =	vld.idx.msk [tilespmem:v0+s12+$0x20 ss:$0x1], $0xffff  }
0x91: {  	s1 =	sadd.s32 s25, s1;
	v6 =	vld.idx.msk [tilespmem:v0+s12+$0x30 ss:$0x1], $0xffff  }
0x92: {  	v7 =	vld.idx.msk [tilespmem:v0+s12+$0x40 ss:$0x1], $0xffff;
	[tilespmem:s1+$0x0 ss:$0x81] =	vst.msk $0xffff, v2  }
0x93: {  	v8 =	vld.idx.msk [tilespmem:v0+s12+$0x50 ss:$0x1], $0xffff;
	[tilespmem:s26+$0x0 ss:$0x81] =	vst.msk $0xffff, v3  }
0x94: {  	p2 =	sgt.s32 s19, $0x100;
	v9 =	vld.idx.msk [tilespmem:v0+s12+$0x60 ss:$0x1], $0xffff;
	[tilespmem:s27+$0x0 ss:$0x81] =	vst.msk $0xffff, v4  }
.Ltmp7:
0x95: {  	v4 =	vld.idx.msk [tilespmem:v0+s16+$0x10 ss:$0x1], $0xffff;
	[tilespmem:s28+$0x0 ss:$0x81] =	vst.msk $0xffff, v5;
	(pc) =	sbr.rel @!p2 .LBB1_7-.Ltmp7, $4  }
0x96: {  	[tilespmem:s30+$0x0 ss:$0x81] =	vst.msk $0xffff, v6;
	v2 =	vld.idx.msk [tilespmem:v0+s16+$0x30 ss:$0x1], $0xffff  }
0x97: {  	[tilespmem:s29+$0x0 ss:$0x81] =	vst.msk $0xffff, v7;
	v3 =	vld.idx.msk [tilespmem:v0+s16+$0x40 ss:$0x1], $0xffff  }
0x98: {  	s3 =	sadd.s32 s25, s3;
	[tilespmem:s31+$0x0 ss:$0x81] =	vst.msk $0xffff, v8;
	v5 =	vld.idx.msk [tilespmem:v0+s16+$0x50 ss:$0x1], $0xffff  }
0x99: {  	s5 =	sadd.s32 s25, s5;
	s13 =	sadd.s32 $0x800, s23;
	s12 =	simm.s32 $0x100;
	[tilespmem:s0+$0x0 ss:$0x81] =	vst.msk $0xffff, v9;
	v6 =	vld.idx.msk [tilespmem:v0+s16+$0x60 ss:$0x1], $0xffff  }
.LBB1_6:
0x9a: {  	s8 =	sadd.s32 $0xFFFFFC00, s13;
	s12 =	sadd.s32 $0x100, s12;
	[tilespmem:s4+$0x0 ss:$0x81] =	vst.msk $0xffff, v4;
	v4 =	vld.idx.msk [tilespmem:v0+s16+$0x70 ss:$0x1], $0xffff;
	s16 =	sand.u32 $0x3C00, s13  }
0x9b: {  	s8 =	sand.u32 $0x3C00, s8;
	v7 =	vld.idx.msk [tilespmem:v0+s16+$0x0 ss:$0x1], $0xffff;
	p2 =	slt.s32 s12, s19;
	[tilespmem:s2+$0x0 ss:$0x81] =	vst.msk $0xffff, v1  }
0x9c: {  	v1 =	vld.idx.msk [tilespmem:v0+s8+$0x70 ss:$0x1], $0xffff;
	[tilespmem:s6+$0x0 ss:$0x81] =	vst.msk $0xffff, v2  }
0x9d: {  	v2 =	vld.idx.msk [tilespmem:v0+s8+$0x0 ss:$0x1], $0xffff;
	[tilespmem:s29+$0x0 ss:$0x81] =	vst.msk $0xffff, v3  }
0x9e: {  	v3 =	vld.idx.msk [tilespmem:v0+s8+$0x10 ss:$0x1], $0xffff;
	[tilespmem:s3+$0x0 ss:$0x81] =	vst.msk $0xffff, v5  }
0x9f: {  	v5 =	vld.idx.msk [tilespmem:v0+s8+$0x20 ss:$0x1], $0xffff;
	[tilespmem:s5+$0x0 ss:$0x81] =	vst.msk $0xffff, v6  }
0xa0: {  	v6 =	vld.idx.msk [tilespmem:v0+s8+$0x30 ss:$0x1], $0xffff;
	[tilespmem:s14+$0x0 ss:$0x81] =	vst.msk $0xffff, v4  }
0xa1: {  	v8 =	vld.idx.msk [tilespmem:v0+s8+$0x40 ss:$0x1], $0xffff;
	[tilespmem:s26+$0x0 ss:$0x81] =	vst.msk $0xffff, v7  }
0xa2: {  	v7 =	vld.idx.msk [tilespmem:v0+s8+$0x50 ss:$0x1], $0xffff;
	[tilespmem:s1+$0x0 ss:$0x81] =	vst.msk $0xffff, v1  }
0xa3: {  	[tilespmem:s26+$0x0 ss:$0x81] =	vst.msk $0xffff, v2;
	v9 =	vld.idx.msk [tilespmem:v0+s8+$0x60 ss:$0x1], $0xffff  }
0xa4: {  	[tilespmem:s27+$0x0 ss:$0x81] =	vst.msk $0xffff, v3;
	v4 =	vld.idx.msk [tilespmem:v0+s16+$0x10 ss:$0x1], $0xffff  }
.Ltmp8:
0xa5: {  	[tilespmem:s28+$0x0 ss:$0x81] =	vst.msk $0xffff, v5;
	v1 =	vld.idx.msk [tilespmem:v0+s16+$0x20 ss:$0x1], $0xffff;
	(pc) =	sbr.rel @p2 .LBB1_6-.Ltmp8, $4  }
0xa6: {  	[tilespmem:s30+$0x0 ss:$0x81] =	vst.msk $0xffff, v6;
	v2 =	vld.idx.msk [tilespmem:v0+s16+$0x30 ss:$0x1], $0xffff  }
0xa7: {  	[tilespmem:s29+$0x0 ss:$0x81] =	vst.msk $0xffff, v8;
	v3 =	vld.idx.msk [tilespmem:v0+s16+$0x40 ss:$0x1], $0xffff  }
0xa8: {  	[tilespmem:s31+$0x0 ss:$0x81] =	vst.msk $0xffff, v7;
	v5 =	vld.idx.msk [tilespmem:v0+s16+$0x50 ss:$0x1], $0xffff  }
0xa9: {  	s13 =	sadd.s32 $0x800, s13;
	[tilespmem:s0+$0x0 ss:$0x81] =	vst.msk $0xffff, v9;
	v6 =	vld.idx.msk [tilespmem:v0+s16+$0x60 ss:$0x1], $0xffff  }
.LBB1_7:
0xaa: {  	_ =	sdelay $0x2  }
0xab: {  	[tilespmem:s4+$0x0 ss:$0x81] =	vst.msk $0xffff, v4  }
0xac: {  	v0 =	vld.idx.msk [tilespmem:v0+s16+$0x70 ss:$0x1], $0xffff;
	[tilespmem:s2+$0x0 ss:$0x81] =	vst.msk $0xffff, v1  }
0xad: {  	[tilespmem:s6+$0x0 ss:$0x81] =	vst.msk $0xffff, v2  }
0xae: {  	[tilespmem:s29+$0x0 ss:$0x81] =	vst.msk $0xffff, v3  }
0xaf: {  	[tilespmem:s3+$0x0 ss:$0x81] =	vst.msk $0xffff, v5  }
0xb0: {  	[tilespmem:s5+$0x0 ss:$0x81] =	vst.msk $0xffff, v6  }
0xb1: {  	[tilespmem:s14+$0x0 ss:$0x81] =	vst.msk $0xffff, v0  }
.LBB1_8:
.Ltmp9:
0xb2: {  	(pc) =	sbr.rel @p1 .LBB1_11-.Ltmp9, $1  }
0xb3: {  	_ =	sdelay $0x3  }
0xb4: {  	s1 =	sand.u32 $0x380, s24;
	s0 =	sshrl.u32 s22, $0x4;
	s2 =	sadd.s32 s25, s15  }
0xb5: {  	s3 =	smov.u32 s21;
	s4 =	smov.u32 s19;
	s1 =	sadd.s32 s1, s20  }
.LBB1_10:
0xb6: {  	s5 =	sand.u32 $0x3C00, s3  }
0xb7: {  	s5 =	sadd.s32 s24, s5  }
0xb8: {  	s5 =	sand.u32 $0x3C00, s5  }
0xb9: {  	s6 =	sand.u32 $0x70, s4;
	s30 =	sadd.s32 s4, s0;
	s5 =	sadd.s32 s5, s1  }
0xba: {  	s4 =	sadd.s32 $0x10, s4;
	s31 =	sand.u32 $0x78, s30;
	s5 =	sadd.s32 s6, s5  }
0xbb: {  	p2 =	slt.s32 s4, s18;
	v0 =	vld [tilespmem:s5+$0x0];
	s5 =	smul.u32 $0x204, s31  }
.Ltmp10:
0xbc: {  	_ = 	snop;
	(pc) =	sbr.rel @p2 .LBB1_10-.Ltmp10, $4  }
0xbd: {  	_ = 	snop  }
0xbe: {  	s5 =	sshrl.u32 s5, $0x2  }
0xbf: {  	s5 =	sadd.s32 s5, s2  }
0xc0: {  	s3 =	sadd.s32 $0x80, s3;
	[tilespmem:s5+$0x0 ss:$0x81] =	vst.msk $0xffff, v0  }
.Ltmp11:
0xc1: {  	_ = 	snop;
	(pc) =	sbr.rel .LBB1_11-.Ltmp11, $1  }
0xc2: {  	_ =	sdelay $0x3  }
.LBB1_14:
0xc3: {  	_ =	sfence.sel $0x180000  }
0xc4: {  	s0 =	simm.s32 $0x1;
	[bflag:$0x0] =	sbarrier.arrive $0xFFFF  }
0xc5: {  	s30 =	simm.s32 $0x2;
	[sflag:s0] =	ssyncpa.u1 $0x1  }
0xc6: {  	[sflag:s30] =	ssyncpa.u1 $0x1  }
0xc7: {  	_ =	strace $0x9000004A  }
0xc8: {  	s31 =	stileid.u32;
	[bflag:$0x2] =	sbarrier.arrive $0xFFFF  }
0xc9: {  	p0 =	sne.s32 s31, $0x0;
	s0 =	rddreg [dreg:$0x2]  }
0xca: {  	s0 =	sadd.s32 @!p0 $0x100000, s0  }
0xcb: {  	[sflag:s0] =	ssyncadd.tile.s32 @!p0 $0x1;
	_ =	shalt  }
.Lfunc_end1:
_tile_overlayer_lowered:
.L_overlay_start_2:
0xcc: {  	(tag) =	ssettag $0x2  }
0xcd: {  	s0 =	rddreg [dreg:$0x0];
	s2 =	stileid.u32  }
0xce: {  	s1 =	rddreg [dreg:$0x1];
	p0 =	sne.s32 s2, $0x0  }
0xcf: {  	s3 =	rddreg [dreg:$0x2];
	[bflag:$0x3] =	sbarrier.arrive $0xFFFF;
	s2 =	simm.s32 @!p0 $0x1C01  }
0xd0: {  	[timem:s3], [sflag:s2] =	dma.local @!p0 [hbm:s0], s1  }
0xd1: {  	s0 =	simm.s32 @!p0 $0x1  }
0xd2: {  	_ =	swait.ge @!p0 [sflag:s0], s1  }
0xd3: {  	s1 =	ssub.s32 @!p0 $0x0, s1;
	[sflag:s0] =	ssyncset.done @!p0 $0x0  }
0xd4: {  	[sflag:s0] =	ssyncadd.s32 @!p0 s1  }
0xd5: {  	[bflag:$0x3] =	sbarrier.arrive $0xFFFF  }
0xd6: {  	_ =	shalt  }

</sc_bundles>
